<compile_context>
chip_gen: v7x
topology: tpu7x:2x2x1
jax: 0.10.2.dev20260603
libtpu: 0.0.44.dev20260713+nightly
codegen_flags: <defaults>
</compile_context>

<pallas_src>
import functools

import jax
import jax.numpy as jnp
from jax import lax
from jax.experimental import pallas as pl
from jax.experimental.pallas import tpu as pltpu
from jax.experimental.pallas import tpu_sc as plsc

NC = 2
NS = 16
NW = NC * NS
CHUNK = 128



def _make_deg_kernel(C, deg_slots):
    mesh = plsc.VectorSubcoreMesh(core_axis_name="c", subcore_axis_name="s")

    @functools.partial(
        pl.kernel,
        out_type=jax.ShapeDtypeStruct((NW * 2 * deg_slots,), jnp.float32),
        mesh=mesh,
        scratch_types=[
            pltpu.VMEM((C, CHUNK), jnp.int32),
            pltpu.VMEM((C, CHUNK), jnp.int32),
            pltpu.VMEM((deg_slots,), jnp.float32),
            pltpu.VMEM((deg_slots,), jnp.float32),
        ],
        compiler_params=pltpu.CompilerParams(needs_layout_passes=False),
    )
    def deg_kernel(src_hbm, dst_hbm, zeros_hbm, out_hbm,
                   src_v, dst_v, dego_v, degi_v):
        wid = lax.axis_index("s") * NC + lax.axis_index("c")
        pltpu.sync_copy(src_hbm.at[wid], src_v)
        pltpu.sync_copy(dst_hbm.at[wid], dst_v)
        pltpu.sync_copy(zeros_hbm, dego_v)
        pltpu.sync_copy(zeros_hbm, degi_v)
        ones = jnp.ones((16,), jnp.float32)

        @pl.loop(0, C)
        def _(r):
            for q in range(CHUNK // 16):
                s16 = src_v[r, pl.ds(q * 16, 16)]
                d16 = dst_v[r, pl.ds(q * 16, 16)]
                plsc.addupdate_scatter(dego_v, [s16], ones)
                plsc.addupdate_scatter(degi_v, [d16], ones)

        base = wid * 2 * deg_slots
        pltpu.sync_copy(dego_v, out_hbm.at[pl.ds(base, deg_slots)])
        pltpu.sync_copy(degi_v, out_hbm.at[pl.ds(base + deg_slots, deg_slots)])

    return deg_kernel


NBUF = 2


def _make_agg_cols_kernel(C, Dh, N, acc_rows):
    mesh = plsc.VectorSubcoreMesh(core_axis_name="c", subcore_axis_name="s")
    rows_pt = (N // NS) // 8 * 8
    rows_rem = N - NS * rows_pt
    zrows_pt = acc_rows // NS

    @functools.partial(
        pl.kernel,
        out_type=jax.ShapeDtypeStruct((NC, N, Dh), jnp.float32),
        mesh=mesh,
        scratch_types=[
            pltpu.VMEM((C, CHUNK), jnp.int32),
            pltpu.VMEM((C, CHUNK), jnp.int32),
            [pltpu.VMEM((CHUNK, Dh), jnp.float32) for _ in range(NBUF)],
            [pltpu.SemaphoreType.DMA for _ in range(NBUF)],
            pltpu.VMEM_SHARED((acc_rows, Dh), jnp.float32),
        ],
        compiler_params=pltpu.CompilerParams(use_tc_tiling_on_sc=False),
    )
    def agg_kernel(t2_hbm, src_hbm, dst_hbm, zeros_hbm, out_hbm,
                   src_v, dst_v, bufs, sems, acc):
        c = lax.axis_index("c")
        s = lax.axis_index("s")
        pltpu.sync_copy(src_hbm.at[c, s], src_v)
        for k in range(NBUF):
            pltpu.async_copy(t2_hbm.at[src_v.at[k]], bufs[k], sems[k])
        pltpu.sync_copy(dst_hbm.at[s], dst_v)
        pltpu.sync_copy(zeros_hbm.at[pl.ds(s * zrows_pt, zrows_pt)],
                        acc.at[pl.ds(s * zrows_pt, zrows_pt)])
        plsc.subcore_barrier()

        @pl.loop(0, C - NBUF, step=NBUF)
        def _(j):
            for k in range(NBUF):
                pltpu.make_async_copy(
                    t2_hbm.at[src_v.at[0]], bufs[k], sems[k]).wait()
                pltpu.sync_copy(bufs[k], acc.at[dst_v.at[j + k]], add=True)
                pltpu.async_copy(
                    t2_hbm.at[src_v.at[j + k + NBUF]], bufs[k], sems[k])

        for k in range(NBUF):
            pltpu.make_async_copy(
                t2_hbm.at[src_v.at[0]], bufs[k], sems[k]).wait()
            pltpu.sync_copy(bufs[k], acc.at[dst_v.at[C - NBUF + k]], add=True)

        plsc.subcore_barrier()
        pltpu.sync_copy(acc.at[pl.ds(s * rows_pt, rows_pt)],
                        out_hbm.at[c, pl.ds(s * rows_pt, rows_pt)])
        if rows_rem:
            @pl.when(s == 0)
            def _():
                pltpu.sync_copy(acc.at[pl.ds(NS * rows_pt, rows_rem)],
                                out_hbm.at[c, pl.ds(NS * rows_pt, rows_rem)])

    return agg_kernel


def _make_agg_kernel(C, D, N, acc_rows):
    mesh = plsc.VectorSubcoreMesh(core_axis_name="c", subcore_axis_name="s")
    rows_pt = (N // NS) // 8 * 8
    rows_rem = N - NS * rows_pt
    zrows_pt = acc_rows // NS

    @functools.partial(
        pl.kernel,
        out_type=jax.ShapeDtypeStruct((NC, N, D), jnp.float32),
        mesh=mesh,
        scratch_types=[
            pltpu.VMEM((C, CHUNK), jnp.int32),
            pltpu.VMEM((C, CHUNK), jnp.int32),
            [pltpu.VMEM((CHUNK, D), jnp.float32) for _ in range(NBUF)],
            [pltpu.SemaphoreType.DMA for _ in range(NBUF)],
            pltpu.VMEM_SHARED((acc_rows, D), jnp.float32),
        ],
        compiler_params=pltpu.CompilerParams(use_tc_tiling_on_sc=False),
    )
    def agg_kernel(t_hbm, src_hbm, dst_hbm, zeros_hbm, out_hbm,
                   src_v, dst_v, bufs, sems, acc):
        c = lax.axis_index("c")
        s = lax.axis_index("s")
        wid = s * NC + c
        pltpu.sync_copy(src_hbm.at[wid], src_v)
        for k in range(NBUF):
            pltpu.async_copy(t_hbm.at[src_v.at[k]], bufs[k], sems[k])
        pltpu.sync_copy(dst_hbm.at[wid], dst_v)
        pltpu.sync_copy(zeros_hbm.at[pl.ds(s * zrows_pt, zrows_pt)],
                        acc.at[pl.ds(s * zrows_pt, zrows_pt)])
        plsc.subcore_barrier()

        @pl.loop(0, C - NBUF, step=NBUF)
        def _(j):
            for k in range(NBUF):
                pltpu.make_async_copy(
                    t_hbm.at[src_v.at[0]], bufs[k], sems[k]).wait()
                pltpu.sync_copy(bufs[k], acc.at[dst_v.at[j + k]], add=True)
                pltpu.async_copy(
                    t_hbm.at[src_v.at[j + k + NBUF]], bufs[k], sems[k])

        for k in range(NBUF):
            pltpu.make_async_copy(
                t_hbm.at[src_v.at[0]], bufs[k], sems[k]).wait()
            pltpu.sync_copy(bufs[k], acc.at[dst_v.at[C - NBUF + k]], add=True)

        plsc.subcore_barrier()
        pltpu.sync_copy(acc.at[pl.ds(s * rows_pt, rows_pt)],
                        out_hbm.at[c, pl.ds(s * rows_pt, rows_pt)])
        if rows_rem:
            @pl.when(s == 0)
            def _():
                pltpu.sync_copy(acc.at[pl.ds(NS * rows_pt, rows_rem)],
                                out_hbm.at[c, pl.ds(NS * rows_pt, rows_rem)])

    return agg_kernel



def _norm_body(degp_ref, out_ref):
    d = jnp.sum(degp_ref[...], axis=0, keepdims=True) + 1.0
    out_ref[...] = lax.rsqrt(d)


def _l1_body(f_ref, no_ref, w_ref, out_ref, tab_ref):
    x = f_ref[...] * no_ref[...]
    t = jnp.dot(x, w_ref[...], preferred_element_type=jnp.float32)
    out_ref[...] = t
    h = t.shape[1]
    tab_ref[0] = t[:, : h // 2]
    tab_ref[1] = t[:, h // 2:]


def _mid_body(p_ref, t_ref, ni_ref, no_ref, b_ref, w_ref, out_ref,
              tab_ref=None):
    agg = jnp.concatenate([p_ref[0], p_ref[1]], axis=-1)
    x = (agg + t_ref[...]) * ni_ref[...] + b_ref[...]
    x = jnp.maximum(x, 0.0) * no_ref[...]
    t = jnp.dot(x, w_ref[...], preferred_element_type=jnp.float32)
    out_ref[...] = t
    if tab_ref is not None:
        h = t.shape[1]
        tab_ref[0] = t[:, : h // 2]
        tab_ref[1] = t[:, h // 2:]


def _fin_body(p_ref, t_ref, ni_ref, b_ref, out_ref):
    x = (p_ref[0] + p_ref[1] + t_ref[...]) * ni_ref[...] + b_ref[...]
    out_ref[...] = jax.nn.sigmoid(x) + 1e-8


def _norm_call(degp):
    nw, m = degp.shape
    return pl.pallas_call(
        _norm_body,
        out_shape=jax.ShapeDtypeStruct((1, m), jnp.float32),
    )(degp)


def _l1_call(features, n_out, W, rows, slots):
    n, f = features.shape
    h = W.shape[1]
    grid = (n // rows,)
    return pl.pallas_call(
        _l1_body,
        grid=grid,
        in_specs=[
            pl.BlockSpec((rows, f), lambda i: (i, 0)),
            pl.BlockSpec((rows, 1), lambda i: (i, 0)),
            pl.BlockSpec((f, h), lambda i: (0, 0)),
        ],
        out_specs=[
            pl.BlockSpec((rows, h), lambda i: (i, 0)),
            pl.BlockSpec((2, rows, h // 2), lambda i: (0, i, 0)),
        ],
        out_shape=[
            jax.ShapeDtypeStruct((n, h), jnp.float32),
            jax.ShapeDtypeStruct((2, slots, h // 2), jnp.float32),
        ],
    )(features, n_out, W)


def _mid_call(p, t, n_in, n_out, b, W, rows, slots=None):
    n, d = t.shape
    do = W.shape[1]
    grid = (n // rows,)
    out_specs = [pl.BlockSpec((rows, do), lambda i: (i, 0))]
    out_shape = [jax.ShapeDtypeStruct((n, do), jnp.float32)]
    if slots is not None:
        out_specs.append(pl.BlockSpec((2, rows, do // 2), lambda i: (0, i, 0)))
        out_shape.append(jax.ShapeDtypeStruct((2, slots, do // 2), jnp.float32))
    res = pl.pallas_call(
        _mid_body,
        grid=grid,
        in_specs=[
            pl.BlockSpec((NC, rows, d // 2), lambda i: (0, i, 0)),
            pl.BlockSpec((rows, d), lambda i: (i, 0)),
            pl.BlockSpec((rows, 1), lambda i: (i, 0)),
            pl.BlockSpec((rows, 1), lambda i: (i, 0)),
            pl.BlockSpec((1, d), lambda i: (0, 0)),
            pl.BlockSpec((d, do), lambda i: (0, 0)),
        ],
        out_specs=out_specs,
        out_shape=out_shape,
    )(p, t, n_in, n_out, b, W)
    return res if slots is not None else res[0]


def _fin_call(p, t, n_in, b, rows):
    n, d = t.shape
    grid = (n // rows,)
    return pl.pallas_call(
        _fin_body,
        grid=grid,
        in_specs=[
            pl.BlockSpec((NC, rows, d), lambda i: (0, i, 0)),
            pl.BlockSpec((rows, d), lambda i: (i, 0)),
            pl.BlockSpec((rows, 1), lambda i: (i, 0)),
            pl.BlockSpec((1, d), lambda i: (0, 0)),
        ],
        out_specs=pl.BlockSpec((rows, d), lambda i: (i, 0)),
        out_shape=jax.ShapeDtypeStruct((n, d), jnp.float32),
    )(p, t, n_in, b)



@jax.jit
def kernel(features, edge_index, W1, b1, W2, b2, W3, b3):
    N, F = features.shape
    E = edge_index.shape[1]
    H = W1.shape[1]
    O = W3.shape[1]

    C = -(-E // (NW * CHUNK))
    C = -(-C // NBUF) * NBUF
    epad = NW * C * CHUNK - E
    slots = (N + CHUNK) // CHUNK * CHUNK
    acc_rows = slots
    deg_slots = slots
    rows = 2000

    padn = jnp.full((epad,), N, jnp.int32)
    pad0 = jnp.zeros((epad,), jnp.int32)
    src_p = jnp.concatenate([edge_index[0], padn]).reshape(NW, C, CHUNK)
    dst_p = jnp.concatenate([edge_index[1], padn]).reshape(NW, C, CHUNK)
    src_pa = jnp.concatenate([edge_index[0], pad0]).reshape(NW, C, CHUNK)

    C2 = -(-E // (NS * CHUNK))
    C2 = -(-C2 // NBUF) * NBUF
    epad2 = NS * C2 * CHUNK - E
    src_p2 = jnp.concatenate(
        [edge_index[0], jnp.zeros((epad2,), jnp.int32)]).reshape(NS, C2, CHUNK)
    dst_p2 = jnp.concatenate(
        [edge_index[1], jnp.full((epad2,), N, jnp.int32)]).reshape(NS, C2, CHUNK)
    src_pc = jnp.stack([src_p2, src_p2 + slots])

    Dh = H // 2
    z_deg = jnp.zeros((deg_slots,), jnp.float32)
    z_acc_h = jnp.zeros((acc_rows, Dh), jnp.float32)
    z_acc_o = jnp.zeros((acc_rows, O), jnp.float32)

    deg_k = _make_deg_kernel(C, deg_slots)
    agg_h = _make_agg_cols_kernel(C2, Dh, N, acc_rows)
    agg_o = _make_agg_kernel(C, O, N, acc_rows)

    degp = deg_k(src_p, dst_p, z_deg)
    norms = _norm_call(degp.reshape(NW, 2 * deg_slots))
    norms = norms.reshape(2, deg_slots)
    n_out = norms[0, :N].reshape(N, 1)
    n_in = norms[1, :N].reshape(N, 1)

    t1, tb1 = _l1_call(features, n_out, W1, rows, slots)
    p1 = agg_h(tb1.reshape(2 * slots, Dh), src_pc, dst_p2, z_acc_h)
    t2, tb2 = _mid_call(p1, t1, n_in, n_out, b1.reshape(1, H), W2, rows, slots)
    p2 = agg_h(tb2.reshape(2 * slots, Dh), src_pc, dst_p2, z_acc_h)
    t3 = _mid_call(p2, t2, n_in, n_out, b2.reshape(1, H), W3, rows)
    p3 = agg_o(t3, src_pa, dst_p, z_acc_o)
    return _fin_call(p3, t3, n_in, b3.reshape(1, O), rows)

# --- scband reference (transcript-rebuilt; emitter-appended) ---
"""Pipeline reference for scband-gcn-86827058856415 (READ-ONLY COPY).

The authoritative reference and input builder live on the scoring server;
editing this copy changes nothing except your own understanding.
"""

import jax, jax.numpy as jnp
import numpy as np

N = 10000
E = 320000
IN_FEATS = 128
N_HIDDEN = 128
N_CLASSES = 16


def _glorot(key, shape):
    fan_in, fan_out = shape[0], shape[1]
    limit = np.sqrt(6.0 / (fan_in + fan_out))
    return jax.random.uniform(key, shape, jnp.float32, -limit, limit)


def setup_inputs(seed: int = 0) -> dict:
    key = jax.random.key(seed)
    ks = jax.random.split(key, 8)
    features = jax.random.normal(ks[0], (N, IN_FEATS), dtype=jnp.float32)
    edge_index = jax.random.randint(ks[1], (2, E), 0, N, dtype=jnp.int32)
    W1 = _glorot(ks[2], (IN_FEATS, N_HIDDEN))
    b1 = jnp.zeros((N_HIDDEN,), jnp.float32)
    W2 = _glorot(ks[3], (N_HIDDEN, N_HIDDEN))
    b2 = jnp.zeros((N_HIDDEN,), jnp.float32)
    W3 = _glorot(ks[4], (N_HIDDEN, N_CLASSES))
    b3 = jnp.zeros((N_CLASSES,), jnp.float32)
    return {"features": features, "edge_index": edge_index,
            "W1": W1, "b1": b1, "W2": W2, "b2": b2, "W3": W3, "b3": b3}


def _positive_safe_sigmoid(x):
    return jax.nn.sigmoid(x) + 1e-08


def _graph_conv(h, src, dst, norm_out, norm_in, W, b, act):
    # DGL GraphConv with norm='both': scale by out-deg^-1/2 on src side,
    # sum-aggregate to dst, scale by in-deg^-1/2, add bias, activation.
    h = h * norm_out[:, None]
    h = h @ W  # linear before/after aggregation is mathematically identical
    agg = jnp.zeros((N, W.shape[1]), h.dtype).at[dst].add(h[src])
    agg = agg * norm_in[:, None]
    return act(agg + b)


def reference(features, edge_index, W1, b1, W2, b2, W3, b3):
    # dgl.add_self_loop: append one self-loop edge per node
    loop = jnp.arange(N, dtype=edge_index.dtype)
    src = jnp.concatenate([edge_index[0], loop])
    dst = jnp.concatenate([edge_index[1], loop])
    ones = jnp.ones((src.shape[0],), jnp.float32)
    deg_out = jnp.zeros((N,), jnp.float32).at[src].add(ones)
    deg_in = jnp.zeros((N,), jnp.float32).at[dst].add(ones)
    norm_out = jnp.where(deg_out > 0, deg_out ** -0.5, 0.0)
    norm_in = jnp.where(deg_in > 0, deg_in ** -0.5, 0.0)

    h = features.astype(jnp.float32)
    h = _graph_conv(h, src, dst, norm_out, norm_in, W1, b1, jax.nn.relu)
    h = _graph_conv(h, src, dst, norm_out, norm_in, W2, b2, jax.nn.relu)
    h = _graph_conv(h, src, dst, norm_out, norm_in, W3, b3, _positive_safe_sigmoid)
    return h


if False:  # reference __main__ guard neutralized (emitter)
    out = reference(**setup_inputs())
    print(out.shape, out.dtype)

if __name__ == "__main__":
    import jax
    _d = setup_inputs()
    print(jax.jit(kernel)(*tuple(_d.values())))

</pallas_src>

<mosaic_0001>
#map = affine_map<(d0, d1) -> (0, 0, 0)>
#map1 = affine_map<(d0, d1) -> (0)>
module attributes {stable_mosaic.version = 14 : i64} {
  func.func @deg_kernel(%arg0: i32, %arg1: i32, %arg2: memref<32x80x128xi32, #tpu.memory_space<hbm>>, %arg3: memref<32x80x128xi32, #tpu.memory_space<hbm>>, %arg4: memref<10112xf32, #tpu.memory_space<hbm>>, %arg5: memref<647168xf32, #tpu.memory_space<hbm>>, %arg6: memref<80x128xi32, #tpu.memory_space<vmem>>, %arg7: memref<80x128xi32, #tpu.memory_space<vmem>>, %arg8: memref<10112xf32, #tpu.memory_space<vmem>>, %arg9: memref<10112xf32, #tpu.memory_space<vmem>>) attributes {dimension_semantics = [#tpu.dimension_semantics<core_parallel>, #tpu.dimension_semantics<subcore_parallel>], iteration_bounds = array<i64: 2, 16>, scalar_prefetch = 0 : i64, scratch_operands = 4 : i64, tpu.core_type = #tpu.core_type<sc_vector_subcore>, window_params = [{transform_indices = #map}, {transform_indices = #map}, {transform_indices = #map1}, {transform_indices = #map1}]} {
    %mul3A = arith.constant 2 : i32
    %mul3A_0 = arith.muli %arg1, %mul3A : i32
    %add3A = arith.addi %mul3A_0, %arg0 : i32
    "tpu.region"() ({
      %run_scoped3A = tpu.sem_alloc : memref<!tpu.dma_semaphore, #tpu.memory_space<semaphore_mem>>
      %dma_start3A = arith.constant 0 : i32
      %dma_start3A_12 = arith.constant 0 : i32
      %dma_start3A_13 = tpu.memref_slice %arg2[%add3A, %dma_start3A, %dma_start3A_12] : memref<32x80x128xi32, #tpu.memory_space<hbm>> -> memref<1x80x128xi32, #tpu.memory_space<hbm>>
      %dma_start3A_14 = tpu.memref_squeeze %dma_start3A_13 : memref<1x80x128xi32, #tpu.memory_space<hbm>> -> memref<80x128xi32, #tpu.memory_space<hbm>>
      %dma_start3A_15 = arith.constant 0 : i32
      %dma_start3A_16 = arith.constant 0 : i32
      %dma_start3A_17 = tpu.memref_slice %arg2[%add3A, %dma_start3A_15, %dma_start3A_16] : memref<32x80x128xi32, #tpu.memory_space<hbm>> -> memref<1x80x128xi32, #tpu.memory_space<hbm>>
      %dma_start3A_18 = tpu.memref_squeeze %dma_start3A_17 : memref<1x80x128xi32, #tpu.memory_space<hbm>> -> memref<80x128xi32, #tpu.memory_space<hbm>>
      tpu.enqueue_dma source(%dma_start3A_18 : memref<80x128xi32, #tpu.memory_space<hbm>>) target(%arg6 : memref<80x128xi32, #tpu.memory_space<vmem>>) target_semaphore(%run_scoped3A : memref<!tpu.dma_semaphore, #tpu.memory_space<semaphore_mem>>)
      %dma_wait3A = arith.constant 0 : i32
      %dma_wait3A_19 = arith.constant 0 : i32
      %dma_wait3A_20 = tpu.memref_slice %arg2[%add3A, %dma_wait3A, %dma_wait3A_19] : memref<32x80x128xi32, #tpu.memory_space<hbm>> -> memref<1x80x128xi32, #tpu.memory_space<hbm>>
      %dma_wait3A_21 = tpu.memref_squeeze %dma_wait3A_20 : memref<1x80x128xi32, #tpu.memory_space<hbm>> -> memref<80x128xi32, #tpu.memory_space<hbm>>
      %dma_wait3A_22 = arith.constant 0 : i32
      %dma_wait3A_23 = arith.constant 0 : i32
      %dma_wait3A_24 = tpu.memref_slice %arg2[%add3A, %dma_wait3A_22, %dma_wait3A_23] : memref<32x80x128xi32, #tpu.memory_space<hbm>> -> memref<1x80x128xi32, #tpu.memory_space<hbm>>
      %dma_wait3A_25 = tpu.memref_squeeze %dma_wait3A_24 : memref<1x80x128xi32, #tpu.memory_space<hbm>> -> memref<80x128xi32, #tpu.memory_space<hbm>>
      tpu.wait_dma2 semaphore(%run_scoped3A : memref<!tpu.dma_semaphore, #tpu.memory_space<semaphore_mem>>) src(%dma_wait3A_25 : memref<80x128xi32, #tpu.memory_space<hbm>>) dst(%arg6 : memref<80x128xi32, #tpu.memory_space<vmem>>)
      tpu.yield
    }) : () -> ()
    "tpu.region"() ({
      %run_scoped3A = tpu.sem_alloc : memref<!tpu.dma_semaphore, #tpu.memory_space<semaphore_mem>>
      %dma_start3A = arith.constant 0 : i32
      %dma_start3A_12 = arith.constant 0 : i32
      %dma_start3A_13 = tpu.memref_slice %arg3[%add3A, %dma_start3A, %dma_start3A_12] : memref<32x80x128xi32, #tpu.memory_space<hbm>> -> memref<1x80x128xi32, #tpu.memory_space<hbm>>
      %dma_start3A_14 = tpu.memref_squeeze %dma_start3A_13 : memref<1x80x128xi32, #tpu.memory_space<hbm>> -> memref<80x128xi32, #tpu.memory_space<hbm>>
      %dma_start3A_15 = arith.constant 0 : i32
      %dma_start3A_16 = arith.constant 0 : i32
      %dma_start3A_17 = tpu.memref_slice %arg3[%add3A, %dma_start3A_15, %dma_start3A_16] : memref<32x80x128xi32, #tpu.memory_space<hbm>> -> memref<1x80x128xi32, #tpu.memory_space<hbm>>
      %dma_start3A_18 = tpu.memref_squeeze %dma_start3A_17 : memref<1x80x128xi32, #tpu.memory_space<hbm>> -> memref<80x128xi32, #tpu.memory_space<hbm>>
      tpu.enqueue_dma source(%dma_start3A_18 : memref<80x128xi32, #tpu.memory_space<hbm>>) target(%arg7 : memref<80x128xi32, #tpu.memory_space<vmem>>) target_semaphore(%run_scoped3A : memref<!tpu.dma_semaphore, #tpu.memory_space<semaphore_mem>>)
      %dma_wait3A = arith.constant 0 : i32
      %dma_wait3A_19 = arith.constant 0 : i32
      %dma_wait3A_20 = tpu.memref_slice %arg3[%add3A, %dma_wait3A, %dma_wait3A_19] : memref<32x80x128xi32, #tpu.memory_space<hbm>> -> memref<1x80x128xi32, #tpu.memory_space<hbm>>
      %dma_wait3A_21 = tpu.memref_squeeze %dma_wait3A_20 : memref<1x80x128xi32, #tpu.memory_space<hbm>> -> memref<80x128xi32, #tpu.memory_space<hbm>>
      %dma_wait3A_22 = arith.constant 0 : i32
      %dma_wait3A_23 = arith.constant 0 : i32
      %dma_wait3A_24 = tpu.memref_slice %arg3[%add3A, %dma_wait3A_22, %dma_wait3A_23] : memref<32x80x128xi32, #tpu.memory_space<hbm>> -> memref<1x80x128xi32, #tpu.memory_space<hbm>>
      %dma_wait3A_25 = tpu.memref_squeeze %dma_wait3A_24 : memref<1x80x128xi32, #tpu.memory_space<hbm>> -> memref<80x128xi32, #tpu.memory_space<hbm>>
      tpu.wait_dma2 semaphore(%run_scoped3A : memref<!tpu.dma_semaphore, #tpu.memory_space<semaphore_mem>>) src(%dma_wait3A_25 : memref<80x128xi32, #tpu.memory_space<hbm>>) dst(%arg7 : memref<80x128xi32, #tpu.memory_space<vmem>>)
      tpu.yield
    }) : () -> ()
    "tpu.region"() ({
      %run_scoped3A = tpu.sem_alloc : memref<!tpu.dma_semaphore, #tpu.memory_space<semaphore_mem>>
      tpu.enqueue_dma source(%arg4 : memref<10112xf32, #tpu.memory_space<hbm>>) target(%arg8 : memref<10112xf32, #tpu.memory_space<vmem>>) target_semaphore(%run_scoped3A : memref<!tpu.dma_semaphore, #tpu.memory_space<semaphore_mem>>)
      tpu.wait_dma2 semaphore(%run_scoped3A : memref<!tpu.dma_semaphore, #tpu.memory_space<semaphore_mem>>) src(%arg4 : memref<10112xf32, #tpu.memory_space<hbm>>) dst(%arg8 : memref<10112xf32, #tpu.memory_space<vmem>>)
      tpu.yield
    }) : () -> ()
    "tpu.region"() ({
      %run_scoped3A = tpu.sem_alloc : memref<!tpu.dma_semaphore, #tpu.memory_space<semaphore_mem>>
      tpu.enqueue_dma source(%arg4 : memref<10112xf32, #tpu.memory_space<hbm>>) target(%arg9 : memref<10112xf32, #tpu.memory_space<vmem>>) target_semaphore(%run_scoped3A : memref<!tpu.dma_semaphore, #tpu.memory_space<semaphore_mem>>)
      tpu.wait_dma2 semaphore(%run_scoped3A : memref<!tpu.dma_semaphore, #tpu.memory_space<semaphore_mem>>) src(%arg4 : memref<10112xf32, #tpu.memory_space<hbm>>) dst(%arg9 : memref<10112xf32, #tpu.memory_space<vmem>>)
      tpu.yield
    }) : () -> ()
    %broadcast_in_dim3A = arith.constant 1.000000e+00 : f32
    %broadcast_in_dim3A_1 = vector.broadcast %broadcast_in_dim3A : f32 to vector<16xf32>
    %scan3A = arith.constant 0 : i32
    %scan3A_2 = arith.constant 80 : i32
    %scan3A_3 = arith.addi %scan3A, %scan3A_2 : i32
    %scan3A_4 = arith.constant 1 : i32
    scf.for %scan3A_12 = %scan3A to %scan3A_3 step %scan3A_4  : i32 {
      %mul3A_13 = arith.constant 1 : i32
      %mul3A_14 = arith.muli %scan3A_12, %mul3A_13 : i32
      %add3A_15 = arith.constant 0 : i32
      %add3A_16 = arith.addi %add3A_15, %mul3A_14 : i32
      %get3A = arith.index_cast %add3A_16 : i32 to index
      %get3A_17 = arith.constant 0 : index
      %get3A_18 = tpu.vector_load %arg6[%get3A, %get3A_17] {strides = array<i32>} : memref<80x128xi32, #tpu.memory_space<vmem>>, vector<16xi32>,
      %get3A_19 = arith.index_cast %add3A_16 : i32 to index
      %get3A_20 = arith.constant 0 : index
      %get3A_21 = tpu.vector_load %arg7[%get3A_19, %get3A_20] {strides = array<i32>} : memref<80x128xi32, #tpu.memory_space<vmem>>, vector<16xi32>,
      tpu.vector_store_idx %arg8[%get3A_18], %broadcast_in_dim3A_1 {add = true} : memref<10112xf32, #tpu.memory_space<vmem>>[vector<16xi32>], vector<16xf32>,
      tpu.vector_store_idx %arg9[%get3A_21], %broadcast_in_dim3A_1 {add = true} : memref<10112xf32, #tpu.memory_space<vmem>>[vector<16xi32>], vector<16xf32>,
      %get3A_22 = arith.index_cast %add3A_16 : i32 to index
      %get3A_23 = arith.constant 16 : index
      %get3A_24 = tpu.vector_load %arg6[%get3A_22, %get3A_23] {strides = array<i32>} : memref<80x128xi32, #tpu.memory_space<vmem>>, vector<16xi32>,
      %get3A_25 = arith.index_cast %add3A_16 : i32 to index
      %get3A_26 = arith.constant 16 : index
      %get3A_27 = tpu.vector_load %arg7[%get3A_25, %get3A_26] {strides = array<i32>} : memref<80x128xi32, #tpu.memory_space<vmem>>, vector<16xi32>,
      tpu.vector_store_idx %arg8[%get3A_24], %broadcast_in_dim3A_1 {add = true} : memref<10112xf32, #tpu.memory_space<vmem>>[vector<16xi32>], vector<16xf32>,
      tpu.vector_store_idx %arg9[%get3A_27], %broadcast_in_dim3A_1 {add = true} : memref<10112xf32, #tpu.memory_space<vmem>>[vector<16xi32>], vector<16xf32>,
      %get3A_28 = arith.index_cast %add3A_16 : i32 to index
      %get3A_29 = arith.constant 32 : index
      %get3A_30 = tpu.vector_load %arg6[%get3A_28, %get3A_29] {strides = array<i32>} : memref<80x128xi32, #tpu.memory_space<vmem>>, vector<16xi32>,
      %get3A_31 = arith.index_cast %add3A_16 : i32 to index
      %get3A_32 = arith.constant 32 : index
      %get3A_33 = tpu.vector_load %arg7[%get3A_31, %get3A_32] {strides = array<i32>} : memref<80x128xi32, #tpu.memory_space<vmem>>, vector<16xi32>,
      tpu.vector_store_idx %arg8[%get3A_30], %broadcast_in_dim3A_1 {add = true} : memref<10112xf32, #tpu.memory_space<vmem>>[vector<16xi32>], vector<16xf32>,
      tpu.vector_store_idx %arg9[%get3A_33], %broadcast_in_dim3A_1 {add = true} : memref<10112xf32, #tpu.memory_space<vmem>>[vector<16xi32>], vector<16xf32>,
      %get3A_34 = arith.index_cast %add3A_16 : i32 to index
      %get3A_35 = arith.constant 48 : index
      %get3A_36 = tpu.vector_load %arg6[%get3A_34, %get3A_35] {strides = array<i32>} : memref<80x128xi32, #tpu.memory_space<vmem>>, vector<16xi32>,
      %get3A_37 = arith.index_cast %add3A_16 : i32 to index
      %get3A_38 = arith.constant 48 : index
      %get3A_39 = tpu.vector_load %arg7[%get3A_37, %get3A_38] {strides = array<i32>} : memref<80x128xi32, #tpu.memory_space<vmem>>, vector<16xi32>,
      tpu.vector_store_idx %arg8[%get3A_36], %broadcast_in_dim3A_1 {add = true} : memref<10112xf32, #tpu.memory_space<vmem>>[vector<16xi32>], vector<16xf32>,
      tpu.vector_store_idx %arg9[%get3A_39], %broadcast_in_dim3A_1 {add = true} : memref<10112xf32, #tpu.memory_space<vmem>>[vector<16xi32>], vector<16xf32>,
      %get3A_40 = arith.index_cast %add3A_16 : i32 to index
      %get3A_41 = arith.constant 64 : index
      %get3A_42 = tpu.vector_load %arg6[%get3A_40, %get3A_41] {strides = array<i32>} : memref<80x128xi32, #tpu.memory_space<vmem>>, vector<16xi32>,
      %get3A_43 = arith.index_cast %add3A_16 : i32 to index
      %get3A_44 = arith.constant 64 : index
      %get3A_45 = tpu.vector_load %arg7[%get3A_43, %get3A_44] {strides = array<i32>} : memref<80x128xi32, #tpu.memory_space<vmem>>, vector<16xi32>,
      tpu.vector_store_idx %arg8[%get3A_42], %broadcast_in_dim3A_1 {add = true} : memref<10112xf32, #tpu.memory_space<vmem>>[vector<16xi32>], vector<16xf32>,
      tpu.vector_store_idx %arg9[%get3A_45], %broadcast_in_dim3A_1 {add = true} : memref<10112xf32, #tpu.memory_space<vmem>>[vector<16xi32>], vector<16xf32>,
      %get3A_46 = arith.index_cast %add3A_16 : i32 to index
      %get3A_47 = arith.constant 80 : index
      %get3A_48 = tpu.vector_load %arg6[%get3A_46, %get3A_47] {strides = array<i32>} : memref<80x128xi32, #tpu.memory_space<vmem>>, vector<16xi32>,
      %get3A_49 = arith.index_cast %add3A_16 : i32 to index
      %get3A_50 = arith.constant 80 : index
      %get3A_51 = tpu.vector_load %arg7[%get3A_49, %get3A_50] {strides = array<i32>} : memref<80x128xi32, #tpu.memory_space<vmem>>, vector<16xi32>,
      tpu.vector_store_idx %arg8[%get3A_48], %broadcast_in_dim3A_1 {add = true} : memref<10112xf32, #tpu.memory_space<vmem>>[vector<16xi32>], vector<16xf32>,
      tpu.vector_store_idx %arg9[%get3A_51], %broadcast_in_dim3A_1 {add = true} : memref<10112xf32, #tpu.memory_space<vmem>>[vector<16xi32>], vector<16xf32>,
      %get3A_52 = arith.index_cast %add3A_16 : i32 to index
      %get3A_53 = arith.constant 96 : index
      %get3A_54 = tpu.vector_load %arg6[%get3A_52, %get3A_53] {strides = array<i32>} : memref<80x128xi32, #tpu.memory_space<vmem>>, vector<16xi32>,
      %get3A_55 = arith.index_cast %add3A_16 : i32 to index
      %get3A_56 = arith.constant 96 : index
      %get3A_57 = tpu.vector_load %arg7[%get3A_55, %get3A_56] {strides = array<i32>} : memref<80x128xi32, #tpu.memory_space<vmem>>, vector<16xi32>,
      tpu.vector_store_idx %arg8[%get3A_54], %broadcast_in_dim3A_1 {add = true} : memref<10112xf32, #tpu.memory_space<vmem>>[vector<16xi32>], vector<16xf32>,
      tpu.vector_store_idx %arg9[%get3A_57], %broadcast_in_dim3A_1 {add = true} : memref<10112xf32, #tpu.memory_space<vmem>>[vector<16xi32>], vector<16xf32>,
      %get3A_58 = arith.index_cast %add3A_16 : i32 to index
      %get3A_59 = arith.constant 112 : index
      %get3A_60 = tpu.vector_load %arg6[%get3A_58, %get3A_59] {strides = array<i32>} : memref<80x128xi32, #tpu.memory_space<vmem>>, vector<16xi32>,
      %get3A_61 = arith.index_cast %add3A_16 : i32 to index
      %get3A_62 = arith.constant 112 : index
      %get3A_63 = tpu.vector_load %arg7[%get3A_61, %get3A_62] {strides = array<i32>} : memref<80x128xi32, #tpu.memory_space<vmem>>, vector<16xi32>,
      tpu.vector_store_idx %arg8[%get3A_60], %broadcast_in_dim3A_1 {add = true} : memref<10112xf32, #tpu.memory_space<vmem>>[vector<16xi32>], vector<16xf32>,
      tpu.vector_store_idx %arg9[%get3A_63], %broadcast_in_dim3A_1 {add = true} : memref<10112xf32, #tpu.memory_space<vmem>>[vector<16xi32>], vector<16xf32>,
    }
    %scan3A_5 = arith.constant 80 : i32
    %mul3A_6 = arith.constant 2 : i32
    %mul3A_7 = arith.muli %add3A, %mul3A_6 : i32
    %mul3A_8 = arith.constant 10112 : i32
    %mul3A_9 = arith.muli %mul3A_7, %mul3A_8 : i32
    "tpu.region"() ({
      %run_scoped3A = tpu.sem_alloc : memref<!tpu.dma_semaphore, #tpu.memory_space<semaphore_mem>>
      %dma_start3A = tpu.memref_slice %arg5[%mul3A_9] : memref<647168xf32, #tpu.memory_space<hbm>> -> memref<10112xf32, #tpu.memory_space<hbm>>
      %dma_start3A_12 = tpu.memref_slice %arg5[%mul3A_9] : memref<647168xf32, #tpu.memory_space<hbm>> -> memref<10112xf32, #tpu.memory_space<hbm>>
      tpu.enqueue_dma source(%arg8 : memref<10112xf32, #tpu.memory_space<vmem>>) target(%dma_start3A_12 : memref<10112xf32, #tpu.memory_space<hbm>>) target_semaphore(%run_scoped3A : memref<!tpu.dma_semaphore, #tpu.memory_space<semaphore_mem>>)
      %dma_wait3A = tpu.memref_slice %arg5[%mul3A_9] : memref<647168xf32, #tpu.memory_space<hbm>> -> memref<10112xf32, #tpu.memory_space<hbm>>
      %dma_wait3A_13 = tpu.memref_slice %arg5[%mul3A_9] : memref<647168xf32, #tpu.memory_space<hbm>> -> memref<10112xf32, #tpu.memory_space<hbm>>
      tpu.wait_dma2 semaphore(%run_scoped3A : memref<!tpu.dma_semaphore, #tpu.memory_space<semaphore_mem>>) src(%arg8 : memref<10112xf32, #tpu.memory_space<vmem>>) dst(%dma_wait3A_13 : memref<10112xf32, #tpu.memory_space<hbm>>)
      tpu.yield
    }) : () -> ()
    %add3A_10 = arith.constant 10112 : i32
    %add3A_11 = arith.addi %mul3A_9, %add3A_10 : i32
    "tpu.region"() ({
      %run_scoped3A = tpu.sem_alloc : memref<!tpu.dma_semaphore, #tpu.memory_space<semaphore_mem>>
      %dma_start3A = tpu.memref_slice %arg5[%add3A_11] : memref<647168xf32, #tpu.memory_space<hbm>> -> memref<10112xf32, #tpu.memory_space<hbm>>
      %dma_start3A_12 = tpu.memref_slice %arg5[%add3A_11] : memref<647168xf32, #tpu.memory_space<hbm>> -> memref<10112xf32, #tpu.memory_space<hbm>>
      tpu.enqueue_dma source(%arg9 : memref<10112xf32, #tpu.memory_space<vmem>>) target(%dma_start3A_12 : memref<10112xf32, #tpu.memory_space<hbm>>) target_semaphore(%run_scoped3A : memref<!tpu.dma_semaphore, #tpu.memory_space<semaphore_mem>>)
      %dma_wait3A = tpu.memref_slice %arg5[%add3A_11] : memref<647168xf32, #tpu.memory_space<hbm>> -> memref<10112xf32, #tpu.memory_space<hbm>>
      %dma_wait3A_13 = tpu.memref_slice %arg5[%add3A_11] : memref<647168xf32, #tpu.memory_space<hbm>> -> memref<10112xf32, #tpu.memory_space<hbm>>
      tpu.wait_dma2 semaphore(%run_scoped3A : memref<!tpu.dma_semaphore, #tpu.memory_space<semaphore_mem>>) src(%arg9 : memref<10112xf32, #tpu.memory_space<vmem>>) dst(%dma_wait3A_13 : memref<10112xf32, #tpu.memory_space<hbm>>)
      tpu.yield
    }) : () -> ()
    return
  }
}

#map = affine_map<(d0, d1) -> (0, 0)>
#map1 = affine_map<(d0, d1) -> (0, 0, 0)>
module attributes {stable_mosaic.version = 14 : i64} {
  func.func @agg_kernel(%arg0: i32, %arg1: i32, %arg2: memref<10000x16xf32, #tpu.memory_space<hbm>>, %arg3: memref<32x80x128xi32, #tpu.memory_space<hbm>>, %arg4: memref<32x80x128xi32, #tpu.memory_space<hbm>>, %arg5: memref<10112x16xf32, #tpu.memory_space<hbm>>, %arg6: memref<2x10000x16xf32, #tpu.memory_space<hbm>>, %arg7: memref<80x128xi32, #tpu.memory_space<vmem>>, %arg8: memref<80x128xi32, #tpu.memory_space<vmem>>, %arg9: memref<128x16xf32, #tpu.memory_space<vmem>>, %arg10: memref<128x16xf32, #tpu.memory_space<vmem>>, %arg11: memref<!tpu.dma_semaphore, #tpu.memory_space<semaphore_mem>>, %arg12: memref<!tpu.dma_semaphore, #tpu.memory_space<semaphore_mem>>, %arg13: memref<10112x16xf32, #tpu.memory_space<vmem_shared>>) attributes {dimension_semantics = [#tpu.dimension_semantics<core_parallel>, #tpu.dimension_semantics<subcore_parallel>], iteration_bounds = array<i64: 2, 16>, scalar_prefetch = 0 : i64, scratch_operands = 7 : i64, tpu.core_type = #tpu.core_type<sc_vector_subcore>, window_params = [{transform_indices = #map}, {transform_indices = #map1}, {transform_indices = #map1}, {transform_indices = #map}, {transform_indices = #map1}]} {
    %mul3A = arith.constant 2 : i32
    %mul3A_0 = arith.muli %arg1, %mul3A : i32
    %add3A = arith.addi %mul3A_0, %arg0 : i32
    "tpu.region"() ({
      %run_scoped3A_43 = tpu.sem_alloc : memref<!tpu.dma_semaphore, #tpu.memory_space<semaphore_mem>>
      %dma_start3A_44 = arith.constant 0 : i32
      %dma_start3A_45 = arith.constant 0 : i32
      %dma_start3A_46 = tpu.memref_slice %arg3[%add3A, %dma_start3A_44, %dma_start3A_45] : memref<32x80x128xi32, #tpu.memory_space<hbm>> -> memref<1x80x128xi32, #tpu.memory_space<hbm>>
      %dma_start3A_47 = tpu.memref_squeeze %dma_start3A_46 : memref<1x80x128xi32, #tpu.memory_space<hbm>> -> memref<80x128xi32, #tpu.memory_space<hbm>>
      %dma_start3A_48 = arith.constant 0 : i32
      %dma_start3A_49 = arith.constant 0 : i32
      %dma_start3A_50 = tpu.memref_slice %arg3[%add3A, %dma_start3A_48, %dma_start3A_49] : memref<32x80x128xi32, #tpu.memory_space<hbm>> -> memref<1x80x128xi32, #tpu.memory_space<hbm>>
      %dma_start3A_51 = tpu.memref_squeeze %dma_start3A_50 : memref<1x80x128xi32, #tpu.memory_space<hbm>> -> memref<80x128xi32, #tpu.memory_space<hbm>>
      tpu.enqueue_dma source(%dma_start3A_51 : memref<80x128xi32, #tpu.memory_space<hbm>>) target(%arg7 : memref<80x128xi32, #tpu.memory_space<vmem>>) target_semaphore(%run_scoped3A_43 : memref<!tpu.dma_semaphore, #tpu.memory_space<semaphore_mem>>)
      %dma_wait3A_52 = arith.constant 0 : i32
      %dma_wait3A_53 = arith.constant 0 : i32
      %dma_wait3A_54 = tpu.memref_slice %arg3[%add3A, %dma_wait3A_52, %dma_wait3A_53] : memref<32x80x128xi32, #tpu.memory_space<hbm>> -> memref<1x80x128xi32, #tpu.memory_space<hbm>>
      %dma_wait3A_55 = tpu.memref_squeeze %dma_wait3A_54 : memref<1x80x128xi32, #tpu.memory_space<hbm>> -> memref<80x128xi32, #tpu.memory_space<hbm>>
      %dma_wait3A_56 = arith.constant 0 : i32
      %dma_wait3A_57 = arith.constant 0 : i32
      %dma_wait3A_58 = tpu.memref_slice %arg3[%add3A, %dma_wait3A_56, %dma_wait3A_57] : memref<32x80x128xi32, #tpu.memory_space<hbm>> -> memref<1x80x128xi32, #tpu.memory_space<hbm>>
      %dma_wait3A_59 = tpu.memref_squeeze %dma_wait3A_58 : memref<1x80x128xi32, #tpu.memory_space<hbm>> -> memref<80x128xi32, #tpu.memory_space<hbm>>
      tpu.wait_dma2 semaphore(%run_scoped3A_43 : memref<!tpu.dma_semaphore, #tpu.memory_space<semaphore_mem>>) src(%dma_wait3A_59 : memref<80x128xi32, #tpu.memory_space<hbm>>) dst(%arg7 : memref<80x128xi32, #tpu.memory_space<vmem>>)
      tpu.yield
    }) : () -> ()
    %dma_start3A = arith.constant 0 : i32
    %dma_start3A_1 = arith.constant 0 : i32
    %dma_start3A_2 = tpu.memref_slice %arg7[%dma_start3A, %dma_start3A_1] : memref<80x128xi32, #tpu.memory_space<vmem>> -> memref<1x128xi32, #tpu.memory_space<vmem>>
    %dma_start3A_3 = tpu.memref_squeeze %dma_start3A_2 : memref<1x128xi32, #tpu.memory_space<vmem>> -> memref<128xi32, #tpu.memory_space<vmem>>
    %dma_start3A_4 = arith.constant 0 : i32
    %dma_start3A_5 = arith.constant 0 : i32
    %dma_start3A_6 = tpu.memref_slice %arg2[%dma_start3A_4, %dma_start3A_5] : memref<10000x16xf32, #tpu.memory_space<hbm>> -> memref<10000x16xf32, #tpu.memory_space<hbm>>
    tpu.enqueue_indirect_dma source(%dma_start3A_6 : memref<10000x16xf32, #tpu.memory_space<hbm>>) target(%arg9 : memref<128x16xf32, #tpu.memory_space<vmem>>) offsets(%dma_start3A_3 : memref<128xi32, #tpu.memory_space<vmem>>) semaphore(%arg11 : memref<!tpu.dma_semaphore, #tpu.memory_space<semaphore_mem>>)
    %dma_start3A_7 = arith.constant 1 : i32
    %dma_start3A_8 = arith.constant 0 : i32
    %dma_start3A_9 = tpu.memref_slice %arg7[%dma_start3A_7, %dma_start3A_8] : memref<80x128xi32, #tpu.memory_space<vmem>> -> memref<1x128xi32, #tpu.memory_space<vmem>>
    %dma_start3A_10 = tpu.memref_squeeze %dma_start3A_9 : memref<1x128xi32, #tpu.memory_space<vmem>> -> memref<128xi32, #tpu.memory_space<vmem>>
    %dma_start3A_11 = arith.constant 0 : i32
    %dma_start3A_12 = arith.constant 0 : i32
    %dma_start3A_13 = tpu.memref_slice %arg2[%dma_start3A_11, %dma_start3A_12] : memref<10000x16xf32, #tpu.memory_space<hbm>> -> memref<10000x16xf32, #tpu.memory_space<hbm>>
    tpu.enqueue_indirect_dma source(%dma_start3A_13 : memref<10000x16xf32, #tpu.memory_space<hbm>>) target(%arg10 : memref<128x16xf32, #tpu.memory_space<vmem>>) offsets(%dma_start3A_10 : memref<128xi32, #tpu.memory_space<vmem>>) semaphore(%arg12 : memref<!tpu.dma_semaphore, #tpu.memory_space<semaphore_mem>>)
    "tpu.region"() ({
      %run_scoped3A_43 = tpu.sem_alloc : memref<!tpu.dma_semaphore, #tpu.memory_space<semaphore_mem>>
      %dma_start3A_44 = arith.constant 0 : i32
      %dma_start3A_45 = arith.constant 0 : i32
      %dma_start3A_46 = tpu.memref_slice %arg4[%add3A, %dma_start3A_44, %dma_start3A_45] : memref<32x80x128xi32, #tpu.memory_space<hbm>> -> memref<1x80x128xi32, #tpu.memory_space<hbm>>
      %dma_start3A_47 = tpu.memref_squeeze %dma_start3A_46 : memref<1x80x128xi32, #tpu.memory_space<hbm>> -> memref<80x128xi32, #tpu.memory_space<hbm>>
      %dma_start3A_48 = arith.constant 0 : i32
      %dma_start3A_49 = arith.constant 0 : i32
      %dma_start3A_50 = tpu.memref_slice %arg4[%add3A, %dma_start3A_48, %dma_start3A_49] : memref<32x80x128xi32, #tpu.memory_space<hbm>> -> memref<1x80x128xi32, #tpu.memory_space<hbm>>
      %dma_start3A_51 = tpu.memref_squeeze %dma_start3A_50 : memref<1x80x128xi32, #tpu.memory_space<hbm>> -> memref<80x128xi32, #tpu.memory_space<hbm>>
      tpu.enqueue_dma source(%dma_start3A_51 : memref<80x128xi32, #tpu.memory_space<hbm>>) target(%arg8 : memref<80x128xi32, #tpu.memory_space<vmem>>) target_semaphore(%run_scoped3A_43 : memref<!tpu.dma_semaphore, #tpu.memory_space<semaphore_mem>>)
      %dma_wait3A_52 = arith.constant 0 : i32
      %dma_wait3A_53 = arith.constant 0 : i32
      %dma_wait3A_54 = tpu.memref_slice %arg4[%add3A, %dma_wait3A_52, %dma_wait3A_53] : memref<32x80x128xi32, #tpu.memory_space<hbm>> -> memref<1x80x128xi32, #tpu.memory_space<hbm>>
      %dma_wait3A_55 = tpu.memref_squeeze %dma_wait3A_54 : memref<1x80x128xi32, #tpu.memory_space<hbm>> -> memref<80x128xi32, #tpu.memory_space<hbm>>
      %dma_wait3A_56 = arith.constant 0 : i32
      %dma_wait3A_57 = arith.constant 0 : i32
      %dma_wait3A_58 = tpu.memref_slice %arg4[%add3A, %dma_wait3A_56, %dma_wait3A_57] : memref<32x80x128xi32, #tpu.memory_space<hbm>> -> memref<1x80x128xi32, #tpu.memory_space<hbm>>
      %dma_wait3A_59 = tpu.memref_squeeze %dma_wait3A_58 : memref<1x80x128xi32, #tpu.memory_space<hbm>> -> memref<80x128xi32, #tpu.memory_space<hbm>>
      tpu.wait_dma2 semaphore(%run_scoped3A_43 : memref<!tpu.dma_semaphore, #tpu.memory_space<semaphore_mem>>) src(%dma_wait3A_59 : memref<80x128xi32, #tpu.memory_space<hbm>>) dst(%arg8 : memref<80x128xi32, #tpu.memory_space<vmem>>)
      tpu.yield
    }) : () -> ()
    %mul3A_14 = arith.constant 632 : i32
    %mul3A_15 = arith.muli %arg1, %mul3A_14 : i32
    %mul3A_16 = arith.constant 632 : i32
    %mul3A_17 = arith.muli %arg1, %mul3A_16 : i32
    "tpu.region"() ({
      %run_scoped3A_43 = tpu.sem_alloc : memref<!tpu.dma_semaphore, #tpu.memory_space<semaphore_mem>>
      %dma_start3A_44 = arith.constant 0 : i32
      %dma_start3A_45 = tpu.memref_slice %arg13[%mul3A_17, %dma_start3A_44] : memref<10112x16xf32, #tpu.memory_space<vmem_shared>> -> memref<632x16xf32, #tpu.memory_space<vmem_shared>>
      %dma_start3A_46 = arith.constant 0 : i32
      %dma_start3A_47 = tpu.memref_slice %arg5[%mul3A_15, %dma_start3A_46] : memref<10112x16xf32, #tpu.memory_space<hbm>> -> memref<632x16xf32, #tpu.memory_space<hbm>>
      tpu.enqueue_dma source(%dma_start3A_47 : memref<632x16xf32, #tpu.memory_space<hbm>>) target(%dma_start3A_45 : memref<632x16xf32, #tpu.memory_space<vmem_shared>>) target_semaphore(%run_scoped3A_43 : memref<!tpu.dma_semaphore, #tpu.memory_space<semaphore_mem>>)
      %dma_wait3A_48 = arith.constant 0 : i32
      %dma_wait3A_49 = tpu.memref_slice %arg13[%mul3A_17, %dma_wait3A_48] : memref<10112x16xf32, #tpu.memory_space<vmem_shared>> -> memref<632x16xf32, #tpu.memory_space<vmem_shared>>
      %dma_wait3A_50 = arith.constant 0 : i32
      %dma_wait3A_51 = tpu.memref_slice %arg5[%mul3A_15, %dma_wait3A_50] : memref<10112x16xf32, #tpu.memory_space<hbm>> -> memref<632x16xf32, #tpu.memory_space<hbm>>
      tpu.wait_dma2 semaphore(%run_scoped3A_43 : memref<!tpu.dma_semaphore, #tpu.memory_space<semaphore_mem>>) src(%dma_wait3A_51 : memref<632x16xf32, #tpu.memory_space<hbm>>) dst(%dma_wait3A_49 : memref<632x16xf32, #tpu.memory_space<vmem_shared>>)
      tpu.yield
    }) : () -> ()
    %barrier3A = arith.constant 0 : index
    tpu.barrier barrier_id(%barrier3A)
    %scan3A = arith.constant 0 : i32
    %scan3A_18 = arith.constant 39 : i32
    %scan3A_19 = arith.addi %scan3A, %scan3A_18 : i32
    %scan3A_20 = arith.constant 1 : i32
    scf.for %scan3A_43 = %scan3A to %scan3A_19 step %scan3A_20  : i32 {
      %mul3A_44 = arith.constant 2 : i32
      %mul3A_45 = arith.muli %scan3A_43, %mul3A_44 : i32
      %add3A_46 = arith.constant 0 : i32
      %add3A_47 = arith.addi %add3A_46, %mul3A_45 : i32
      %dma_wait3A_48 = arith.constant 0 : i32
      %dma_wait3A_49 = arith.constant 0 : i32
      %dma_wait3A_50 = tpu.memref_slice %arg7[%dma_wait3A_48, %dma_wait3A_49] : memref<80x128xi32, #tpu.memory_space<vmem>> -> memref<1x128xi32, #tpu.memory_space<vmem>>
      %dma_wait3A_51 = tpu.memref_squeeze %dma_wait3A_50 : memref<1x128xi32, #tpu.memory_space<vmem>> -> memref<128xi32, #tpu.memory_space<vmem>>
      %dma_wait3A_52 = arith.constant 0 : i32
      %dma_wait3A_53 = arith.constant 0 : i32
      %dma_wait3A_54 = tpu.memref_slice %arg2[%dma_wait3A_52, %dma_wait3A_53] : memref<10000x16xf32, #tpu.memory_space<hbm>> -> memref<10000x16xf32, #tpu.memory_space<hbm>>
      tpu.wait_indirect_dma semaphore(%arg11 : memref<!tpu.dma_semaphore, #tpu.memory_space<semaphore_mem>>) src(%dma_wait3A_54 : memref<10000x16xf32, #tpu.memory_space<hbm>>) dst(%arg9 : memref<128x16xf32, #tpu.memory_space<vmem>>)
      %add3A_55 = arith.constant 0 : i32
      %add3A_56 = arith.addi %add3A_47, %add3A_55 : i32
      "tpu.region"() ({
        %run_scoped3A_86 = tpu.sem_alloc : memref<!tpu.dma_semaphore, #tpu.memory_space<semaphore_mem>>
        %dma_start3A_87 = arith.constant 0 : i32
        %dma_start3A_88 = tpu.memref_slice %arg8[%add3A_56, %dma_start3A_87] : memref<80x128xi32, #tpu.memory_space<vmem>> -> memref<1x128xi32, #tpu.memory_space<vmem>>
        %dma_start3A_89 = tpu.memref_squeeze %dma_start3A_88 : memref<1x128xi32, #tpu.memory_space<vmem>> -> memref<128xi32, #tpu.memory_space<vmem>>
        %dma_start3A_90 = arith.constant 0 : i32
        %dma_start3A_91 = arith.constant 0 : i32
        %dma_start3A_92 = tpu.memref_slice %arg13[%dma_start3A_90, %dma_start3A_91] : memref<10112x16xf32, #tpu.memory_space<vmem_shared>> -> memref<10112x16xf32, #tpu.memory_space<vmem_shared>>
        tpu.enqueue_indirect_dma source(%arg9 : memref<128x16xf32, #tpu.memory_space<vmem>>) target(%dma_start3A_92 : memref<10112x16xf32, #tpu.memory_space<vmem_shared>>) offsets(%dma_start3A_89 : memref<128xi32, #tpu.memory_space<vmem>>) semaphore(%run_scoped3A_86 : memref<!tpu.dma_semaphore, #tpu.memory_space<semaphore_mem>>) {add = true}
        %dma_wait3A_93 = arith.constant 0 : i32
        %dma_wait3A_94 = tpu.memref_slice %arg8[%add3A_56, %dma_wait3A_93] : memref<80x128xi32, #tpu.memory_space<vmem>> -> memref<1x128xi32, #tpu.memory_space<vmem>>
        %dma_wait3A_95 = tpu.memref_squeeze %dma_wait3A_94 : memref<1x128xi32, #tpu.memory_space<vmem>> -> memref<128xi32, #tpu.memory_space<vmem>>
        %dma_wait3A_96 = arith.constant 0 : i32
        %dma_wait3A_97 = arith.constant 0 : i32
        %dma_wait3A_98 = tpu.memref_slice %arg13[%dma_wait3A_96, %dma_wait3A_97] : memref<10112x16xf32, #tpu.memory_space<vmem_shared>> -> memref<10112x16xf32, #tpu.memory_space<vmem_shared>>
        tpu.wait_indirect_dma semaphore(%run_scoped3A_86 : memref<!tpu.dma_semaphore, #tpu.memory_space<semaphore_mem>>) src(%arg9 : memref<128x16xf32, #tpu.memory_space<vmem>>) dst(%dma_wait3A_98 : memref<10112x16xf32, #tpu.memory_space<vmem_shared>>)
        tpu.yield
      }) : () -> ()
      %add3A_57 = arith.constant 0 : i32
      %add3A_58 = arith.addi %add3A_47, %add3A_57 : i32
      %add3A_59 = arith.constant 2 : i32
      %add3A_60 = arith.addi %add3A_58, %add3A_59 : i32
      %dma_start3A_61 = arith.constant 0 : i32
      %dma_start3A_62 = tpu.memref_slice %arg7[%add3A_60, %dma_start3A_61] : memref<80x128xi32, #tpu.memory_space<vmem>> -> memref<1x128xi32, #tpu.memory_space<vmem>>
      %dma_start3A_63 = tpu.memref_squeeze %dma_start3A_62 : memref<1x128xi32, #tpu.memory_space<vmem>> -> memref<128xi32, #tpu.memory_space<vmem>>
      %dma_start3A_64 = arith.constant 0 : i32
      %dma_start3A_65 = arith.constant 0 : i32
      %dma_start3A_66 = tpu.memref_slice %arg2[%dma_start3A_64, %dma_start3A_65] : memref<10000x16xf32, #tpu.memory_space<hbm>> -> memref<10000x16xf32, #tpu.memory_space<hbm>>
      tpu.enqueue_indirect_dma source(%dma_start3A_66 : memref<10000x16xf32, #tpu.memory_space<hbm>>) target(%arg9 : memref<128x16xf32, #tpu.memory_space<vmem>>) offsets(%dma_start3A_63 : memref<128xi32, #tpu.memory_space<vmem>>) semaphore(%arg11 : memref<!tpu.dma_semaphore, #tpu.memory_space<semaphore_mem>>)
      %dma_wait3A_67 = arith.constant 0 : i32
      %dma_wait3A_68 = arith.constant 0 : i32
      %dma_wait3A_69 = tpu.memref_slice %arg7[%dma_wait3A_67, %dma_wait3A_68] : memref<80x128xi32, #tpu.memory_space<vmem>> -> memref<1x128xi32, #tpu.memory_space<vmem>>
      %dma_wait3A_70 = tpu.memref_squeeze %dma_wait3A_69 : memref<1x128xi32, #tpu.memory_space<vmem>> -> memref<128xi32, #tpu.memory_space<vmem>>
      %dma_wait3A_71 = arith.constant 0 : i32
      %dma_wait3A_72 = arith.constant 0 : i32
      %dma_wait3A_73 = tpu.memref_slice %arg2[%dma_wait3A_71, %dma_wait3A_72] : memref<10000x16xf32, #tpu.memory_space<hbm>> -> memref<10000x16xf32, #tpu.memory_space<hbm>>
      tpu.wait_indirect_dma semaphore(%arg12 : memref<!tpu.dma_semaphore, #tpu.memory_space<semaphore_mem>>) src(%dma_wait3A_73 : memref<10000x16xf32, #tpu.memory_space<hbm>>) dst(%arg10 : memref<128x16xf32, #tpu.memory_space<vmem>>)
      %add3A_74 = arith.constant 1 : i32
      %add3A_75 = arith.addi %add3A_47, %add3A_74 : i32
      "tpu.region"() ({
        %run_scoped3A_86 = tpu.sem_alloc : memref<!tpu.dma_semaphore, #tpu.memory_space<semaphore_mem>>
        %dma_start3A_87 = arith.constant 0 : i32
        %dma_start3A_88 = tpu.memref_slice %arg8[%add3A_75, %dma_start3A_87] : memref<80x128xi32, #tpu.memory_space<vmem>> -> memref<1x128xi32, #tpu.memory_space<vmem>>
        %dma_start3A_89 = tpu.memref_squeeze %dma_start3A_88 : memref<1x128xi32, #tpu.memory_space<vmem>> -> memref<128xi32, #tpu.memory_space<vmem>>
        %dma_start3A_90 = arith.constant 0 : i32
        %dma_start3A_91 = arith.constant 0 : i32
        %dma_start3A_92 = tpu.memref_slice %arg13[%dma_start3A_90, %dma_start3A_91] : memref<10112x16xf32, #tpu.memory_space<vmem_shared>> -> memref<10112x16xf32, #tpu.memory_space<vmem_shared>>
        tpu.enqueue_indirect_dma source(%arg10 : memref<128x16xf32, #tpu.memory_space<vmem>>) target(%dma_start3A_92 : memref<10112x16xf32, #tpu.memory_space<vmem_shared>>) offsets(%dma_start3A_89 : memref<128xi32, #tpu.memory_space<vmem>>) semaphore(%run_scoped3A_86 : memref<!tpu.dma_semaphore, #tpu.memory_space<semaphore_mem>>) {add = true}
        %dma_wait3A_93 = arith.constant 0 : i32
        %dma_wait3A_94 = tpu.memref_slice %arg8[%add3A_75, %dma_wait3A_93] : memref<80x128xi32, #tpu.memory_space<vmem>> -> memref<1x128xi32, #tpu.memory_space<vmem>>
        %dma_wait3A_95 = tpu.memref_squeeze %dma_wait3A_94 : memref<1x128xi32, #tpu.memory_space<vmem>> -> memref<128xi32, #tpu.memory_space<vmem>>
        %dma_wait3A_96 = arith.constant 0 : i32
        %dma_wait3A_97 = arith.constant 0 : i32
        %dma_wait3A_98 = tpu.memref_slice %arg13[%dma_wait3A_96, %dma_wait3A_97] : memref<10112x16xf32, #tpu.memory_space<vmem_shared>> -> memref<10112x16xf32, #tpu.memory_space<vmem_shared>>
        tpu.wait_indirect_dma semaphore(%run_scoped3A_86 : memref<!tpu.dma_semaphore, #tpu.memory_space<semaphore_mem>>) src(%arg10 : memref<128x16xf32, #tpu.memory_space<vmem>>) dst(%dma_wait3A_98 : memref<10112x16xf32, #tpu.memory_space<vmem_shared>>)
        tpu.yield
      }) : () -> ()
      %add3A_76 = arith.constant 1 : i32
      %add3A_77 = arith.addi %add3A_47, %add3A_76 : i32
      %add3A_78 = arith.constant 2 : i32
      %add3A_79 = arith.addi %add3A_77, %add3A_78 : i32
      %dma_start3A_80 = arith.constant 0 : i32
      %dma_start3A_81 = tpu.memref_slice %arg7[%add3A_79, %dma_start3A_80] : memref<80x128xi32, #tpu.memory_space<vmem>> -> memref<1x128xi32, #tpu.memory_space<vmem>>
      %dma_start3A_82 = tpu.memref_squeeze %dma_start3A_81 : memref<1x128xi32, #tpu.memory_space<vmem>> -> memref<128xi32, #tpu.memory_space<vmem>>
      %dma_start3A_83 = arith.constant 0 : i32
      %dma_start3A_84 = arith.constant 0 : i32
      %dma_start3A_85 = tpu.memref_slice %arg2[%dma_start3A_83, %dma_start3A_84] : memref<10000x16xf32, #tpu.memory_space<hbm>> -> memref<10000x16xf32, #tpu.memory_space<hbm>>
      tpu.enqueue_indirect_dma source(%dma_start3A_85 : memref<10000x16xf32, #tpu.memory_space<hbm>>) target(%arg10 : memref<128x16xf32, #tpu.memory_space<vmem>>) offsets(%dma_start3A_82 : memref<128xi32, #tpu.memory_space<vmem>>) semaphore(%arg12 : memref<!tpu.dma_semaphore, #tpu.memory_space<semaphore_mem>>)
    }
    %scan3A_21 = arith.constant 39 : i32
    %dma_wait3A = arith.constant 0 : i32
    %dma_wait3A_22 = arith.constant 0 : i32
    %dma_wait3A_23 = tpu.memref_slice %arg7[%dma_wait3A, %dma_wait3A_22] : memref<80x128xi32, #tpu.memory_space<vmem>> -> memref<1x128xi32, #tpu.memory_space<vmem>>
    %dma_wait3A_24 = tpu.memref_squeeze %dma_wait3A_23 : memref<1x128xi32, #tpu.memory_space<vmem>> -> memref<128xi32, #tpu.memory_space<vmem>>
    %dma_wait3A_25 = arith.constant 0 : i32
    %dma_wait3A_26 = arith.constant 0 : i32
    %dma_wait3A_27 = tpu.memref_slice %arg2[%dma_wait3A_25, %dma_wait3A_26] : memref<10000x16xf32, #tpu.memory_space<hbm>> -> memref<10000x16xf32, #tpu.memory_space<hbm>>
    tpu.wait_indirect_dma semaphore(%arg11 : memref<!tpu.dma_semaphore, #tpu.memory_space<semaphore_mem>>) src(%dma_wait3A_27 : memref<10000x16xf32, #tpu.memory_space<hbm>>) dst(%arg9 : memref<128x16xf32, #tpu.memory_space<vmem>>)
    %run_scoped3A = arith.constant 78 : i32
    "tpu.region"() ({
      %run_scoped3A_43 = tpu.sem_alloc : memref<!tpu.dma_semaphore, #tpu.memory_space<semaphore_mem>>
      %dma_start3A_44 = arith.constant 0 : i32
      %dma_start3A_45 = tpu.memref_slice %arg8[%run_scoped3A, %dma_start3A_44] : memref<80x128xi32, #tpu.memory_space<vmem>> -> memref<1x128xi32, #tpu.memory_space<vmem>>
      %dma_start3A_46 = tpu.memref_squeeze %dma_start3A_45 : memref<1x128xi32, #tpu.memory_space<vmem>> -> memref<128xi32, #tpu.memory_space<vmem>>
      %dma_start3A_47 = arith.constant 0 : i32
      %dma_start3A_48 = arith.constant 0 : i32
      %dma_start3A_49 = tpu.memref_slice %arg13[%dma_start3A_47, %dma_start3A_48] : memref<10112x16xf32, #tpu.memory_space<vmem_shared>> -> memref<10112x16xf32, #tpu.memory_space<vmem_shared>>
      tpu.enqueue_indirect_dma source(%arg9 : memref<128x16xf32, #tpu.memory_space<vmem>>) target(%dma_start3A_49 : memref<10112x16xf32, #tpu.memory_space<vmem_shared>>) offsets(%dma_start3A_46 : memref<128xi32, #tpu.memory_space<vmem>>) semaphore(%run_scoped3A_43 : memref<!tpu.dma_semaphore, #tpu.memory_space<semaphore_mem>>) {add = true}
      %dma_wait3A_50 = arith.constant 0 : i32
      %dma_wait3A_51 = tpu.memref_slice %arg8[%run_scoped3A, %dma_wait3A_50] : memref<80x128xi32, #tpu.memory_space<vmem>> -> memref<1x128xi32, #tpu.memory_space<vmem>>
      %dma_wait3A_52 = tpu.memref_squeeze %dma_wait3A_51 : memref<1x128xi32, #tpu.memory_space<vmem>> -> memref<128xi32, #tpu.memory_space<vmem>>
      %dma_wait3A_53 = arith.constant 0 : i32
      %dma_wait3A_54 = arith.constant 0 : i32
      %dma_wait3A_55 = tpu.memref_slice %arg13[%dma_wait3A_53, %dma_wait3A_54] : memref<10112x16xf32, #tpu.memory_space<vmem_shared>> -> memref<10112x16xf32, #tpu.memory_space<vmem_shared>>
      tpu.wait_indirect_dma semaphore(%run_scoped3A_43 : memref<!tpu.dma_semaphore, #tpu.memory_space<semaphore_mem>>) src(%arg9 : memref<128x16xf32, #tpu.memory_space<vmem>>) dst(%dma_wait3A_55 : memref<10112x16xf32, #tpu.memory_space<vmem_shared>>)
      tpu.yield
    }) : () -> ()
    %dma_wait3A_28 = arith.constant 0 : i32
    %dma_wait3A_29 = arith.constant 0 : i32
    %dma_wait3A_30 = tpu.memref_slice %arg7[%dma_wait3A_28, %dma_wait3A_29] : memref<80x128xi32, #tpu.memory_space<vmem>> -> memref<1x128xi32, #tpu.memory_space<vmem>>
    %dma_wait3A_31 = tpu.memref_squeeze %dma_wait3A_30 : memref<1x128xi32, #tpu.memory_space<vmem>> -> memref<128xi32, #tpu.memory_space<vmem>>
    %dma_wait3A_32 = arith.constant 0 : i32
    %dma_wait3A_33 = arith.constant 0 : i32
    %dma_wait3A_34 = tpu.memref_slice %arg2[%dma_wait3A_32, %dma_wait3A_33] : memref<10000x16xf32, #tpu.memory_space<hbm>> -> memref<10000x16xf32, #tpu.memory_space<hbm>>
    tpu.wait_indirect_dma semaphore(%arg12 : memref<!tpu.dma_semaphore, #tpu.memory_space<semaphore_mem>>) src(%dma_wait3A_34 : memref<10000x16xf32, #tpu.memory_space<hbm>>) dst(%arg10 : memref<128x16xf32, #tpu.memory_space<vmem>>)
    %run_scoped3A_35 = arith.constant 79 : i32
    "tpu.region"() ({
      %run_scoped3A_43 = tpu.sem_alloc : memref<!tpu.dma_semaphore, #tpu.memory_space<semaphore_mem>>
      %dma_start3A_44 = arith.constant 0 : i32
      %dma_start3A_45 = tpu.memref_slice %arg8[%run_scoped3A_35, %dma_start3A_44] : memref<80x128xi32, #tpu.memory_space<vmem>> -> memref<1x128xi32, #tpu.memory_space<vmem>>
      %dma_start3A_46 = tpu.memref_squeeze %dma_start3A_45 : memref<1x128xi32, #tpu.memory_space<vmem>> -> memref<128xi32, #tpu.memory_space<vmem>>
      %dma_start3A_47 = arith.constant 0 : i32
      %dma_start3A_48 = arith.constant 0 : i32
      %dma_start3A_49 = tpu.memref_slice %arg13[%dma_start3A_47, %dma_start3A_48] : memref<10112x16xf32, #tpu.memory_space<vmem_shared>> -> memref<10112x16xf32, #tpu.memory_space<vmem_shared>>
      tpu.enqueue_indirect_dma source(%arg10 : memref<128x16xf32, #tpu.memory_space<vmem>>) target(%dma_start3A_49 : memref<10112x16xf32, #tpu.memory_space<vmem_shared>>) offsets(%dma_start3A_46 : memref<128xi32, #tpu.memory_space<vmem>>) semaphore(%run_scoped3A_43 : memref<!tpu.dma_semaphore, #tpu.memory_space<semaphore_mem>>) {add = true}
      %dma_wait3A_50 = arith.constant 0 : i32
      %dma_wait3A_51 = tpu.memref_slice %arg8[%run_scoped3A_35, %dma_wait3A_50] : memref<80x128xi32, #tpu.memory_space<vmem>> -> memref<1x128xi32, #tpu.memory_space<vmem>>
      %dma_wait3A_52 = tpu.memref_squeeze %dma_wait3A_51 : memref<1x128xi32, #tpu.memory_space<vmem>> -> memref<128xi32, #tpu.memory_space<vmem>>
      %dma_wait3A_53 = arith.constant 0 : i32
      %dma_wait3A_54 = arith.constant 0 : i32
      %dma_wait3A_55 = tpu.memref_slice %arg13[%dma_wait3A_53, %dma_wait3A_54] : memref<10112x16xf32, #tpu.memory_space<vmem_shared>> -> memref<10112x16xf32, #tpu.memory_space<vmem_shared>>
      tpu.wait_indirect_dma semaphore(%run_scoped3A_43 : memref<!tpu.dma_semaphore, #tpu.memory_space<semaphore_mem>>) src(%arg10 : memref<128x16xf32, #tpu.memory_space<vmem>>) dst(%dma_wait3A_55 : memref<10112x16xf32, #tpu.memory_space<vmem_shared>>)
      tpu.yield
    }) : () -> ()
    %barrier3A_36 = arith.constant 0 : index
    tpu.barrier barrier_id(%barrier3A_36)
    %mul3A_37 = arith.constant 624 : i32
    %mul3A_38 = arith.muli %arg1, %mul3A_37 : i32
    %mul3A_39 = arith.constant 624 : i32
    %mul3A_40 = arith.muli %arg1, %mul3A_39 : i32
    "tpu.region"() ({
      %run_scoped3A_43 = tpu.sem_alloc : memref<!tpu.dma_semaphore, #tpu.memory_space<semaphore_mem>>
      %dma_start3A_44 = arith.constant 0 : i32
      %dma_start3A_45 = tpu.memref_slice %arg6[%arg0, %mul3A_40, %dma_start3A_44] : memref<2x10000x16xf32, #tpu.memory_space<hbm>> -> memref<1x624x16xf32, #tpu.memory_space<hbm>>
      %dma_start3A_46 = tpu.memref_squeeze %dma_start3A_45 : memref<1x624x16xf32, #tpu.memory_space<hbm>> -> memref<624x16xf32, #tpu.memory_space<hbm>>
      %dma_start3A_47 = arith.constant 0 : i32
      %dma_start3A_48 = tpu.memref_slice %arg13[%mul3A_38, %dma_start3A_47] : memref<10112x16xf32, #tpu.memory_space<vmem_shared>> -> memref<624x16xf32, #tpu.memory_space<vmem_shared>>
      tpu.enqueue_dma source(%dma_start3A_48 : memref<624x16xf32, #tpu.memory_space<vmem_shared>>) target(%dma_start3A_46 : memref<624x16xf32, #tpu.memory_space<hbm>>) target_semaphore(%run_scoped3A_43 : memref<!tpu.dma_semaphore, #tpu.memory_space<semaphore_mem>>)
      %dma_wait3A_49 = arith.constant 0 : i32
      %dma_wait3A_50 = tpu.memref_slice %arg6[%arg0, %mul3A_40, %dma_wait3A_49] : memref<2x10000x16xf32, #tpu.memory_space<hbm>> -> memref<1x624x16xf32, #tpu.memory_space<hbm>>
      %dma_wait3A_51 = tpu.memref_squeeze %dma_wait3A_50 : memref<1x624x16xf32, #tpu.memory_space<hbm>> -> memref<624x16xf32, #tpu.memory_space<hbm>>
      %dma_wait3A_52 = arith.constant 0 : i32
      %dma_wait3A_53 = tpu.memref_slice %arg13[%mul3A_38, %dma_wait3A_52] : memref<10112x16xf32, #tpu.memory_space<vmem_shared>> -> memref<624x16xf32, #tpu.memory_space<vmem_shared>>
      tpu.wait_dma2 semaphore(%run_scoped3A_43 : memref<!tpu.dma_semaphore, #tpu.memory_space<semaphore_mem>>) src(%dma_wait3A_53 : memref<624x16xf32, #tpu.memory_space<vmem_shared>>) dst(%dma_wait3A_51 : memref<624x16xf32, #tpu.memory_space<hbm>>)
      tpu.yield
    }) : () -> ()
    %eq3A = arith.constant 0 : i32
    %eq3A_41 = arith.cmpi eq, %arg1, %eq3A : i32
    %convert_element_type3A = arith.extui %eq3A_41 : i1 to i32
    %cond3A = arith.constant 0 : i32
    %cond3A_42 = arith.cmpi ne, %convert_element_type3A, %cond3A : i32
    scf.if %cond3A_42 {
      "tpu.region"() ({
        %run_scoped3A_43 = tpu.sem_alloc : memref<!tpu.dma_semaphore, #tpu.memory_space<semaphore_mem>>
        %dma_start3A_44 = arith.constant 9984 : i32
        %dma_start3A_45 = arith.constant 0 : i32
        %dma_start3A_46 = tpu.memref_slice %arg6[%arg0, %dma_start3A_44, %dma_start3A_45] : memref<2x10000x16xf32, #tpu.memory_space<hbm>> -> memref<1x16x16xf32, #tpu.memory_space<hbm>>
        %dma_start3A_47 = tpu.memref_squeeze %dma_start3A_46 : memref<1x16x16xf32, #tpu.memory_space<hbm>> -> memref<16x16xf32, #tpu.memory_space<hbm>>
        %dma_start3A_48 = arith.constant 9984 : i32
        %dma_start3A_49 = arith.constant 0 : i32
        %dma_start3A_50 = tpu.memref_slice %arg13[%dma_start3A_48, %dma_start3A_49] : memref<10112x16xf32, #tpu.memory_space<vmem_shared>> -> memref<16x16xf32, #tpu.memory_space<vmem_shared>>
        tpu.enqueue_dma source(%dma_start3A_50 : memref<16x16xf32, #tpu.memory_space<vmem_shared>>) target(%dma_start3A_47 : memref<16x16xf32, #tpu.memory_space<hbm>>) target_semaphore(%run_scoped3A_43 : memref<!tpu.dma_semaphore, #tpu.memory_space<semaphore_mem>>)
        %dma_wait3A_51 = arith.constant 9984 : i32
        %dma_wait3A_52 = arith.constant 0 : i32
        %dma_wait3A_53 = tpu.memref_slice %arg6[%arg0, %dma_wait3A_51, %dma_wait3A_52] : memref<2x10000x16xf32, #tpu.memory_space<hbm>> -> memref<1x16x16xf32, #tpu.memory_space<hbm>>
        %dma_wait3A_54 = tpu.memref_squeeze %dma_wait3A_53 : memref<1x16x16xf32, #tpu.memory_space<hbm>> -> memref<16x16xf32, #tpu.memory_space<hbm>>
        %dma_wait3A_55 = arith.constant 9984 : i32
        %dma_wait3A_56 = arith.constant 0 : i32
        %dma_wait3A_57 = tpu.memref_slice %arg13[%dma_wait3A_55, %dma_wait3A_56] : memref<10112x16xf32, #tpu.memory_space<vmem_shared>> -> memref<16x16xf32, #tpu.memory_space<vmem_shared>>
        tpu.wait_dma2 semaphore(%run_scoped3A_43 : memref<!tpu.dma_semaphore, #tpu.memory_space<semaphore_mem>>) src(%dma_wait3A_57 : memref<16x16xf32, #tpu.memory_space<vmem_shared>>) dst(%dma_wait3A_54 : memref<16x16xf32, #tpu.memory_space<hbm>>)
        tpu.yield
      }) : () -> ()
    } else {
    }
    return
  }
}

#map = affine_map<(d0, d1) -> (0, 0)>
#map1 = affine_map<(d0, d1) -> (0, 0, 0, 0)>
#map2 = affine_map<(d0, d1) -> (0, 0, 0)>
module attributes {stable_mosaic.version = 14 : i64} {
  func.func @agg_kernel(%arg0: i32, %arg1: i32, %arg2: memref<20224x64xf32, #tpu.memory_space<hbm>>, %arg3: memref<2x16x158x128xi32, #tpu.memory_space<hbm>>, %arg4: memref<16x158x128xi32, #tpu.memory_space<hbm>>, %arg5: memref<10112x64xf32, #tpu.memory_space<hbm>>, %arg6: memref<2x10000x64xf32, #tpu.memory_space<hbm>>, %arg7: memref<158x128xi32, #tpu.memory_space<vmem>>, %arg8: memref<158x128xi32, #tpu.memory_space<vmem>>, %arg9: memref<128x64xf32, #tpu.memory_space<vmem>>, %arg10: memref<128x64xf32, #tpu.memory_space<vmem>>, %arg11: memref<!tpu.dma_semaphore, #tpu.memory_space<semaphore_mem>>, %arg12: memref<!tpu.dma_semaphore, #tpu.memory_space<semaphore_mem>>, %arg13: memref<10112x64xf32, #tpu.memory_space<vmem_shared>>) attributes {dimension_semantics = [#tpu.dimension_semantics<core_parallel>, #tpu.dimension_semantics<subcore_parallel>], iteration_bounds = array<i64: 2, 16>, scalar_prefetch = 0 : i64, scratch_operands = 7 : i64, tpu.core_type = #tpu.core_type<sc_vector_subcore>, window_params = [{transform_indices = #map}, {transform_indices = #map1}, {transform_indices = #map2}, {transform_indices = #map}, {transform_indices = #map2}]} {
    "tpu.region"() ({
      %run_scoped3A_41 = tpu.sem_alloc : memref<!tpu.dma_semaphore, #tpu.memory_space<semaphore_mem>>
      %dma_start3A_42 = arith.constant 0 : i32
      %dma_start3A_43 = arith.constant 0 : i32
      %dma_start3A_44 = tpu.memref_slice %arg3[%arg0, %arg1, %dma_start3A_42, %dma_start3A_43] : memref<2x16x158x128xi32, #tpu.memory_space<hbm>> -> memref<1x1x158x128xi32, #tpu.memory_space<hbm>>
      %dma_start3A_45 = tpu.memref_squeeze %dma_start3A_44 : memref<1x1x158x128xi32, #tpu.memory_space<hbm>> -> memref<158x128xi32, #tpu.memory_space<hbm>>
      %dma_start3A_46 = arith.constant 0 : i32
      %dma_start3A_47 = arith.constant 0 : i32
      %dma_start3A_48 = tpu.memref_slice %arg3[%arg0, %arg1, %dma_start3A_46, %dma_start3A_47] : memref<2x16x158x128xi32, #tpu.memory_space<hbm>> -> memref<1x1x158x128xi32, #tpu.memory_space<hbm>>
      %dma_start3A_49 = tpu.memref_squeeze %dma_start3A_48 : memref<1x1x158x128xi32, #tpu.memory_space<hbm>> -> memref<158x128xi32, #tpu.memory_space<hbm>>
      tpu.enqueue_dma source(%dma_start3A_49 : memref<158x128xi32, #tpu.memory_space<hbm>>) target(%arg7 : memref<158x128xi32, #tpu.memory_space<vmem>>) target_semaphore(%run_scoped3A_41 : memref<!tpu.dma_semaphore, #tpu.memory_space<semaphore_mem>>)
      %dma_wait3A_50 = arith.constant 0 : i32
      %dma_wait3A_51 = arith.constant 0 : i32
      %dma_wait3A_52 = tpu.memref_slice %arg3[%arg0, %arg1, %dma_wait3A_50, %dma_wait3A_51] : memref<2x16x158x128xi32, #tpu.memory_space<hbm>> -> memref<1x1x158x128xi32, #tpu.memory_space<hbm>>
      %dma_wait3A_53 = tpu.memref_squeeze %dma_wait3A_52 : memref<1x1x158x128xi32, #tpu.memory_space<hbm>> -> memref<158x128xi32, #tpu.memory_space<hbm>>
      %dma_wait3A_54 = arith.constant 0 : i32
      %dma_wait3A_55 = arith.constant 0 : i32
      %dma_wait3A_56 = tpu.memref_slice %arg3[%arg0, %arg1, %dma_wait3A_54, %dma_wait3A_55] : memref<2x16x158x128xi32, #tpu.memory_space<hbm>> -> memref<1x1x158x128xi32, #tpu.memory_space<hbm>>
      %dma_wait3A_57 = tpu.memref_squeeze %dma_wait3A_56 : memref<1x1x158x128xi32, #tpu.memory_space<hbm>> -> memref<158x128xi32, #tpu.memory_space<hbm>>
      tpu.wait_dma2 semaphore(%run_scoped3A_41 : memref<!tpu.dma_semaphore, #tpu.memory_space<semaphore_mem>>) src(%dma_wait3A_57 : memref<158x128xi32, #tpu.memory_space<hbm>>) dst(%arg7 : memref<158x128xi32, #tpu.memory_space<vmem>>)
      tpu.yield
    }) : () -> ()
    %dma_start3A = arith.constant 0 : i32
    %dma_start3A_0 = arith.constant 0 : i32
    %dma_start3A_1 = tpu.memref_slice %arg7[%dma_start3A, %dma_start3A_0] : memref<158x128xi32, #tpu.memory_space<vmem>> -> memref<1x128xi32, #tpu.memory_space<vmem>>
    %dma_start3A_2 = tpu.memref_squeeze %dma_start3A_1 : memref<1x128xi32, #tpu.memory_space<vmem>> -> memref<128xi32, #tpu.memory_space<vmem>>
    %dma_start3A_3 = arith.constant 0 : i32
    %dma_start3A_4 = arith.constant 0 : i32
    %dma_start3A_5 = tpu.memref_slice %arg2[%dma_start3A_3, %dma_start3A_4] : memref<20224x64xf32, #tpu.memory_space<hbm>> -> memref<20224x64xf32, #tpu.memory_space<hbm>>
    tpu.enqueue_indirect_dma source(%dma_start3A_5 : memref<20224x64xf32, #tpu.memory_space<hbm>>) target(%arg9 : memref<128x64xf32, #tpu.memory_space<vmem>>) offsets(%dma_start3A_2 : memref<128xi32, #tpu.memory_space<vmem>>) semaphore(%arg11 : memref<!tpu.dma_semaphore, #tpu.memory_space<semaphore_mem>>)
    %dma_start3A_6 = arith.constant 1 : i32
    %dma_start3A_7 = arith.constant 0 : i32
    %dma_start3A_8 = tpu.memref_slice %arg7[%dma_start3A_6, %dma_start3A_7] : memref<158x128xi32, #tpu.memory_space<vmem>> -> memref<1x128xi32, #tpu.memory_space<vmem>>
    %dma_start3A_9 = tpu.memref_squeeze %dma_start3A_8 : memref<1x128xi32, #tpu.memory_space<vmem>> -> memref<128xi32, #tpu.memory_space<vmem>>
    %dma_start3A_10 = arith.constant 0 : i32
    %dma_start3A_11 = arith.constant 0 : i32
    %dma_start3A_12 = tpu.memref_slice %arg2[%dma_start3A_10, %dma_start3A_11] : memref<20224x64xf32, #tpu.memory_space<hbm>> -> memref<20224x64xf32, #tpu.memory_space<hbm>>
    tpu.enqueue_indirect_dma source(%dma_start3A_12 : memref<20224x64xf32, #tpu.memory_space<hbm>>) target(%arg10 : memref<128x64xf32, #tpu.memory_space<vmem>>) offsets(%dma_start3A_9 : memref<128xi32, #tpu.memory_space<vmem>>) semaphore(%arg12 : memref<!tpu.dma_semaphore, #tpu.memory_space<semaphore_mem>>)
    "tpu.region"() ({
      %run_scoped3A_41 = tpu.sem_alloc : memref<!tpu.dma_semaphore, #tpu.memory_space<semaphore_mem>>
      %dma_start3A_42 = arith.constant 0 : i32
      %dma_start3A_43 = arith.constant 0 : i32
      %dma_start3A_44 = tpu.memref_slice %arg4[%arg1, %dma_start3A_42, %dma_start3A_43] : memref<16x158x128xi32, #tpu.memory_space<hbm>> -> memref<1x158x128xi32, #tpu.memory_space<hbm>>
      %dma_start3A_45 = tpu.memref_squeeze %dma_start3A_44 : memref<1x158x128xi32, #tpu.memory_space<hbm>> -> memref<158x128xi32, #tpu.memory_space<hbm>>
      %dma_start3A_46 = arith.constant 0 : i32
      %dma_start3A_47 = arith.constant 0 : i32
      %dma_start3A_48 = tpu.memref_slice %arg4[%arg1, %dma_start3A_46, %dma_start3A_47] : memref<16x158x128xi32, #tpu.memory_space<hbm>> -> memref<1x158x128xi32, #tpu.memory_space<hbm>>
      %dma_start3A_49 = tpu.memref_squeeze %dma_start3A_48 : memref<1x158x128xi32, #tpu.memory_space<hbm>> -> memref<158x128xi32, #tpu.memory_space<hbm>>
      tpu.enqueue_dma source(%dma_start3A_49 : memref<158x128xi32, #tpu.memory_space<hbm>>) target(%arg8 : memref<158x128xi32, #tpu.memory_space<vmem>>) target_semaphore(%run_scoped3A_41 : memref<!tpu.dma_semaphore, #tpu.memory_space<semaphore_mem>>)
      %dma_wait3A_50 = arith.constant 0 : i32
      %dma_wait3A_51 = arith.constant 0 : i32
      %dma_wait3A_52 = tpu.memref_slice %arg4[%arg1, %dma_wait3A_50, %dma_wait3A_51] : memref<16x158x128xi32, #tpu.memory_space<hbm>> -> memref<1x158x128xi32, #tpu.memory_space<hbm>>
      %dma_wait3A_53 = tpu.memref_squeeze %dma_wait3A_52 : memref<1x158x128xi32, #tpu.memory_space<hbm>> -> memref<158x128xi32, #tpu.memory_space<hbm>>
      %dma_wait3A_54 = arith.constant 0 : i32
      %dma_wait3A_55 = arith.constant 0 : i32
      %dma_wait3A_56 = tpu.memref_slice %arg4[%arg1, %dma_wait3A_54, %dma_wait3A_55] : memref<16x158x128xi32, #tpu.memory_space<hbm>> -> memref<1x158x128xi32, #tpu.memory_space<hbm>>
      %dma_wait3A_57 = tpu.memref_squeeze %dma_wait3A_56 : memref<1x158x128xi32, #tpu.memory_space<hbm>> -> memref<158x128xi32, #tpu.memory_space<hbm>>
      tpu.wait_dma2 semaphore(%run_scoped3A_41 : memref<!tpu.dma_semaphore, #tpu.memory_space<semaphore_mem>>) src(%dma_wait3A_57 : memref<158x128xi32, #tpu.memory_space<hbm>>) dst(%arg8 : memref<158x128xi32, #tpu.memory_space<vmem>>)
      tpu.yield
    }) : () -> ()
    %mul3A = arith.constant 632 : i32
    %mul3A_13 = arith.muli %arg1, %mul3A : i32
    %mul3A_14 = arith.constant 632 : i32
    %mul3A_15 = arith.muli %arg1, %mul3A_14 : i32
    "tpu.region"() ({
      %run_scoped3A_41 = tpu.sem_alloc : memref<!tpu.dma_semaphore, #tpu.memory_space<semaphore_mem>>
      %dma_start3A_42 = arith.constant 0 : i32
      %dma_start3A_43 = tpu.memref_slice %arg13[%mul3A_15, %dma_start3A_42] : memref<10112x64xf32, #tpu.memory_space<vmem_shared>> -> memref<632x64xf32, #tpu.memory_space<vmem_shared>>
      %dma_start3A_44 = arith.constant 0 : i32
      %dma_start3A_45 = tpu.memref_slice %arg5[%mul3A_13, %dma_start3A_44] : memref<10112x64xf32, #tpu.memory_space<hbm>> -> memref<632x64xf32, #tpu.memory_space<hbm>>
      tpu.enqueue_dma source(%dma_start3A_45 : memref<632x64xf32, #tpu.memory_space<hbm>>) target(%dma_start3A_43 : memref<632x64xf32, #tpu.memory_space<vmem_shared>>) target_semaphore(%run_scoped3A_41 : memref<!tpu.dma_semaphore, #tpu.memory_space<semaphore_mem>>)
      %dma_wait3A_46 = arith.constant 0 : i32
      %dma_wait3A_47 = tpu.memref_slice %arg13[%mul3A_15, %dma_wait3A_46] : memref<10112x64xf32, #tpu.memory_space<vmem_shared>> -> memref<632x64xf32, #tpu.memory_space<vmem_shared>>
      %dma_wait3A_48 = arith.constant 0 : i32
      %dma_wait3A_49 = tpu.memref_slice %arg5[%mul3A_13, %dma_wait3A_48] : memref<10112x64xf32, #tpu.memory_space<hbm>> -> memref<632x64xf32, #tpu.memory_space<hbm>>
      tpu.wait_dma2 semaphore(%run_scoped3A_41 : memref<!tpu.dma_semaphore, #tpu.memory_space<semaphore_mem>>) src(%dma_wait3A_49 : memref<632x64xf32, #tpu.memory_space<hbm>>) dst(%dma_wait3A_47 : memref<632x64xf32, #tpu.memory_space<vmem_shared>>)
      tpu.yield
    }) : () -> ()
    %barrier3A = arith.constant 0 : index
    tpu.barrier barrier_id(%barrier3A)
    %scan3A = arith.constant 0 : i32
    %scan3A_16 = arith.constant 78 : i32
    %scan3A_17 = arith.addi %scan3A, %scan3A_16 : i32
    %scan3A_18 = arith.constant 1 : i32
    scf.for %scan3A_41 = %scan3A to %scan3A_17 step %scan3A_18  : i32 {
      %mul3A_42 = arith.constant 2 : i32
      %mul3A_43 = arith.muli %scan3A_41, %mul3A_42 : i32
      %add3A = arith.constant 0 : i32
      %add3A_44 = arith.addi %add3A, %mul3A_43 : i32
      %dma_wait3A_45 = arith.constant 0 : i32
      %dma_wait3A_46 = arith.constant 0 : i32
      %dma_wait3A_47 = tpu.memref_slice %arg7[%dma_wait3A_45, %dma_wait3A_46] : memref<158x128xi32, #tpu.memory_space<vmem>> -> memref<1x128xi32, #tpu.memory_space<vmem>>
      %dma_wait3A_48 = tpu.memref_squeeze %dma_wait3A_47 : memref<1x128xi32, #tpu.memory_space<vmem>> -> memref<128xi32, #tpu.memory_space<vmem>>
      %dma_wait3A_49 = arith.constant 0 : i32
      %dma_wait3A_50 = arith.constant 0 : i32
      %dma_wait3A_51 = tpu.memref_slice %arg2[%dma_wait3A_49, %dma_wait3A_50] : memref<20224x64xf32, #tpu.memory_space<hbm>> -> memref<20224x64xf32, #tpu.memory_space<hbm>>
      tpu.wait_indirect_dma semaphore(%arg11 : memref<!tpu.dma_semaphore, #tpu.memory_space<semaphore_mem>>) src(%dma_wait3A_51 : memref<20224x64xf32, #tpu.memory_space<hbm>>) dst(%arg9 : memref<128x64xf32, #tpu.memory_space<vmem>>)
      %add3A_52 = arith.constant 0 : i32
      %add3A_53 = arith.addi %add3A_44, %add3A_52 : i32
      "tpu.region"() ({
        %run_scoped3A_83 = tpu.sem_alloc : memref<!tpu.dma_semaphore, #tpu.memory_space<semaphore_mem>>
        %dma_start3A_84 = arith.constant 0 : i32
        %dma_start3A_85 = tpu.memref_slice %arg8[%add3A_53, %dma_start3A_84] : memref<158x128xi32, #tpu.memory_space<vmem>> -> memref<1x128xi32, #tpu.memory_space<vmem>>
        %dma_start3A_86 = tpu.memref_squeeze %dma_start3A_85 : memref<1x128xi32, #tpu.memory_space<vmem>> -> memref<128xi32, #tpu.memory_space<vmem>>
        %dma_start3A_87 = arith.constant 0 : i32
        %dma_start3A_88 = arith.constant 0 : i32
        %dma_start3A_89 = tpu.memref_slice %arg13[%dma_start3A_87, %dma_start3A_88] : memref<10112x64xf32, #tpu.memory_space<vmem_shared>> -> memref<10112x64xf32, #tpu.memory_space<vmem_shared>>
        tpu.enqueue_indirect_dma source(%arg9 : memref<128x64xf32, #tpu.memory_space<vmem>>) target(%dma_start3A_89 : memref<10112x64xf32, #tpu.memory_space<vmem_shared>>) offsets(%dma_start3A_86 : memref<128xi32, #tpu.memory_space<vmem>>) semaphore(%run_scoped3A_83 : memref<!tpu.dma_semaphore, #tpu.memory_space<semaphore_mem>>) {add = true}
        %dma_wait3A_90 = arith.constant 0 : i32
        %dma_wait3A_91 = tpu.memref_slice %arg8[%add3A_53, %dma_wait3A_90] : memref<158x128xi32, #tpu.memory_space<vmem>> -> memref<1x128xi32, #tpu.memory_space<vmem>>
        %dma_wait3A_92 = tpu.memref_squeeze %dma_wait3A_91 : memref<1x128xi32, #tpu.memory_space<vmem>> -> memref<128xi32, #tpu.memory_space<vmem>>
        %dma_wait3A_93 = arith.constant 0 : i32
        %dma_wait3A_94 = arith.constant 0 : i32
        %dma_wait3A_95 = tpu.memref_slice %arg13[%dma_wait3A_93, %dma_wait3A_94] : memref<10112x64xf32, #tpu.memory_space<vmem_shared>> -> memref<10112x64xf32, #tpu.memory_space<vmem_shared>>
        tpu.wait_indirect_dma semaphore(%run_scoped3A_83 : memref<!tpu.dma_semaphore, #tpu.memory_space<semaphore_mem>>) src(%arg9 : memref<128x64xf32, #tpu.memory_space<vmem>>) dst(%dma_wait3A_95 : memref<10112x64xf32, #tpu.memory_space<vmem_shared>>)
        tpu.yield
      }) : () -> ()
      %add3A_54 = arith.constant 0 : i32
      %add3A_55 = arith.addi %add3A_44, %add3A_54 : i32
      %add3A_56 = arith.constant 2 : i32
      %add3A_57 = arith.addi %add3A_55, %add3A_56 : i32
      %dma_start3A_58 = arith.constant 0 : i32
      %dma_start3A_59 = tpu.memref_slice %arg7[%add3A_57, %dma_start3A_58] : memref<158x128xi32, #tpu.memory_space<vmem>> -> memref<1x128xi32, #tpu.memory_space<vmem>>
      %dma_start3A_60 = tpu.memref_squeeze %dma_start3A_59 : memref<1x128xi32, #tpu.memory_space<vmem>> -> memref<128xi32, #tpu.memory_space<vmem>>
      %dma_start3A_61 = arith.constant 0 : i32
      %dma_start3A_62 = arith.constant 0 : i32
      %dma_start3A_63 = tpu.memref_slice %arg2[%dma_start3A_61, %dma_start3A_62] : memref<20224x64xf32, #tpu.memory_space<hbm>> -> memref<20224x64xf32, #tpu.memory_space<hbm>>
      tpu.enqueue_indirect_dma source(%dma_start3A_63 : memref<20224x64xf32, #tpu.memory_space<hbm>>) target(%arg9 : memref<128x64xf32, #tpu.memory_space<vmem>>) offsets(%dma_start3A_60 : memref<128xi32, #tpu.memory_space<vmem>>) semaphore(%arg11 : memref<!tpu.dma_semaphore, #tpu.memory_space<semaphore_mem>>)
      %dma_wait3A_64 = arith.constant 0 : i32
      %dma_wait3A_65 = arith.constant 0 : i32
      %dma_wait3A_66 = tpu.memref_slice %arg7[%dma_wait3A_64, %dma_wait3A_65] : memref<158x128xi32, #tpu.memory_space<vmem>> -> memref<1x128xi32, #tpu.memory_space<vmem>>
      %dma_wait3A_67 = tpu.memref_squeeze %dma_wait3A_66 : memref<1x128xi32, #tpu.memory_space<vmem>> -> memref<128xi32, #tpu.memory_space<vmem>>
      %dma_wait3A_68 = arith.constant 0 : i32
      %dma_wait3A_69 = arith.constant 0 : i32
      %dma_wait3A_70 = tpu.memref_slice %arg2[%dma_wait3A_68, %dma_wait3A_69] : memref<20224x64xf32, #tpu.memory_space<hbm>> -> memref<20224x64xf32, #tpu.memory_space<hbm>>
      tpu.wait_indirect_dma semaphore(%arg12 : memref<!tpu.dma_semaphore, #tpu.memory_space<semaphore_mem>>) src(%dma_wait3A_70 : memref<20224x64xf32, #tpu.memory_space<hbm>>) dst(%arg10 : memref<128x64xf32, #tpu.memory_space<vmem>>)
      %add3A_71 = arith.constant 1 : i32
      %add3A_72 = arith.addi %add3A_44, %add3A_71 : i32
      "tpu.region"() ({
        %run_scoped3A_83 = tpu.sem_alloc : memref<!tpu.dma_semaphore, #tpu.memory_space<semaphore_mem>>
        %dma_start3A_84 = arith.constant 0 : i32
        %dma_start3A_85 = tpu.memref_slice %arg8[%add3A_72, %dma_start3A_84] : memref<158x128xi32, #tpu.memory_space<vmem>> -> memref<1x128xi32, #tpu.memory_space<vmem>>
        %dma_start3A_86 = tpu.memref_squeeze %dma_start3A_85 : memref<1x128xi32, #tpu.memory_space<vmem>> -> memref<128xi32, #tpu.memory_space<vmem>>
        %dma_start3A_87 = arith.constant 0 : i32
        %dma_start3A_88 = arith.constant 0 : i32
        %dma_start3A_89 = tpu.memref_slice %arg13[%dma_start3A_87, %dma_start3A_88] : memref<10112x64xf32, #tpu.memory_space<vmem_shared>> -> memref<10112x64xf32, #tpu.memory_space<vmem_shared>>
        tpu.enqueue_indirect_dma source(%arg10 : memref<128x64xf32, #tpu.memory_space<vmem>>) target(%dma_start3A_89 : memref<10112x64xf32, #tpu.memory_space<vmem_shared>>) offsets(%dma_start3A_86 : memref<128xi32, #tpu.memory_space<vmem>>) semaphore(%run_scoped3A_83 : memref<!tpu.dma_semaphore, #tpu.memory_space<semaphore_mem>>) {add = true}
        %dma_wait3A_90 = arith.constant 0 : i32
        %dma_wait3A_91 = tpu.memref_slice %arg8[%add3A_72, %dma_wait3A_90] : memref<158x128xi32, #tpu.memory_space<vmem>> -> memref<1x128xi32, #tpu.memory_space<vmem>>
        %dma_wait3A_92 = tpu.memref_squeeze %dma_wait3A_91 : memref<1x128xi32, #tpu.memory_space<vmem>> -> memref<128xi32, #tpu.memory_space<vmem>>
        %dma_wait3A_93 = arith.constant 0 : i32
        %dma_wait3A_94 = arith.constant 0 : i32
        %dma_wait3A_95 = tpu.memref_slice %arg13[%dma_wait3A_93, %dma_wait3A_94] : memref<10112x64xf32, #tpu.memory_space<vmem_shared>> -> memref<10112x64xf32, #tpu.memory_space<vmem_shared>>
        tpu.wait_indirect_dma semaphore(%run_scoped3A_83 : memref<!tpu.dma_semaphore, #tpu.memory_space<semaphore_mem>>) src(%arg10 : memref<128x64xf32, #tpu.memory_space<vmem>>) dst(%dma_wait3A_95 : memref<10112x64xf32, #tpu.memory_space<vmem_shared>>)
        tpu.yield
      }) : () -> ()
      %add3A_73 = arith.constant 1 : i32
      %add3A_74 = arith.addi %add3A_44, %add3A_73 : i32
      %add3A_75 = arith.constant 2 : i32
      %add3A_76 = arith.addi %add3A_74, %add3A_75 : i32
      %dma_start3A_77 = arith.constant 0 : i32
      %dma_start3A_78 = tpu.memref_slice %arg7[%add3A_76, %dma_start3A_77] : memref<158x128xi32, #tpu.memory_space<vmem>> -> memref<1x128xi32, #tpu.memory_space<vmem>>
      %dma_start3A_79 = tpu.memref_squeeze %dma_start3A_78 : memref<1x128xi32, #tpu.memory_space<vmem>> -> memref<128xi32, #tpu.memory_space<vmem>>
      %dma_start3A_80 = arith.constant 0 : i32
      %dma_start3A_81 = arith.constant 0 : i32
      %dma_start3A_82 = tpu.memref_slice %arg2[%dma_start3A_80, %dma_start3A_81] : memref<20224x64xf32, #tpu.memory_space<hbm>> -> memref<20224x64xf32, #tpu.memory_space<hbm>>
      tpu.enqueue_indirect_dma source(%dma_start3A_82 : memref<20224x64xf32, #tpu.memory_space<hbm>>) target(%arg10 : memref<128x64xf32, #tpu.memory_space<vmem>>) offsets(%dma_start3A_79 : memref<128xi32, #tpu.memory_space<vmem>>) semaphore(%arg12 : memref<!tpu.dma_semaphore, #tpu.memory_space<semaphore_mem>>)
    }
    %scan3A_19 = arith.constant 78 : i32
    %dma_wait3A = arith.constant 0 : i32
    %dma_wait3A_20 = arith.constant 0 : i32
    %dma_wait3A_21 = tpu.memref_slice %arg7[%dma_wait3A, %dma_wait3A_20] : memref<158x128xi32, #tpu.memory_space<vmem>> -> memref<1x128xi32, #tpu.memory_space<vmem>>
    %dma_wait3A_22 = tpu.memref_squeeze %dma_wait3A_21 : memref<1x128xi32, #tpu.memory_space<vmem>> -> memref<128xi32, #tpu.memory_space<vmem>>
    %dma_wait3A_23 = arith.constant 0 : i32
    %dma_wait3A_24 = arith.constant 0 : i32
    %dma_wait3A_25 = tpu.memref_slice %arg2[%dma_wait3A_23, %dma_wait3A_24] : memref<20224x64xf32, #tpu.memory_space<hbm>> -> memref<20224x64xf32, #tpu.memory_space<hbm>>
    tpu.wait_indirect_dma semaphore(%arg11 : memref<!tpu.dma_semaphore, #tpu.memory_space<semaphore_mem>>) src(%dma_wait3A_25 : memref<20224x64xf32, #tpu.memory_space<hbm>>) dst(%arg9 : memref<128x64xf32, #tpu.memory_space<vmem>>)
    %run_scoped3A = arith.constant 156 : i32
    "tpu.region"() ({
      %run_scoped3A_41 = tpu.sem_alloc : memref<!tpu.dma_semaphore, #tpu.memory_space<semaphore_mem>>
      %dma_start3A_42 = arith.constant 0 : i32
      %dma_start3A_43 = tpu.memref_slice %arg8[%run_scoped3A, %dma_start3A_42] : memref<158x128xi32, #tpu.memory_space<vmem>> -> memref<1x128xi32, #tpu.memory_space<vmem>>
      %dma_start3A_44 = tpu.memref_squeeze %dma_start3A_43 : memref<1x128xi32, #tpu.memory_space<vmem>> -> memref<128xi32, #tpu.memory_space<vmem>>
      %dma_start3A_45 = arith.constant 0 : i32
      %dma_start3A_46 = arith.constant 0 : i32
      %dma_start3A_47 = tpu.memref_slice %arg13[%dma_start3A_45, %dma_start3A_46] : memref<10112x64xf32, #tpu.memory_space<vmem_shared>> -> memref<10112x64xf32, #tpu.memory_space<vmem_shared>>
      tpu.enqueue_indirect_dma source(%arg9 : memref<128x64xf32, #tpu.memory_space<vmem>>) target(%dma_start3A_47 : memref<10112x64xf32, #tpu.memory_space<vmem_shared>>) offsets(%dma_start3A_44 : memref<128xi32, #tpu.memory_space<vmem>>) semaphore(%run_scoped3A_41 : memref<!tpu.dma_semaphore, #tpu.memory_space<semaphore_mem>>) {add = true}
      %dma_wait3A_48 = arith.constant 0 : i32
      %dma_wait3A_49 = tpu.memref_slice %arg8[%run_scoped3A, %dma_wait3A_48] : memref<158x128xi32, #tpu.memory_space<vmem>> -> memref<1x128xi32, #tpu.memory_space<vmem>>
      %dma_wait3A_50 = tpu.memref_squeeze %dma_wait3A_49 : memref<1x128xi32, #tpu.memory_space<vmem>> -> memref<128xi32, #tpu.memory_space<vmem>>
      %dma_wait3A_51 = arith.constant 0 : i32
      %dma_wait3A_52 = arith.constant 0 : i32
      %dma_wait3A_53 = tpu.memref_slice %arg13[%dma_wait3A_51, %dma_wait3A_52] : memref<10112x64xf32, #tpu.memory_space<vmem_shared>> -> memref<10112x64xf32, #tpu.memory_space<vmem_shared>>
      tpu.wait_indirect_dma semaphore(%run_scoped3A_41 : memref<!tpu.dma_semaphore, #tpu.memory_space<semaphore_mem>>) src(%arg9 : memref<128x64xf32, #tpu.memory_space<vmem>>) dst(%dma_wait3A_53 : memref<10112x64xf32, #tpu.memory_space<vmem_shared>>)
      tpu.yield
    }) : () -> ()
    %dma_wait3A_26 = arith.constant 0 : i32
    %dma_wait3A_27 = arith.constant 0 : i32
    %dma_wait3A_28 = tpu.memref_slice %arg7[%dma_wait3A_26, %dma_wait3A_27] : memref<158x128xi32, #tpu.memory_space<vmem>> -> memref<1x128xi32, #tpu.memory_space<vmem>>
    %dma_wait3A_29 = tpu.memref_squeeze %dma_wait3A_28 : memref<1x128xi32, #tpu.memory_space<vmem>> -> memref<128xi32, #tpu.memory_space<vmem>>
    %dma_wait3A_30 = arith.constant 0 : i32
    %dma_wait3A_31 = arith.constant 0 : i32
    %dma_wait3A_32 = tpu.memref_slice %arg2[%dma_wait3A_30, %dma_wait3A_31] : memref<20224x64xf32, #tpu.memory_space<hbm>> -> memref<20224x64xf32, #tpu.memory_space<hbm>>
    tpu.wait_indirect_dma semaphore(%arg12 : memref<!tpu.dma_semaphore, #tpu.memory_space<semaphore_mem>>) src(%dma_wait3A_32 : memref<20224x64xf32, #tpu.memory_space<hbm>>) dst(%arg10 : memref<128x64xf32, #tpu.memory_space<vmem>>)
    %run_scoped3A_33 = arith.constant 157 : i32
    "tpu.region"() ({
      %run_scoped3A_41 = tpu.sem_alloc : memref<!tpu.dma_semaphore, #tpu.memory_space<semaphore_mem>>
      %dma_start3A_42 = arith.constant 0 : i32
      %dma_start3A_43 = tpu.memref_slice %arg8[%run_scoped3A_33, %dma_start3A_42] : memref<158x128xi32, #tpu.memory_space<vmem>> -> memref<1x128xi32, #tpu.memory_space<vmem>>
      %dma_start3A_44 = tpu.memref_squeeze %dma_start3A_43 : memref<1x128xi32, #tpu.memory_space<vmem>> -> memref<128xi32, #tpu.memory_space<vmem>>
      %dma_start3A_45 = arith.constant 0 : i32
      %dma_start3A_46 = arith.constant 0 : i32
      %dma_start3A_47 = tpu.memref_slice %arg13[%dma_start3A_45, %dma_start3A_46] : memref<10112x64xf32, #tpu.memory_space<vmem_shared>> -> memref<10112x64xf32, #tpu.memory_space<vmem_shared>>
      tpu.enqueue_indirect_dma source(%arg10 : memref<128x64xf32, #tpu.memory_space<vmem>>) target(%dma_start3A_47 : memref<10112x64xf32, #tpu.memory_space<vmem_shared>>) offsets(%dma_start3A_44 : memref<128xi32, #tpu.memory_space<vmem>>) semaphore(%run_scoped3A_41 : memref<!tpu.dma_semaphore, #tpu.memory_space<semaphore_mem>>) {add = true}
      %dma_wait3A_48 = arith.constant 0 : i32
      %dma_wait3A_49 = tpu.memref_slice %arg8[%run_scoped3A_33, %dma_wait3A_48] : memref<158x128xi32, #tpu.memory_space<vmem>> -> memref<1x128xi32, #tpu.memory_space<vmem>>
      %dma_wait3A_50 = tpu.memref_squeeze %dma_wait3A_49 : memref<1x128xi32, #tpu.memory_space<vmem>> -> memref<128xi32, #tpu.memory_space<vmem>>
      %dma_wait3A_51 = arith.constant 0 : i32
      %dma_wait3A_52 = arith.constant 0 : i32
      %dma_wait3A_53 = tpu.memref_slice %arg13[%dma_wait3A_51, %dma_wait3A_52] : memref<10112x64xf32, #tpu.memory_space<vmem_shared>> -> memref<10112x64xf32, #tpu.memory_space<vmem_shared>>
      tpu.wait_indirect_dma semaphore(%run_scoped3A_41 : memref<!tpu.dma_semaphore, #tpu.memory_space<semaphore_mem>>) src(%arg10 : memref<128x64xf32, #tpu.memory_space<vmem>>) dst(%dma_wait3A_53 : memref<10112x64xf32, #tpu.memory_space<vmem_shared>>)
      tpu.yield
    }) : () -> ()
    %barrier3A_34 = arith.constant 0 : index
    tpu.barrier barrier_id(%barrier3A_34)
    %mul3A_35 = arith.constant 624 : i32
    %mul3A_36 = arith.muli %arg1, %mul3A_35 : i32
    %mul3A_37 = arith.constant 624 : i32
    %mul3A_38 = arith.muli %arg1, %mul3A_37 : i32
    "tpu.region"() ({
      %run_scoped3A_41 = tpu.sem_alloc : memref<!tpu.dma_semaphore, #tpu.memory_space<semaphore_mem>>
      %dma_start3A_42 = arith.constant 0 : i32
      %dma_start3A_43 = tpu.memref_slice %arg6[%arg0, %mul3A_38, %dma_start3A_42] : memref<2x10000x64xf32, #tpu.memory_space<hbm>> -> memref<1x624x64xf32, #tpu.memory_space<hbm>>
      %dma_start3A_44 = tpu.memref_squeeze %dma_start3A_43 : memref<1x624x64xf32, #tpu.memory_space<hbm>> -> memref<624x64xf32, #tpu.memory_space<hbm>>
      %dma_start3A_45 = arith.constant 0 : i32
      %dma_start3A_46 = tpu.memref_slice %arg13[%mul3A_36, %dma_start3A_45] : memref<10112x64xf32, #tpu.memory_space<vmem_shared>> -> memref<624x64xf32, #tpu.memory_space<vmem_shared>>
      tpu.enqueue_dma source(%dma_start3A_46 : memref<624x64xf32, #tpu.memory_space<vmem_shared>>) target(%dma_start3A_44 : memref<624x64xf32, #tpu.memory_space<hbm>>) target_semaphore(%run_scoped3A_41 : memref<!tpu.dma_semaphore, #tpu.memory_space<semaphore_mem>>)
      %dma_wait3A_47 = arith.constant 0 : i32
      %dma_wait3A_48 = tpu.memref_slice %arg6[%arg0, %mul3A_38, %dma_wait3A_47] : memref<2x10000x64xf32, #tpu.memory_space<hbm>> -> memref<1x624x64xf32, #tpu.memory_space<hbm>>
      %dma_wait3A_49 = tpu.memref_squeeze %dma_wait3A_48 : memref<1x624x64xf32, #tpu.memory_space<hbm>> -> memref<624x64xf32, #tpu.memory_space<hbm>>
      %dma_wait3A_50 = arith.constant 0 : i32
      %dma_wait3A_51 = tpu.memref_slice %arg13[%mul3A_36, %dma_wait3A_50] : memref<10112x64xf32, #tpu.memory_space<vmem_shared>> -> memref<624x64xf32, #tpu.memory_space<vmem_shared>>
      tpu.wait_dma2 semaphore(%run_scoped3A_41 : memref<!tpu.dma_semaphore, #tpu.memory_space<semaphore_mem>>) src(%dma_wait3A_51 : memref<624x64xf32, #tpu.memory_space<vmem_shared>>) dst(%dma_wait3A_49 : memref<624x64xf32, #tpu.memory_space<hbm>>)
      tpu.yield
    }) : () -> ()
    %eq3A = arith.constant 0 : i32
    %eq3A_39 = arith.cmpi eq, %arg1, %eq3A : i32
    %convert_element_type3A = arith.extui %eq3A_39 : i1 to i32
    %cond3A = arith.constant 0 : i32
    %cond3A_40 = arith.cmpi ne, %convert_element_type3A, %cond3A : i32
    scf.if %cond3A_40 {
      "tpu.region"() ({
        %run_scoped3A_41 = tpu.sem_alloc : memref<!tpu.dma_semaphore, #tpu.memory_space<semaphore_mem>>
        %dma_start3A_42 = arith.constant 9984 : i32
        %dma_start3A_43 = arith.constant 0 : i32
        %dma_start3A_44 = tpu.memref_slice %arg6[%arg0, %dma_start3A_42, %dma_start3A_43] : memref<2x10000x64xf32, #tpu.memory_space<hbm>> -> memref<1x16x64xf32, #tpu.memory_space<hbm>>
        %dma_start3A_45 = tpu.memref_squeeze %dma_start3A_44 : memref<1x16x64xf32, #tpu.memory_space<hbm>> -> memref<16x64xf32, #tpu.memory_space<hbm>>
        %dma_start3A_46 = arith.constant 9984 : i32
        %dma_start3A_47 = arith.constant 0 : i32
        %dma_start3A_48 = tpu.memref_slice %arg13[%dma_start3A_46, %dma_start3A_47] : memref<10112x64xf32, #tpu.memory_space<vmem_shared>> -> memref<16x64xf32, #tpu.memory_space<vmem_shared>>
        tpu.enqueue_dma source(%dma_start3A_48 : memref<16x64xf32, #tpu.memory_space<vmem_shared>>) target(%dma_start3A_45 : memref<16x64xf32, #tpu.memory_space<hbm>>) target_semaphore(%run_scoped3A_41 : memref<!tpu.dma_semaphore, #tpu.memory_space<semaphore_mem>>)
        %dma_wait3A_49 = arith.constant 9984 : i32
        %dma_wait3A_50 = arith.constant 0 : i32
        %dma_wait3A_51 = tpu.memref_slice %arg6[%arg0, %dma_wait3A_49, %dma_wait3A_50] : memref<2x10000x64xf32, #tpu.memory_space<hbm>> -> memref<1x16x64xf32, #tpu.memory_space<hbm>>
        %dma_wait3A_52 = tpu.memref_squeeze %dma_wait3A_51 : memref<1x16x64xf32, #tpu.memory_space<hbm>> -> memref<16x64xf32, #tpu.memory_space<hbm>>
        %dma_wait3A_53 = arith.constant 9984 : i32
        %dma_wait3A_54 = arith.constant 0 : i32
        %dma_wait3A_55 = tpu.memref_slice %arg13[%dma_wait3A_53, %dma_wait3A_54] : memref<10112x64xf32, #tpu.memory_space<vmem_shared>> -> memref<16x64xf32, #tpu.memory_space<vmem_shared>>
        tpu.wait_dma2 semaphore(%run_scoped3A_41 : memref<!tpu.dma_semaphore, #tpu.memory_space<semaphore_mem>>) src(%dma_wait3A_55 : memref<16x64xf32, #tpu.memory_space<vmem_shared>>) dst(%dma_wait3A_52 : memref<16x64xf32, #tpu.memory_space<hbm>>)
        tpu.yield
      }) : () -> ()
    } else {
    }
    return
  }
}

#map = affine_map<(d0, d1) -> (0, 0)>
#map1 = affine_map<(d0, d1) -> (0, 0, 0, 0)>
#map2 = affine_map<(d0, d1) -> (0, 0, 0)>
module attributes {stable_mosaic.version = 14 : i64} {
  func.func @agg_kernel(%arg0: i32, %arg1: i32, %arg2: memref<20224x64xf32, #tpu.memory_space<hbm>>, %arg3: memref<2x16x158x128xi32, #tpu.memory_space<hbm>>, %arg4: memref<16x158x128xi32, #tpu.memory_space<hbm>>, %arg5: memref<10112x64xf32, #tpu.memory_space<hbm>>, %arg6: memref<2x10000x64xf32, #tpu.memory_space<hbm>>, %arg7: memref<158x128xi32, #tpu.memory_space<vmem>>, %arg8: memref<158x128xi32, #tpu.memory_space<vmem>>, %arg9: memref<128x64xf32, #tpu.memory_space<vmem>>, %arg10: memref<128x64xf32, #tpu.memory_space<vmem>>, %arg11: memref<!tpu.dma_semaphore, #tpu.memory_space<semaphore_mem>>, %arg12: memref<!tpu.dma_semaphore, #tpu.memory_space<semaphore_mem>>, %arg13: memref<10112x64xf32, #tpu.memory_space<vmem_shared>>) attributes {dimension_semantics = [#tpu.dimension_semantics<core_parallel>, #tpu.dimension_semantics<subcore_parallel>], iteration_bounds = array<i64: 2, 16>, scalar_prefetch = 0 : i64, scratch_operands = 7 : i64, tpu.core_type = #tpu.core_type<sc_vector_subcore>, window_params = [{transform_indices = #map}, {transform_indices = #map1}, {transform_indices = #map2}, {transform_indices = #map}, {transform_indices = #map2}]} {
    "tpu.region"() ({
      %run_scoped3A_41 = tpu.sem_alloc : memref<!tpu.dma_semaphore, #tpu.memory_space<semaphore_mem>>
      %dma_start3A_42 = arith.constant 0 : i32
      %dma_start3A_43 = arith.constant 0 : i32
      %dma_start3A_44 = tpu.memref_slice %arg3[%arg0, %arg1, %dma_start3A_42, %dma_start3A_43] : memref<2x16x158x128xi32, #tpu.memory_space<hbm>> -> memref<1x1x158x128xi32, #tpu.memory_space<hbm>>
      %dma_start3A_45 = tpu.memref_squeeze %dma_start3A_44 : memref<1x1x158x128xi32, #tpu.memory_space<hbm>> -> memref<158x128xi32, #tpu.memory_space<hbm>>
      %dma_start3A_46 = arith.constant 0 : i32
      %dma_start3A_47 = arith.constant 0 : i32
      %dma_start3A_48 = tpu.memref_slice %arg3[%arg0, %arg1, %dma_start3A_46, %dma_start3A_47] : memref<2x16x158x128xi32, #tpu.memory_space<hbm>> -> memref<1x1x158x128xi32, #tpu.memory_space<hbm>>
      %dma_start3A_49 = tpu.memref_squeeze %dma_start3A_48 : memref<1x1x158x128xi32, #tpu.memory_space<hbm>> -> memref<158x128xi32, #tpu.memory_space<hbm>>
      tpu.enqueue_dma source(%dma_start3A_49 : memref<158x128xi32, #tpu.memory_space<hbm>>) target(%arg7 : memref<158x128xi32, #tpu.memory_space<vmem>>) target_semaphore(%run_scoped3A_41 : memref<!tpu.dma_semaphore, #tpu.memory_space<semaphore_mem>>)
      %dma_wait3A_50 = arith.constant 0 : i32
      %dma_wait3A_51 = arith.constant 0 : i32
      %dma_wait3A_52 = tpu.memref_slice %arg3[%arg0, %arg1, %dma_wait3A_50, %dma_wait3A_51] : memref<2x16x158x128xi32, #tpu.memory_space<hbm>> -> memref<1x1x158x128xi32, #tpu.memory_space<hbm>>
      %dma_wait3A_53 = tpu.memref_squeeze %dma_wait3A_52 : memref<1x1x158x128xi32, #tpu.memory_space<hbm>> -> memref<158x128xi32, #tpu.memory_space<hbm>>
      %dma_wait3A_54 = arith.constant 0 : i32
      %dma_wait3A_55 = arith.constant 0 : i32
      %dma_wait3A_56 = tpu.memref_slice %arg3[%arg0, %arg1, %dma_wait3A_54, %dma_wait3A_55] : memref<2x16x158x128xi32, #tpu.memory_space<hbm>> -> memref<1x1x158x128xi32, #tpu.memory_space<hbm>>
      %dma_wait3A_57 = tpu.memref_squeeze %dma_wait3A_56 : memref<1x1x158x128xi32, #tpu.memory_space<hbm>> -> memref<158x128xi32, #tpu.memory_space<hbm>>
      tpu.wait_dma2 semaphore(%run_scoped3A_41 : memref<!tpu.dma_semaphore, #tpu.memory_space<semaphore_mem>>) src(%dma_wait3A_57 : memref<158x128xi32, #tpu.memory_space<hbm>>) dst(%arg7 : memref<158x128xi32, #tpu.memory_space<vmem>>)
      tpu.yield
    }) : () -> ()
    %dma_start3A = arith.constant 0 : i32
    %dma_start3A_0 = arith.constant 0 : i32
    %dma_start3A_1 = tpu.memref_slice %arg7[%dma_start3A, %dma_start3A_0] : memref<158x128xi32, #tpu.memory_space<vmem>> -> memref<1x128xi32, #tpu.memory_space<vmem>>
    %dma_start3A_2 = tpu.memref_squeeze %dma_start3A_1 : memref<1x128xi32, #tpu.memory_space<vmem>> -> memref<128xi32, #tpu.memory_space<vmem>>
    %dma_start3A_3 = arith.constant 0 : i32
    %dma_start3A_4 = arith.constant 0 : i32
    %dma_start3A_5 = tpu.memref_slice %arg2[%dma_start3A_3, %dma_start3A_4] : memref<20224x64xf32, #tpu.memory_space<hbm>> -> memref<20224x64xf32, #tpu.memory_space<hbm>>
    tpu.enqueue_indirect_dma source(%dma_start3A_5 : memref<20224x64xf32, #tpu.memory_space<hbm>>) target(%arg9 : memref<128x64xf32, #tpu.memory_space<vmem>>) offsets(%dma_start3A_2 : memref<128xi32, #tpu.memory_space<vmem>>) semaphore(%arg11 : memref<!tpu.dma_semaphore, #tpu.memory_space<semaphore_mem>>)
    %dma_start3A_6 = arith.constant 1 : i32
    %dma_start3A_7 = arith.constant 0 : i32
    %dma_start3A_8 = tpu.memref_slice %arg7[%dma_start3A_6, %dma_start3A_7] : memref<158x128xi32, #tpu.memory_space<vmem>> -> memref<1x128xi32, #tpu.memory_space<vmem>>
    %dma_start3A_9 = tpu.memref_squeeze %dma_start3A_8 : memref<1x128xi32, #tpu.memory_space<vmem>> -> memref<128xi32, #tpu.memory_space<vmem>>
    %dma_start3A_10 = arith.constant 0 : i32
    %dma_start3A_11 = arith.constant 0 : i32
    %dma_start3A_12 = tpu.memref_slice %arg2[%dma_start3A_10, %dma_start3A_11] : memref<20224x64xf32, #tpu.memory_space<hbm>> -> memref<20224x64xf32, #tpu.memory_space<hbm>>
    tpu.enqueue_indirect_dma source(%dma_start3A_12 : memref<20224x64xf32, #tpu.memory_space<hbm>>) target(%arg10 : memref<128x64xf32, #tpu.memory_space<vmem>>) offsets(%dma_start3A_9 : memref<128xi32, #tpu.memory_space<vmem>>) semaphore(%arg12 : memref<!tpu.dma_semaphore, #tpu.memory_space<semaphore_mem>>)
    "tpu.region"() ({
      %run_scoped3A_41 = tpu.sem_alloc : memref<!tpu.dma_semaphore, #tpu.memory_space<semaphore_mem>>
      %dma_start3A_42 = arith.constant 0 : i32
      %dma_start3A_43 = arith.constant 0 : i32
      %dma_start3A_44 = tpu.memref_slice %arg4[%arg1, %dma_start3A_42, %dma_start3A_43] : memref<16x158x128xi32, #tpu.memory_space<hbm>> -> memref<1x158x128xi32, #tpu.memory_space<hbm>>
      %dma_start3A_45 = tpu.memref_squeeze %dma_start3A_44 : memref<1x158x128xi32, #tpu.memory_space<hbm>> -> memref<158x128xi32, #tpu.memory_space<hbm>>
      %dma_start3A_46 = arith.constant 0 : i32
      %dma_start3A_47 = arith.constant 0 : i32
      %dma_start3A_48 = tpu.memref_slice %arg4[%arg1, %dma_start3A_46, %dma_start3A_47] : memref<16x158x128xi32, #tpu.memory_space<hbm>> -> memref<1x158x128xi32, #tpu.memory_space<hbm>>
      %dma_start3A_49 = tpu.memref_squeeze %dma_start3A_48 : memref<1x158x128xi32, #tpu.memory_space<hbm>> -> memref<158x128xi32, #tpu.memory_space<hbm>>
      tpu.enqueue_dma source(%dma_start3A_49 : memref<158x128xi32, #tpu.memory_space<hbm>>) target(%arg8 : memref<158x128xi32, #tpu.memory_space<vmem>>) target_semaphore(%run_scoped3A_41 : memref<!tpu.dma_semaphore, #tpu.memory_space<semaphore_mem>>)
      %dma_wait3A_50 = arith.constant 0 : i32
      %dma_wait3A_51 = arith.constant 0 : i32
      %dma_wait3A_52 = tpu.memref_slice %arg4[%arg1, %dma_wait3A_50, %dma_wait3A_51] : memref<16x158x128xi32, #tpu.memory_space<hbm>> -> memref<1x158x128xi32, #tpu.memory_space<hbm>>
      %dma_wait3A_53 = tpu.memref_squeeze %dma_wait3A_52 : memref<1x158x128xi32, #tpu.memory_space<hbm>> -> memref<158x128xi32, #tpu.memory_space<hbm>>
      %dma_wait3A_54 = arith.constant 0 : i32
      %dma_wait3A_55 = arith.constant 0 : i32
      %dma_wait3A_56 = tpu.memref_slice %arg4[%arg1, %dma_wait3A_54, %dma_wait3A_55] : memref<16x158x128xi32, #tpu.memory_space<hbm>> -> memref<1x158x128xi32, #tpu.memory_space<hbm>>
      %dma_wait3A_57 = tpu.memref_squeeze %dma_wait3A_56 : memref<1x158x128xi32, #tpu.memory_space<hbm>> -> memref<158x128xi32, #tpu.memory_space<hbm>>
      tpu.wait_dma2 semaphore(%run_scoped3A_41 : memref<!tpu.dma_semaphore, #tpu.memory_space<semaphore_mem>>) src(%dma_wait3A_57 : memref<158x128xi32, #tpu.memory_space<hbm>>) dst(%arg8 : memref<158x128xi32, #tpu.memory_space<vmem>>)
      tpu.yield
    }) : () -> ()
    %mul3A = arith.constant 632 : i32
    %mul3A_13 = arith.muli %arg1, %mul3A : i32
    %mul3A_14 = arith.constant 632 : i32
    %mul3A_15 = arith.muli %arg1, %mul3A_14 : i32
    "tpu.region"() ({
      %run_scoped3A_41 = tpu.sem_alloc : memref<!tpu.dma_semaphore, #tpu.memory_space<semaphore_mem>>
      %dma_start3A_42 = arith.constant 0 : i32
      %dma_start3A_43 = tpu.memref_slice %arg13[%mul3A_15, %dma_start3A_42] : memref<10112x64xf32, #tpu.memory_space<vmem_shared>> -> memref<632x64xf32, #tpu.memory_space<vmem_shared>>
      %dma_start3A_44 = arith.constant 0 : i32
      %dma_start3A_45 = tpu.memref_slice %arg5[%mul3A_13, %dma_start3A_44] : memref<10112x64xf32, #tpu.memory_space<hbm>> -> memref<632x64xf32, #tpu.memory_space<hbm>>
      tpu.enqueue_dma source(%dma_start3A_45 : memref<632x64xf32, #tpu.memory_space<hbm>>) target(%dma_start3A_43 : memref<632x64xf32, #tpu.memory_space<vmem_shared>>) target_semaphore(%run_scoped3A_41 : memref<!tpu.dma_semaphore, #tpu.memory_space<semaphore_mem>>)
      %dma_wait3A_46 = arith.constant 0 : i32
      %dma_wait3A_47 = tpu.memref_slice %arg13[%mul3A_15, %dma_wait3A_46] : memref<10112x64xf32, #tpu.memory_space<vmem_shared>> -> memref<632x64xf32, #tpu.memory_space<vmem_shared>>
      %dma_wait3A_48 = arith.constant 0 : i32
      %dma_wait3A_49 = tpu.memref_slice %arg5[%mul3A_13, %dma_wait3A_48] : memref<10112x64xf32, #tpu.memory_space<hbm>> -> memref<632x64xf32, #tpu.memory_space<hbm>>
      tpu.wait_dma2 semaphore(%run_scoped3A_41 : memref<!tpu.dma_semaphore, #tpu.memory_space<semaphore_mem>>) src(%dma_wait3A_49 : memref<632x64xf32, #tpu.memory_space<hbm>>) dst(%dma_wait3A_47 : memref<632x64xf32, #tpu.memory_space<vmem_shared>>)
      tpu.yield
    }) : () -> ()
    %barrier3A = arith.constant 0 : index
    tpu.barrier barrier_id(%barrier3A)
    %scan3A = arith.constant 0 : i32
    %scan3A_16 = arith.constant 78 : i32
    %scan3A_17 = arith.addi %scan3A, %scan3A_16 : i32
    %scan3A_18 = arith.constant 1 : i32
    scf.for %scan3A_41 = %scan3A to %scan3A_17 step %scan3A_18  : i32 {
      %mul3A_42 = arith.constant 2 : i32
      %mul3A_43 = arith.muli %scan3A_41, %mul3A_42 : i32
      %add3A = arith.constant 0 : i32
      %add3A_44 = arith.addi %add3A, %mul3A_43 : i32
      %dma_wait3A_45 = arith.constant 0 : i32
      %dma_wait3A_46 = arith.constant 0 : i32
      %dma_wait3A_47 = tpu.memref_slice %arg7[%dma_wait3A_45, %dma_wait3A_46] : memref<158x128xi32, #tpu.memory_space<vmem>> -> memref<1x128xi32, #tpu.memory_space<vmem>>
      %dma_wait3A_48 = tpu.memref_squeeze %dma_wait3A_47 : memref<1x128xi32, #tpu.memory_space<vmem>> -> memref<128xi32, #tpu.memory_space<vmem>>
      %dma_wait3A_49 = arith.constant 0 : i32
      %dma_wait3A_50 = arith.constant 0 : i32
      %dma_wait3A_51 = tpu.memref_slice %arg2[%dma_wait3A_49, %dma_wait3A_50] : memref<20224x64xf32, #tpu.memory_space<hbm>> -> memref<20224x64xf32, #tpu.memory_space<hbm>>
      tpu.wait_indirect_dma semaphore(%arg11 : memref<!tpu.dma_semaphore, #tpu.memory_space<semaphore_mem>>) src(%dma_wait3A_51 : memref<20224x64xf32, #tpu.memory_space<hbm>>) dst(%arg9 : memref<128x64xf32, #tpu.memory_space<vmem>>)
      %add3A_52 = arith.constant 0 : i32
      %add3A_53 = arith.addi %add3A_44, %add3A_52 : i32
      "tpu.region"() ({
        %run_scoped3A_83 = tpu.sem_alloc : memref<!tpu.dma_semaphore, #tpu.memory_space<semaphore_mem>>
        %dma_start3A_84 = arith.constant 0 : i32
        %dma_start3A_85 = tpu.memref_slice %arg8[%add3A_53, %dma_start3A_84] : memref<158x128xi32, #tpu.memory_space<vmem>> -> memref<1x128xi32, #tpu.memory_space<vmem>>
        %dma_start3A_86 = tpu.memref_squeeze %dma_start3A_85 : memref<1x128xi32, #tpu.memory_space<vmem>> -> memref<128xi32, #tpu.memory_space<vmem>>
        %dma_start3A_87 = arith.constant 0 : i32
        %dma_start3A_88 = arith.constant 0 : i32
        %dma_start3A_89 = tpu.memref_slice %arg13[%dma_start3A_87, %dma_start3A_88] : memref<10112x64xf32, #tpu.memory_space<vmem_shared>> -> memref<10112x64xf32, #tpu.memory_space<vmem_shared>>
        tpu.enqueue_indirect_dma source(%arg9 : memref<128x64xf32, #tpu.memory_space<vmem>>) target(%dma_start3A_89 : memref<10112x64xf32, #tpu.memory_space<vmem_shared>>) offsets(%dma_start3A_86 : memref<128xi32, #tpu.memory_space<vmem>>) semaphore(%run_scoped3A_83 : memref<!tpu.dma_semaphore, #tpu.memory_space<semaphore_mem>>) {add = true}
        %dma_wait3A_90 = arith.constant 0 : i32
        %dma_wait3A_91 = tpu.memref_slice %arg8[%add3A_53, %dma_wait3A_90] : memref<158x128xi32, #tpu.memory_space<vmem>> -> memref<1x128xi32, #tpu.memory_space<vmem>>
        %dma_wait3A_92 = tpu.memref_squeeze %dma_wait3A_91 : memref<1x128xi32, #tpu.memory_space<vmem>> -> memref<128xi32, #tpu.memory_space<vmem>>
        %dma_wait3A_93 = arith.constant 0 : i32
        %dma_wait3A_94 = arith.constant 0 : i32
        %dma_wait3A_95 = tpu.memref_slice %arg13[%dma_wait3A_93, %dma_wait3A_94] : memref<10112x64xf32, #tpu.memory_space<vmem_shared>> -> memref<10112x64xf32, #tpu.memory_space<vmem_shared>>
        tpu.wait_indirect_dma semaphore(%run_scoped3A_83 : memref<!tpu.dma_semaphore, #tpu.memory_space<semaphore_mem>>) src(%arg9 : memref<128x64xf32, #tpu.memory_space<vmem>>) dst(%dma_wait3A_95 : memref<10112x64xf32, #tpu.memory_space<vmem_shared>>)
        tpu.yield
      }) : () -> ()
      %add3A_54 = arith.constant 0 : i32
      %add3A_55 = arith.addi %add3A_44, %add3A_54 : i32
      %add3A_56 = arith.constant 2 : i32
      %add3A_57 = arith.addi %add3A_55, %add3A_56 : i32
      %dma_start3A_58 = arith.constant 0 : i32
      %dma_start3A_59 = tpu.memref_slice %arg7[%add3A_57, %dma_start3A_58] : memref<158x128xi32, #tpu.memory_space<vmem>> -> memref<1x128xi32, #tpu.memory_space<vmem>>
      %dma_start3A_60 = tpu.memref_squeeze %dma_start3A_59 : memref<1x128xi32, #tpu.memory_space<vmem>> -> memref<128xi32, #tpu.memory_space<vmem>>
      %dma_start3A_61 = arith.constant 0 : i32
      %dma_start3A_62 = arith.constant 0 : i32
      %dma_start3A_63 = tpu.memref_slice %arg2[%dma_start3A_61, %dma_start3A_62] : memref<20224x64xf32, #tpu.memory_space<hbm>> -> memref<20224x64xf32, #tpu.memory_space<hbm>>
      tpu.enqueue_indirect_dma source(%dma_start3A_63 : memref<20224x64xf32, #tpu.memory_space<hbm>>) target(%arg9 : memref<128x64xf32, #tpu.memory_space<vmem>>) offsets(%dma_start3A_60 : memref<128xi32, #tpu.memory_space<vmem>>) semaphore(%arg11 : memref<!tpu.dma_semaphore, #tpu.memory_space<semaphore_mem>>)
      %dma_wait3A_64 = arith.constant 0 : i32
      %dma_wait3A_65 = arith.constant 0 : i32
      %dma_wait3A_66 = tpu.memref_slice %arg7[%dma_wait3A_64, %dma_wait3A_65] : memref<158x128xi32, #tpu.memory_space<vmem>> -> memref<1x128xi32, #tpu.memory_space<vmem>>
      %dma_wait3A_67 = tpu.memref_squeeze %dma_wait3A_66 : memref<1x128xi32, #tpu.memory_space<vmem>> -> memref<128xi32, #tpu.memory_space<vmem>>
      %dma_wait3A_68 = arith.constant 0 : i32
      %dma_wait3A_69 = arith.constant 0 : i32
      %dma_wait3A_70 = tpu.memref_slice %arg2[%dma_wait3A_68, %dma_wait3A_69] : memref<20224x64xf32, #tpu.memory_space<hbm>> -> memref<20224x64xf32, #tpu.memory_space<hbm>>
      tpu.wait_indirect_dma semaphore(%arg12 : memref<!tpu.dma_semaphore, #tpu.memory_space<semaphore_mem>>) src(%dma_wait3A_70 : memref<20224x64xf32, #tpu.memory_space<hbm>>) dst(%arg10 : memref<128x64xf32, #tpu.memory_space<vmem>>)
      %add3A_71 = arith.constant 1 : i32
      %add3A_72 = arith.addi %add3A_44, %add3A_71 : i32
      "tpu.region"() ({
        %run_scoped3A_83 = tpu.sem_alloc : memref<!tpu.dma_semaphore, #tpu.memory_space<semaphore_mem>>
        %dma_start3A_84 = arith.constant 0 : i32
        %dma_start3A_85 = tpu.memref_slice %arg8[%add3A_72, %dma_start3A_84] : memref<158x128xi32, #tpu.memory_space<vmem>> -> memref<1x128xi32, #tpu.memory_space<vmem>>
        %dma_start3A_86 = tpu.memref_squeeze %dma_start3A_85 : memref<1x128xi32, #tpu.memory_space<vmem>> -> memref<128xi32, #tpu.memory_space<vmem>>
        %dma_start3A_87 = arith.constant 0 : i32
        %dma_start3A_88 = arith.constant 0 : i32
        %dma_start3A_89 = tpu.memref_slice %arg13[%dma_start3A_87, %dma_start3A_88] : memref<10112x64xf32, #tpu.memory_space<vmem_shared>> -> memref<10112x64xf32, #tpu.memory_space<vmem_shared>>
        tpu.enqueue_indirect_dma source(%arg10 : memref<128x64xf32, #tpu.memory_space<vmem>>) target(%dma_start3A_89 : memref<10112x64xf32, #tpu.memory_space<vmem_shared>>) offsets(%dma_start3A_86 : memref<128xi32, #tpu.memory_space<vmem>>) semaphore(%run_scoped3A_83 : memref<!tpu.dma_semaphore, #tpu.memory_space<semaphore_mem>>) {add = true}
        %dma_wait3A_90 = arith.constant 0 : i32
        %dma_wait3A_91 = tpu.memref_slice %arg8[%add3A_72, %dma_wait3A_90] : memref<158x128xi32, #tpu.memory_space<vmem>> -> memref<1x128xi32, #tpu.memory_space<vmem>>
        %dma_wait3A_92 = tpu.memref_squeeze %dma_wait3A_91 : memref<1x128xi32, #tpu.memory_space<vmem>> -> memref<128xi32, #tpu.memory_space<vmem>>
        %dma_wait3A_93 = arith.constant 0 : i32
        %dma_wait3A_94 = arith.constant 0 : i32
        %dma_wait3A_95 = tpu.memref_slice %arg13[%dma_wait3A_93, %dma_wait3A_94] : memref<10112x64xf32, #tpu.memory_space<vmem_shared>> -> memref<10112x64xf32, #tpu.memory_space<vmem_shared>>
        tpu.wait_indirect_dma semaphore(%run_scoped3A_83 : memref<!tpu.dma_semaphore, #tpu.memory_space<semaphore_mem>>) src(%arg10 : memref<128x64xf32, #tpu.memory_space<vmem>>) dst(%dma_wait3A_95 : memref<10112x64xf32, #tpu.memory_space<vmem_shared>>)
        tpu.yield
      }) : () -> ()
      %add3A_73 = arith.constant 1 : i32
      %add3A_74 = arith.addi %add3A_44, %add3A_73 : i32
      %add3A_75 = arith.constant 2 : i32
      %add3A_76 = arith.addi %add3A_74, %add3A_75 : i32
      %dma_start3A_77 = arith.constant 0 : i32
      %dma_start3A_78 = tpu.memref_slice %arg7[%add3A_76, %dma_start3A_77] : memref<158x128xi32, #tpu.memory_space<vmem>> -> memref<1x128xi32, #tpu.memory_space<vmem>>
      %dma_start3A_79 = tpu.memref_squeeze %dma_start3A_78 : memref<1x128xi32, #tpu.memory_space<vmem>> -> memref<128xi32, #tpu.memory_space<vmem>>
      %dma_start3A_80 = arith.constant 0 : i32
      %dma_start3A_81 = arith.constant 0 : i32
      %dma_start3A_82 = tpu.memref_slice %arg2[%dma_start3A_80, %dma_start3A_81] : memref<20224x64xf32, #tpu.memory_space<hbm>> -> memref<20224x64xf32, #tpu.memory_space<hbm>>
      tpu.enqueue_indirect_dma source(%dma_start3A_82 : memref<20224x64xf32, #tpu.memory_space<hbm>>) target(%arg10 : memref<128x64xf32, #tpu.memory_space<vmem>>) offsets(%dma_start3A_79 : memref<128xi32, #tpu.memory_space<vmem>>) semaphore(%arg12 : memref<!tpu.dma_semaphore, #tpu.memory_space<semaphore_mem>>)
    }
    %scan3A_19 = arith.constant 78 : i32
    %dma_wait3A = arith.constant 0 : i32
    %dma_wait3A_20 = arith.constant 0 : i32
    %dma_wait3A_21 = tpu.memref_slice %arg7[%dma_wait3A, %dma_wait3A_20] : memref<158x128xi32, #tpu.memory_space<vmem>> -> memref<1x128xi32, #tpu.memory_space<vmem>>
    %dma_wait3A_22 = tpu.memref_squeeze %dma_wait3A_21 : memref<1x128xi32, #tpu.memory_space<vmem>> -> memref<128xi32, #tpu.memory_space<vmem>>
    %dma_wait3A_23 = arith.constant 0 : i32
    %dma_wait3A_24 = arith.constant 0 : i32
    %dma_wait3A_25 = tpu.memref_slice %arg2[%dma_wait3A_23, %dma_wait3A_24] : memref<20224x64xf32, #tpu.memory_space<hbm>> -> memref<20224x64xf32, #tpu.memory_space<hbm>>
    tpu.wait_indirect_dma semaphore(%arg11 : memref<!tpu.dma_semaphore, #tpu.memory_space<semaphore_mem>>) src(%dma_wait3A_25 : memref<20224x64xf32, #tpu.memory_space<hbm>>) dst(%arg9 : memref<128x64xf32, #tpu.memory_space<vmem>>)
    %run_scoped3A = arith.constant 156 : i32
    "tpu.region"() ({
      %run_scoped3A_41 = tpu.sem_alloc : memref<!tpu.dma_semaphore, #tpu.memory_space<semaphore_mem>>
      %dma_start3A_42 = arith.constant 0 : i32
      %dma_start3A_43 = tpu.memref_slice %arg8[%run_scoped3A, %dma_start3A_42] : memref<158x128xi32, #tpu.memory_space<vmem>> -> memref<1x128xi32, #tpu.memory_space<vmem>>
      %dma_start3A_44 = tpu.memref_squeeze %dma_start3A_43 : memref<1x128xi32, #tpu.memory_space<vmem>> -> memref<128xi32, #tpu.memory_space<vmem>>
      %dma_start3A_45 = arith.constant 0 : i32
      %dma_start3A_46 = arith.constant 0 : i32
      %dma_start3A_47 = tpu.memref_slice %arg13[%dma_start3A_45, %dma_start3A_46] : memref<10112x64xf32, #tpu.memory_space<vmem_shared>> -> memref<10112x64xf32, #tpu.memory_space<vmem_shared>>
      tpu.enqueue_indirect_dma source(%arg9 : memref<128x64xf32, #tpu.memory_space<vmem>>) target(%dma_start3A_47 : memref<10112x64xf32, #tpu.memory_space<vmem_shared>>) offsets(%dma_start3A_44 : memref<128xi32, #tpu.memory_space<vmem>>) semaphore(%run_scoped3A_41 : memref<!tpu.dma_semaphore, #tpu.memory_space<semaphore_mem>>) {add = true}
      %dma_wait3A_48 = arith.constant 0 : i32
      %dma_wait3A_49 = tpu.memref_slice %arg8[%run_scoped3A, %dma_wait3A_48] : memref<158x128xi32, #tpu.memory_space<vmem>> -> memref<1x128xi32, #tpu.memory_space<vmem>>
      %dma_wait3A_50 = tpu.memref_squeeze %dma_wait3A_49 : memref<1x128xi32, #tpu.memory_space<vmem>> -> memref<128xi32, #tpu.memory_space<vmem>>
      %dma_wait3A_51 = arith.constant 0 : i32
      %dma_wait3A_52 = arith.constant 0 : i32
      %dma_wait3A_53 = tpu.memref_slice %arg13[%dma_wait3A_51, %dma_wait3A_52] : memref<10112x64xf32, #tpu.memory_space<vmem_shared>> -> memref<10112x64xf32, #tpu.memory_space<vmem_shared>>
      tpu.wait_indirect_dma semaphore(%run_scoped3A_41 : memref<!tpu.dma_semaphore, #tpu.memory_space<semaphore_mem>>) src(%arg9 : memref<128x64xf32, #tpu.memory_space<vmem>>) dst(%dma_wait3A_53 : memref<10112x64xf32, #tpu.memory_space<vmem_shared>>)
      tpu.yield
    }) : () -> ()
    %dma_wait3A_26 = arith.constant 0 : i32
    %dma_wait3A_27 = arith.constant 0 : i32
    %dma_wait3A_28 = tpu.memref_slice %arg7[%dma_wait3A_26, %dma_wait3A_27] : memref<158x128xi32, #tpu.memory_space<vmem>> -> memref<1x128xi32, #tpu.memory_space<vmem>>
    %dma_wait3A_29 = tpu.memref_squeeze %dma_wait3A_28 : memref<1x128xi32, #tpu.memory_space<vmem>> -> memref<128xi32, #tpu.memory_space<vmem>>
    %dma_wait3A_30 = arith.constant 0 : i32
    %dma_wait3A_31 = arith.constant 0 : i32
    %dma_wait3A_32 = tpu.memref_slice %arg2[%dma_wait3A_30, %dma_wait3A_31] : memref<20224x64xf32, #tpu.memory_space<hbm>> -> memref<20224x64xf32, #tpu.memory_space<hbm>>
    tpu.wait_indirect_dma semaphore(%arg12 : memref<!tpu.dma_semaphore, #tpu.memory_space<semaphore_mem>>) src(%dma_wait3A_32 : memref<20224x64xf32, #tpu.memory_space<hbm>>) dst(%arg10 : memref<128x64xf32, #tpu.memory_space<vmem>>)
    %run_scoped3A_33 = arith.constant 157 : i32
    "tpu.region"() ({
      %run_scoped3A_41 = tpu.sem_alloc : memref<!tpu.dma_semaphore, #tpu.memory_space<semaphore_mem>>
      %dma_start3A_42 = arith.constant 0 : i32
      %dma_start3A_43 = tpu.memref_slice %arg8[%run_scoped3A_33, %dma_start3A_42] : memref<158x128xi32, #tpu.memory_space<vmem>> -> memref<1x128xi32, #tpu.memory_space<vmem>>
      %dma_start3A_44 = tpu.memref_squeeze %dma_start3A_43 : memref<1x128xi32, #tpu.memory_space<vmem>> -> memref<128xi32, #tpu.memory_space<vmem>>
      %dma_start3A_45 = arith.constant 0 : i32
      %dma_start3A_46 = arith.constant 0 : i32
      %dma_start3A_47 = tpu.memref_slice %arg13[%dma_start3A_45, %dma_start3A_46] : memref<10112x64xf32, #tpu.memory_space<vmem_shared>> -> memref<10112x64xf32, #tpu.memory_space<vmem_shared>>
      tpu.enqueue_indirect_dma source(%arg10 : memref<128x64xf32, #tpu.memory_space<vmem>>) target(%dma_start3A_47 : memref<10112x64xf32, #tpu.memory_space<vmem_shared>>) offsets(%dma_start3A_44 : memref<128xi32, #tpu.memory_space<vmem>>) semaphore(%run_scoped3A_41 : memref<!tpu.dma_semaphore, #tpu.memory_space<semaphore_mem>>) {add = true}
      %dma_wait3A_48 = arith.constant 0 : i32
      %dma_wait3A_49 = tpu.memref_slice %arg8[%run_scoped3A_33, %dma_wait3A_48] : memref<158x128xi32, #tpu.memory_space<vmem>> -> memref<1x128xi32, #tpu.memory_space<vmem>>
      %dma_wait3A_50 = tpu.memref_squeeze %dma_wait3A_49 : memref<1x128xi32, #tpu.memory_space<vmem>> -> memref<128xi32, #tpu.memory_space<vmem>>
      %dma_wait3A_51 = arith.constant 0 : i32
      %dma_wait3A_52 = arith.constant 0 : i32
      %dma_wait3A_53 = tpu.memref_slice %arg13[%dma_wait3A_51, %dma_wait3A_52] : memref<10112x64xf32, #tpu.memory_space<vmem_shared>> -> memref<10112x64xf32, #tpu.memory_space<vmem_shared>>
      tpu.wait_indirect_dma semaphore(%run_scoped3A_41 : memref<!tpu.dma_semaphore, #tpu.memory_space<semaphore_mem>>) src(%arg10 : memref<128x64xf32, #tpu.memory_space<vmem>>) dst(%dma_wait3A_53 : memref<10112x64xf32, #tpu.memory_space<vmem_shared>>)
      tpu.yield
    }) : () -> ()
    %barrier3A_34 = arith.constant 0 : index
    tpu.barrier barrier_id(%barrier3A_34)
    %mul3A_35 = arith.constant 624 : i32
    %mul3A_36 = arith.muli %arg1, %mul3A_35 : i32
    %mul3A_37 = arith.constant 624 : i32
    %mul3A_38 = arith.muli %arg1, %mul3A_37 : i32
    "tpu.region"() ({
      %run_scoped3A_41 = tpu.sem_alloc : memref<!tpu.dma_semaphore, #tpu.memory_space<semaphore_mem>>
      %dma_start3A_42 = arith.constant 0 : i32
      %dma_start3A_43 = tpu.memref_slice %arg6[%arg0, %mul3A_38, %dma_start3A_42] : memref<2x10000x64xf32, #tpu.memory_space<hbm>> -> memref<1x624x64xf32, #tpu.memory_space<hbm>>
      %dma_start3A_44 = tpu.memref_squeeze %dma_start3A_43 : memref<1x624x64xf32, #tpu.memory_space<hbm>> -> memref<624x64xf32, #tpu.memory_space<hbm>>
      %dma_start3A_45 = arith.constant 0 : i32
      %dma_start3A_46 = tpu.memref_slice %arg13[%mul3A_36, %dma_start3A_45] : memref<10112x64xf32, #tpu.memory_space<vmem_shared>> -> memref<624x64xf32, #tpu.memory_space<vmem_shared>>
      tpu.enqueue_dma source(%dma_start3A_46 : memref<624x64xf32, #tpu.memory_space<vmem_shared>>) target(%dma_start3A_44 : memref<624x64xf32, #tpu.memory_space<hbm>>) target_semaphore(%run_scoped3A_41 : memref<!tpu.dma_semaphore, #tpu.memory_space<semaphore_mem>>)
      %dma_wait3A_47 = arith.constant 0 : i32
      %dma_wait3A_48 = tpu.memref_slice %arg6[%arg0, %mul3A_38, %dma_wait3A_47] : memref<2x10000x64xf32, #tpu.memory_space<hbm>> -> memref<1x624x64xf32, #tpu.memory_space<hbm>>
      %dma_wait3A_49 = tpu.memref_squeeze %dma_wait3A_48 : memref<1x624x64xf32, #tpu.memory_space<hbm>> -> memref<624x64xf32, #tpu.memory_space<hbm>>
      %dma_wait3A_50 = arith.constant 0 : i32
      %dma_wait3A_51 = tpu.memref_slice %arg13[%mul3A_36, %dma_wait3A_50] : memref<10112x64xf32, #tpu.memory_space<vmem_shared>> -> memref<624x64xf32, #tpu.memory_space<vmem_shared>>
      tpu.wait_dma2 semaphore(%run_scoped3A_41 : memref<!tpu.dma_semaphore, #tpu.memory_space<semaphore_mem>>) src(%dma_wait3A_51 : memref<624x64xf32, #tpu.memory_space<vmem_shared>>) dst(%dma_wait3A_49 : memref<624x64xf32, #tpu.memory_space<hbm>>)
      tpu.yield
    }) : () -> ()
    %eq3A = arith.constant 0 : i32
    %eq3A_39 = arith.cmpi eq, %arg1, %eq3A : i32
    %convert_element_type3A = arith.extui %eq3A_39 : i1 to i32
    %cond3A = arith.constant 0 : i32
    %cond3A_40 = arith.cmpi ne, %convert_element_type3A, %cond3A : i32
    scf.if %cond3A_40 {
      "tpu.region"() ({
        %run_scoped3A_41 = tpu.sem_alloc : memref<!tpu.dma_semaphore, #tpu.memory_space<semaphore_mem>>
        %dma_start3A_42 = arith.constant 9984 : i32
        %dma_start3A_43 = arith.constant 0 : i32
        %dma_start3A_44 = tpu.memref_slice %arg6[%arg0, %dma_start3A_42, %dma_start3A_43] : memref<2x10000x64xf32, #tpu.memory_space<hbm>> -> memref<1x16x64xf32, #tpu.memory_space<hbm>>
        %dma_start3A_45 = tpu.memref_squeeze %dma_start3A_44 : memref<1x16x64xf32, #tpu.memory_space<hbm>> -> memref<16x64xf32, #tpu.memory_space<hbm>>
        %dma_start3A_46 = arith.constant 9984 : i32
        %dma_start3A_47 = arith.constant 0 : i32
        %dma_start3A_48 = tpu.memref_slice %arg13[%dma_start3A_46, %dma_start3A_47] : memref<10112x64xf32, #tpu.memory_space<vmem_shared>> -> memref<16x64xf32, #tpu.memory_space<vmem_shared>>
        tpu.enqueue_dma source(%dma_start3A_48 : memref<16x64xf32, #tpu.memory_space<vmem_shared>>) target(%dma_start3A_45 : memref<16x64xf32, #tpu.memory_space<hbm>>) target_semaphore(%run_scoped3A_41 : memref<!tpu.dma_semaphore, #tpu.memory_space<semaphore_mem>>)
        %dma_wait3A_49 = arith.constant 9984 : i32
        %dma_wait3A_50 = arith.constant 0 : i32
        %dma_wait3A_51 = tpu.memref_slice %arg6[%arg0, %dma_wait3A_49, %dma_wait3A_50] : memref<2x10000x64xf32, #tpu.memory_space<hbm>> -> memref<1x16x64xf32, #tpu.memory_space<hbm>>
        %dma_wait3A_52 = tpu.memref_squeeze %dma_wait3A_51 : memref<1x16x64xf32, #tpu.memory_space<hbm>> -> memref<16x64xf32, #tpu.memory_space<hbm>>
        %dma_wait3A_53 = arith.constant 9984 : i32
        %dma_wait3A_54 = arith.constant 0 : i32
        %dma_wait3A_55 = tpu.memref_slice %arg13[%dma_wait3A_53, %dma_wait3A_54] : memref<10112x64xf32, #tpu.memory_space<vmem_shared>> -> memref<16x64xf32, #tpu.memory_space<vmem_shared>>
        tpu.wait_dma2 semaphore(%run_scoped3A_41 : memref<!tpu.dma_semaphore, #tpu.memory_space<semaphore_mem>>) src(%dma_wait3A_55 : memref<16x64xf32, #tpu.memory_space<vmem_shared>>) dst(%dma_wait3A_52 : memref<16x64xf32, #tpu.memory_space<hbm>>)
        tpu.yield
      }) : () -> ()
    } else {
    }
    return
  }
}

module attributes {stable_mosaic.version = 14 : i64} {
  func.func @_norm_body(%arg0: memref<32x20224xf32, #tpu.memory_space<vmem>>, %arg1: memref<1x20224xf32, #tpu.memory_space<vmem>>) attributes {dimension_semantics = [], scalar_prefetch = 0 : i64, scratch_operands = 0 : i64, tpu.core_type = #tpu.core_type<tc>} {
    %get3A = arith.constant 0 : index
    %get3A_0 = arith.constant 0 : index
    %get3A_1 = vector.load %arg0[%get3A, %get3A_0] : memref<32x20224xf32, #tpu.memory_space<vmem>>, vector<32x20224xf32>
    %reduce_sum3A = arith.constant dense<0.000000e+00> : vector<20224xf32>
    %reduce_sum3A_2 = vector.multi_reduction <add>, %get3A_1, %reduce_sum3A [0] : vector<32x20224xf32> to vector<20224xf32>
    %broadcast_in_dim3A = vector.shape_cast %reduce_sum3A_2 : vector<20224xf32> to vector<1x20224xf32>
    %add3A = arith.constant 1.000000e+00 : f32
    %add3A_3 = vector.broadcast %add3A : f32 to vector<1x20224xf32>
    %add3A_4 = arith.addf %broadcast_in_dim3A, %add3A_3 : vector<1x20224xf32>
    %rsqrt3A = math.rsqrt %add3A_4 : vector<1x20224xf32>
    %swap3A = arith.constant 0 : index
    %swap3A_5 = arith.constant 0 : index
    %swap3A_6 = vector.load %arg1[%swap3A, %swap3A_5] : memref<1x20224xf32, #tpu.memory_space<vmem>>, vector<1x20224xf32>
    tpu.vector_store %arg1[%swap3A, %swap3A_5], %rsqrt3A {strides = array<i32>} : memref<1x20224xf32, #tpu.memory_space<vmem>>, vector<1x20224xf32>,
    return
  }
}

module attributes {stable_mosaic.version = 14 : i64} {
  func.func @_l1_body(%arg0: i32, %arg1: memref<2000x128xf32, #tpu.memory_space<vmem>>, %arg2: memref<2000x1xf32, #tpu.memory_space<vmem>>, %arg3: memref<128x128xf32, #tpu.memory_space<vmem>>, %arg4: memref<2000x128xf32, #tpu.memory_space<vmem>>, %arg5: memref<2x2000x64xf32, #tpu.memory_space<vmem>>) attributes {dimension_semantics = [#tpu.dimension_semantics<arbitrary>], iteration_bounds = array<i64: 5>, scalar_prefetch = 0 : i64, scratch_operands = 0 : i64, tpu.core_type = #tpu.core_type<tc>, window_params = [{transform_indices = @transform_0, window_bounds = array<i64: 2000, 128>}, {transform_indices = @transform_1, window_bounds = array<i64: 2000, 1>}, {pipeline_mode = #tpu.pipeline_mode<synchronous>, transform_indices = @transform_2, window_bounds = array<i64: 128, 128>}, {transform_indices = @transform_3, window_bounds = array<i64: 2000, 128>}, {transform_indices = @transform_4, window_bounds = array<i64: 2, 2000, 64>}]} {
    %get3A = arith.constant 0 : index
    %get3A_0 = arith.constant 0 : index
    %get3A_1 = vector.load %arg1[%get3A, %get3A_0] : memref<2000x128xf32, #tpu.memory_space<vmem>>, vector<2000x128xf32>
    %get3A_2 = arith.constant 0 : index
    %get3A_3 = arith.constant 0 : index
    %get3A_4 = vector.load %arg2[%get3A_2, %get3A_3] : memref<2000x1xf32, #tpu.memory_space<vmem>>, vector<2000x1xf32>
    %mul3A = vector.broadcast %get3A_4 : vector<2000x1xf32> to vector<2000x128xf32>
    %mul3A_5 = arith.mulf %get3A_1, %mul3A : vector<2000x128xf32>
    %get3A_6 = arith.constant 0 : index
    %get3A_7 = arith.constant 0 : index
    %get3A_8 = vector.load %arg3[%get3A_6, %get3A_7] : memref<128x128xf32, #tpu.memory_space<vmem>>, vector<128x128xf32>
    %dot_general3A = arith.constant dense<0.000000e+00> : vector<2000x128xf32>
    %dot_general3A_9 = tpu.matmul %mul3A_5, %get3A_8, %dot_general3A {dimension_numbers = #tpu.dot_dimension_numbers<[1], [0], [0], [1], [0, 0, 1, 1], [], []>, transpose_lhs_hint = false} : vector<2000x128xf32>, vector<128x128xf32>, vector<2000x128xf32> -> vector<2000x128xf32>
    %swap3A = arith.constant 0 : index
    %swap3A_10 = arith.constant 0 : index
    %swap3A_11 = vector.load %arg4[%swap3A, %swap3A_10] : memref<2000x128xf32, #tpu.memory_space<vmem>>, vector<2000x128xf32>
    tpu.vector_store %arg4[%swap3A, %swap3A_10], %dot_general3A_9 {strides = array<i32>} : memref<2000x128xf32, #tpu.memory_space<vmem>>, vector<2000x128xf32>,
    %slice3A = vector.extract_strided_slice %dot_general3A_9 {offsets = [0, 0], sizes = [2000, 64], strides = [1, 1]} : vector<2000x128xf32> to vector<2000x64xf32>
    %swap3A_12 = arith.constant 0 : index
    %swap3A_13 = arith.constant 0 : index
    %swap3A_14 = arith.constant 0 : index
    %swap3A_15 = vector.load %arg5[%swap3A_12, %swap3A_13, %swap3A_14] : memref<2x2000x64xf32, #tpu.memory_space<vmem>>, vector<1x2000x64xf32>
    %swap3A_16 = vector.shape_cast %swap3A_15 : vector<1x2000x64xf32> to vector<2000x64xf32>
    %swap3A_17 = vector.shape_cast %slice3A : vector<2000x64xf32> to vector<1x2000x64xf32>
    tpu.vector_store %arg5[%swap3A_12, %swap3A_13, %swap3A_14], %swap3A_17 {strides = array<i32>} : memref<2x2000x64xf32, #tpu.memory_space<vmem>>, vector<1x2000x64xf32>,
    %slice3A_18 = vector.extract_strided_slice %dot_general3A_9 {offsets = [0, 64], sizes = [2000, 64], strides = [1, 1]} : vector<2000x128xf32> to vector<2000x64xf32>
    %swap3A_19 = arith.constant 1 : index
    %swap3A_20 = arith.constant 0 : index
    %swap3A_21 = arith.constant 0 : index
    %swap3A_22 = vector.load %arg5[%swap3A_19, %swap3A_20, %swap3A_21] : memref<2x2000x64xf32, #tpu.memory_space<vmem>>, vector<1x2000x64xf32>
    %swap3A_23 = vector.shape_cast %swap3A_22 : vector<1x2000x64xf32> to vector<2000x64xf32>
    %swap3A_24 = vector.shape_cast %slice3A_18 : vector<2000x64xf32> to vector<1x2000x64xf32>
    tpu.vector_store %arg5[%swap3A_19, %swap3A_20, %swap3A_21], %swap3A_24 {strides = array<i32>} : memref<2x2000x64xf32, #tpu.memory_space<vmem>>, vector<1x2000x64xf32>,
    return
  }
  func.func @transform_0(%arg0: i32) -> (i32, i32) {
    %c0_i32 = arith.constant 0 : i32
    %c0_i32_0 = arith.constant 0 : i32
    return %arg0, %c0_i32 : i32, i32
  }
  func.func @transform_1(%arg0: i32) -> (i32, i32) {
    %c0_i32 = arith.constant 0 : i32
    %c0_i32_0 = arith.constant 0 : i32
    return %arg0, %c0_i32 : i32, i32
  }
  func.func @transform_2(%arg0: i32) -> (i32, i32) {
    %c0_i32 = arith.constant 0 : i32
    %c0_i32_0 = arith.constant 0 : i32
    %c0_i32_1 = arith.constant 0 : i32
    return %c0_i32, %c0_i32_0 : i32, i32
  }
  func.func @transform_3(%arg0: i32) -> (i32, i32) {
    %c0_i32 = arith.constant 0 : i32
    %c0_i32_0 = arith.constant 0 : i32
    return %arg0, %c0_i32 : i32, i32
  }
  func.func @transform_4(%arg0: i32) -> (i32, i32, i32) {
    %c0_i32 = arith.constant 0 : i32
    %c0_i32_0 = arith.constant 0 : i32
    %c0_i32_1 = arith.constant 0 : i32
    return %c0_i32, %arg0, %c0_i32_0 : i32, i32, i32
  }
}

module attributes {stable_mosaic.version = 14 : i64} {
  func.func @_mid_body(%arg0: i32, %arg1: memref<2x2000x64xf32, #tpu.memory_space<vmem>>, %arg2: memref<2000x128xf32, #tpu.memory_space<vmem>>, %arg3: memref<2000x1xf32, #tpu.memory_space<vmem>>, %arg4: memref<2000x1xf32, #tpu.memory_space<vmem>>, %arg5: memref<1x128xf32, #tpu.memory_space<vmem>>, %arg6: memref<128x128xf32, #tpu.memory_space<vmem>>, %arg7: memref<2000x128xf32, #tpu.memory_space<vmem>>, %arg8: memref<2x2000x64xf32, #tpu.memory_space<vmem>>) attributes {dimension_semantics = [#tpu.dimension_semantics<arbitrary>], iteration_bounds = array<i64: 5>, scalar_prefetch = 0 : i64, scratch_operands = 0 : i64, tpu.core_type = #tpu.core_type<tc>, window_params = [{transform_indices = @transform_0, window_bounds = array<i64: 2, 2000, 64>}, {transform_indices = @transform_1, window_bounds = array<i64: 2000, 128>}, {transform_indices = @transform_2, window_bounds = array<i64: 2000, 1>}, {transform_indices = @transform_3, window_bounds = array<i64: 2000, 1>}, {pipeline_mode = #tpu.pipeline_mode<synchronous>, transform_indices = @transform_4, window_bounds = array<i64: 1, 128>}, {pipeline_mode = #tpu.pipeline_mode<synchronous>, transform_indices = @transform_5, window_bounds = array<i64: 128, 128>}, {transform_indices = @transform_6, window_bounds = array<i64: 2000, 128>}, {transform_indices = @transform_7, window_bounds = array<i64: 2, 2000, 64>}]} {
    %get3A = arith.constant 0 : index
    %get3A_0 = arith.constant 0 : index
    %get3A_1 = arith.constant 0 : index
    %get3A_2 = vector.load %arg1[%get3A, %get3A_0, %get3A_1] : memref<2x2000x64xf32, #tpu.memory_space<vmem>>, vector<1x2000x64xf32>
    %get3A_3 = vector.shape_cast %get3A_2 : vector<1x2000x64xf32> to vector<2000x64xf32>
    %get3A_4 = arith.constant 1 : index
    %get3A_5 = arith.constant 0 : index
    %get3A_6 = arith.constant 0 : index
    %get3A_7 = vector.load %arg1[%get3A_4, %get3A_5, %get3A_6] : memref<2x2000x64xf32, #tpu.memory_space<vmem>>, vector<1x2000x64xf32>
    %get3A_8 = vector.shape_cast %get3A_7 : vector<1x2000x64xf32> to vector<2000x64xf32>
    %concatenate3A = tpu.concatenate %get3A_3, %get3A_8 in 1 : vector<2000x64xf32>, vector<2000x64xf32> -> vector<2000x128xf32>
    %get3A_9 = arith.constant 0 : index
    %get3A_10 = arith.constant 0 : index
    %get3A_11 = vector.load %arg2[%get3A_9, %get3A_10] : memref<2000x128xf32, #tpu.memory_space<vmem>>, vector<2000x128xf32>
    %add3A = arith.addf %concatenate3A, %get3A_11 : vector<2000x128xf32>
    %get3A_12 = arith.constant 0 : index
    %get3A_13 = arith.constant 0 : index
    %get3A_14 = vector.load %arg3[%get3A_12, %get3A_13] : memref<2000x1xf32, #tpu.memory_space<vmem>>, vector<2000x1xf32>
    %mul3A = vector.broadcast %get3A_14 : vector<2000x1xf32> to vector<2000x128xf32>
    %mul3A_15 = arith.mulf %add3A, %mul3A : vector<2000x128xf32>
    %get3A_16 = arith.constant 0 : index
    %get3A_17 = arith.constant 0 : index
    %get3A_18 = vector.load %arg5[%get3A_16, %get3A_17] : memref<1x128xf32, #tpu.memory_space<vmem>>, vector<1x128xf32>
    %add3A_19 = vector.broadcast %get3A_18 : vector<1x128xf32> to vector<2000x128xf32>
    %add3A_20 = arith.addf %mul3A_15, %add3A_19 : vector<2000x128xf32>
    %max3A = arith.constant 0.000000e+00 : f32
    %max3A_21 = vector.broadcast %max3A : f32 to vector<2000x128xf32>
    %max3A_22 = arith.maximumf %add3A_20, %max3A_21 : vector<2000x128xf32>
    %get3A_23 = arith.constant 0 : index
    %get3A_24 = arith.constant 0 : index
    %get3A_25 = vector.load %arg4[%get3A_23, %get3A_24] : memref<2000x1xf32, #tpu.memory_space<vmem>>, vector<2000x1xf32>
    %mul3A_26 = vector.broadcast %get3A_25 : vector<2000x1xf32> to vector<2000x128xf32>
    %mul3A_27 = arith.mulf %max3A_22, %mul3A_26 : vector<2000x128xf32>
    %get3A_28 = arith.constant 0 : index
    %get3A_29 = arith.constant 0 : index
    %get3A_30 = vector.load %arg6[%get3A_28, %get3A_29] : memref<128x128xf32, #tpu.memory_space<vmem>>, vector<128x128xf32>
    %dot_general3A = arith.constant dense<0.000000e+00> : vector<2000x128xf32>
    %dot_general3A_31 = tpu.matmul %mul3A_27, %get3A_30, %dot_general3A {dimension_numbers = #tpu.dot_dimension_numbers<[1], [0], [0], [1], [0, 0, 1, 1], [], []>, transpose_lhs_hint = false} : vector<2000x128xf32>, vector<128x128xf32>, vector<2000x128xf32> -> vector<2000x128xf32>
    %swap3A = arith.constant 0 : index
    %swap3A_32 = arith.constant 0 : index
    %swap3A_33 = vector.load %arg7[%swap3A, %swap3A_32] : memref<2000x128xf32, #tpu.memory_space<vmem>>, vector<2000x128xf32>
    tpu.vector_store %arg7[%swap3A, %swap3A_32], %dot_general3A_31 {strides = array<i32>} : memref<2000x128xf32, #tpu.memory_space<vmem>>, vector<2000x128xf32>,
    %slice3A = vector.extract_strided_slice %dot_general3A_31 {offsets = [0, 0], sizes = [2000, 64], strides = [1, 1]} : vector<2000x128xf32> to vector<2000x64xf32>
    %swap3A_34 = arith.constant 0 : index
    %swap3A_35 = arith.constant 0 : index
    %swap3A_36 = arith.constant 0 : index
    %swap3A_37 = vector.load %arg8[%swap3A_34, %swap3A_35, %swap3A_36] : memref<2x2000x64xf32, #tpu.memory_space<vmem>>, vector<1x2000x64xf32>
    %swap3A_38 = vector.shape_cast %swap3A_37 : vector<1x2000x64xf32> to vector<2000x64xf32>
    %swap3A_39 = vector.shape_cast %slice3A : vector<2000x64xf32> to vector<1x2000x64xf32>
    tpu.vector_store %arg8[%swap3A_34, %swap3A_35, %swap3A_36], %swap3A_39 {strides = array<i32>} : memref<2x2000x64xf32, #tpu.memory_space<vmem>>, vector<1x2000x64xf32>,
    %slice3A_40 = vector.extract_strided_slice %dot_general3A_31 {offsets = [0, 64], sizes = [2000, 64], strides = [1, 1]} : vector<2000x128xf32> to vector<2000x64xf32>
    %swap3A_41 = arith.constant 1 : index
    %swap3A_42 = arith.constant 0 : index
    %swap3A_43 = arith.constant 0 : index
    %swap3A_44 = vector.load %arg8[%swap3A_41, %swap3A_42, %swap3A_43] : memref<2x2000x64xf32, #tpu.memory_space<vmem>>, vector<1x2000x64xf32>
    %swap3A_45 = vector.shape_cast %swap3A_44 : vector<1x2000x64xf32> to vector<2000x64xf32>
    %swap3A_46 = vector.shape_cast %slice3A_40 : vector<2000x64xf32> to vector<1x2000x64xf32>
    tpu.vector_store %arg8[%swap3A_41, %swap3A_42, %swap3A_43], %swap3A_46 {strides = array<i32>} : memref<2x2000x64xf32, #tpu.memory_space<vmem>>, vector<1x2000x64xf32>,
    return
  }
  func.func @transform_0(%arg0: i32) -> (i32, i32, i32) {
    %c0_i32 = arith.constant 0 : i32
    %c0_i32_0 = arith.constant 0 : i32
    %c0_i32_1 = arith.constant 0 : i32
    return %c0_i32, %arg0, %c0_i32_0 : i32, i32, i32
  }
  func.func @transform_1(%arg0: i32) -> (i32, i32) {
    %c0_i32 = arith.constant 0 : i32
    %c0_i32_0 = arith.constant 0 : i32
    return %arg0, %c0_i32 : i32, i32
  }
  func.func @transform_2(%arg0: i32) -> (i32, i32) {
    %c0_i32 = arith.constant 0 : i32
    %c0_i32_0 = arith.constant 0 : i32
    return %arg0, %c0_i32 : i32, i32
  }
  func.func @transform_3(%arg0: i32) -> (i32, i32) {
    %c0_i32 = arith.constant 0 : i32
    %c0_i32_0 = arith.constant 0 : i32
    return %arg0, %c0_i32 : i32, i32
  }
  func.func @transform_4(%arg0: i32) -> (i32, i32) {
    %c0_i32 = arith.constant 0 : i32
    %c0_i32_0 = arith.constant 0 : i32
    %c0_i32_1 = arith.constant 0 : i32
    return %c0_i32, %c0_i32_0 : i32, i32
  }
  func.func @transform_5(%arg0: i32) -> (i32, i32) {
    %c0_i32 = arith.constant 0 : i32
    %c0_i32_0 = arith.constant 0 : i32
    %c0_i32_1 = arith.constant 0 : i32
    return %c0_i32, %c0_i32_0 : i32, i32
  }
  func.func @transform_6(%arg0: i32) -> (i32, i32) {
    %c0_i32 = arith.constant 0 : i32
    %c0_i32_0 = arith.constant 0 : i32
    return %arg0, %c0_i32 : i32, i32
  }
  func.func @transform_7(%arg0: i32) -> (i32, i32, i32) {
    %c0_i32 = arith.constant 0 : i32
    %c0_i32_0 = arith.constant 0 : i32
    %c0_i32_1 = arith.constant 0 : i32
    return %c0_i32, %arg0, %c0_i32_0 : i32, i32, i32
  }
}

module attributes {stable_mosaic.version = 14 : i64} {
  func.func @_mid_body(%arg0: i32, %arg1: memref<2x2000x64xf32, #tpu.memory_space<vmem>>, %arg2: memref<2000x128xf32, #tpu.memory_space<vmem>>, %arg3: memref<2000x1xf32, #tpu.memory_space<vmem>>, %arg4: memref<2000x1xf32, #tpu.memory_space<vmem>>, %arg5: memref<1x128xf32, #tpu.memory_space<vmem>>, %arg6: memref<128x16xf32, #tpu.memory_space<vmem>>, %arg7: memref<2000x16xf32, #tpu.memory_space<vmem>>) attributes {dimension_semantics = [#tpu.dimension_semantics<arbitrary>], iteration_bounds = array<i64: 5>, scalar_prefetch = 0 : i64, scratch_operands = 0 : i64, tpu.core_type = #tpu.core_type<tc>, window_params = [{transform_indices = @transform_0, window_bounds = array<i64: 2, 2000, 64>}, {transform_indices = @transform_1, window_bounds = array<i64: 2000, 128>}, {transform_indices = @transform_2, window_bounds = array<i64: 2000, 1>}, {transform_indices = @transform_3, window_bounds = array<i64: 2000, 1>}, {pipeline_mode = #tpu.pipeline_mode<synchronous>, transform_indices = @transform_4, window_bounds = array<i64: 1, 128>}, {pipeline_mode = #tpu.pipeline_mode<synchronous>, transform_indices = @transform_5, window_bounds = array<i64: 128, 16>}, {transform_indices = @transform_6, window_bounds = array<i64: 2000, 16>}]} {
    %get3A = arith.constant 0 : index
    %get3A_0 = arith.constant 0 : index
    %get3A_1 = arith.constant 0 : index
    %get3A_2 = vector.load %arg1[%get3A, %get3A_0, %get3A_1] : memref<2x2000x64xf32, #tpu.memory_space<vmem>>, vector<1x2000x64xf32>
    %get3A_3 = vector.shape_cast %get3A_2 : vector<1x2000x64xf32> to vector<2000x64xf32>
    %get3A_4 = arith.constant 1 : index
    %get3A_5 = arith.constant 0 : index
    %get3A_6 = arith.constant 0 : index
    %get3A_7 = vector.load %arg1[%get3A_4, %get3A_5, %get3A_6] : memref<2x2000x64xf32, #tpu.memory_space<vmem>>, vector<1x2000x64xf32>
    %get3A_8 = vector.shape_cast %get3A_7 : vector<1x2000x64xf32> to vector<2000x64xf32>
    %concatenate3A = tpu.concatenate %get3A_3, %get3A_8 in 1 : vector<2000x64xf32>, vector<2000x64xf32> -> vector<2000x128xf32>
    %get3A_9 = arith.constant 0 : index
    %get3A_10 = arith.constant 0 : index
    %get3A_11 = vector.load %arg2[%get3A_9, %get3A_10] : memref<2000x128xf32, #tpu.memory_space<vmem>>, vector<2000x128xf32>
    %add3A = arith.addf %concatenate3A, %get3A_11 : vector<2000x128xf32>
    %get3A_12 = arith.constant 0 : index
    %get3A_13 = arith.constant 0 : index
    %get3A_14 = vector.load %arg3[%get3A_12, %get3A_13] : memref<2000x1xf32, #tpu.memory_space<vmem>>, vector<2000x1xf32>
    %mul3A = vector.broadcast %get3A_14 : vector<2000x1xf32> to vector<2000x128xf32>
    %mul3A_15 = arith.mulf %add3A, %mul3A : vector<2000x128xf32>
    %get3A_16 = arith.constant 0 : index
    %get3A_17 = arith.constant 0 : index
    %get3A_18 = vector.load %arg5[%get3A_16, %get3A_17] : memref<1x128xf32, #tpu.memory_space<vmem>>, vector<1x128xf32>
    %add3A_19 = vector.broadcast %get3A_18 : vector<1x128xf32> to vector<2000x128xf32>
    %add3A_20 = arith.addf %mul3A_15, %add3A_19 : vector<2000x128xf32>
    %max3A = arith.constant 0.000000e+00 : f32
    %max3A_21 = vector.broadcast %max3A : f32 to vector<2000x128xf32>
    %max3A_22 = arith.maximumf %add3A_20, %max3A_21 : vector<2000x128xf32>
    %get3A_23 = arith.constant 0 : index
    %get3A_24 = arith.constant 0 : index
    %get3A_25 = vector.load %arg4[%get3A_23, %get3A_24] : memref<2000x1xf32, #tpu.memory_space<vmem>>, vector<2000x1xf32>
    %mul3A_26 = vector.broadcast %get3A_25 : vector<2000x1xf32> to vector<2000x128xf32>
    %mul3A_27 = arith.mulf %max3A_22, %mul3A_26 : vector<2000x128xf32>
    %get3A_28 = arith.constant 0 : index
    %get3A_29 = arith.constant 0 : index
    %get3A_30 = vector.load %arg6[%get3A_28, %get3A_29] : memref<128x16xf32, #tpu.memory_space<vmem>>, vector<128x16xf32>
    %dot_general3A = arith.constant dense<0.000000e+00> : vector<2000x16xf32>
    %dot_general3A_31 = tpu.matmul %mul3A_27, %get3A_30, %dot_general3A {dimension_numbers = #tpu.dot_dimension_numbers<[1], [0], [0], [1], [0, 0, 1, 1], [], []>, transpose_lhs_hint = false} : vector<2000x128xf32>, vector<128x16xf32>, vector<2000x16xf32> -> vector<2000x16xf32>
    %swap3A = arith.constant 0 : index
    %swap3A_32 = arith.constant 0 : index
    %swap3A_33 = vector.load %arg7[%swap3A, %swap3A_32] : memref<2000x16xf32, #tpu.memory_space<vmem>>, vector<2000x16xf32>
    tpu.vector_store %arg7[%swap3A, %swap3A_32], %dot_general3A_31 {strides = array<i32>} : memref<2000x16xf32, #tpu.memory_space<vmem>>, vector<2000x16xf32>,
    return
  }
  func.func @transform_0(%arg0: i32) -> (i32, i32, i32) {
    %c0_i32 = arith.constant 0 : i32
    %c0_i32_0 = arith.constant 0 : i32
    %c0_i32_1 = arith.constant 0 : i32
    return %c0_i32, %arg0, %c0_i32_0 : i32, i32, i32
  }
  func.func @transform_1(%arg0: i32) -> (i32, i32) {
    %c0_i32 = arith.constant 0 : i32
    %c0_i32_0 = arith.constant 0 : i32
    return %arg0, %c0_i32 : i32, i32
  }
  func.func @transform_2(%arg0: i32) -> (i32, i32) {
    %c0_i32 = arith.constant 0 : i32
    %c0_i32_0 = arith.constant 0 : i32
    return %arg0, %c0_i32 : i32, i32
  }
  func.func @transform_3(%arg0: i32) -> (i32, i32) {
    %c0_i32 = arith.constant 0 : i32
    %c0_i32_0 = arith.constant 0 : i32
    return %arg0, %c0_i32 : i32, i32
  }
  func.func @transform_4(%arg0: i32) -> (i32, i32) {
    %c0_i32 = arith.constant 0 : i32
    %c0_i32_0 = arith.constant 0 : i32
    %c0_i32_1 = arith.constant 0 : i32
    return %c0_i32, %c0_i32_0 : i32, i32
  }
  func.func @transform_5(%arg0: i32) -> (i32, i32) {
    %c0_i32 = arith.constant 0 : i32
    %c0_i32_0 = arith.constant 0 : i32
    %c0_i32_1 = arith.constant 0 : i32
    return %c0_i32, %c0_i32_0 : i32, i32
  }
  func.func @transform_6(%arg0: i32) -> (i32, i32) {
    %c0_i32 = arith.constant 0 : i32
    %c0_i32_0 = arith.constant 0 : i32
    return %arg0, %c0_i32 : i32, i32
  }
}

module attributes {stable_mosaic.version = 14 : i64} {
  func.func @_fin_body(%arg0: i32, %arg1: memref<2x2000x16xf32, #tpu.memory_space<vmem>>, %arg2: memref<2000x16xf32, #tpu.memory_space<vmem>>, %arg3: memref<2000x1xf32, #tpu.memory_space<vmem>>, %arg4: memref<1x16xf32, #tpu.memory_space<vmem>>, %arg5: memref<2000x16xf32, #tpu.memory_space<vmem>>) attributes {dimension_semantics = [#tpu.dimension_semantics<arbitrary>], iteration_bounds = array<i64: 5>, scalar_prefetch = 0 : i64, scratch_operands = 0 : i64, tpu.core_type = #tpu.core_type<tc>, window_params = [{transform_indices = @transform_0, window_bounds = array<i64: 2, 2000, 16>}, {transform_indices = @transform_1, window_bounds = array<i64: 2000, 16>}, {transform_indices = @transform_2, window_bounds = array<i64: 2000, 1>}, {pipeline_mode = #tpu.pipeline_mode<synchronous>, transform_indices = @transform_3, window_bounds = array<i64: 1, 16>}, {transform_indices = @transform_4, window_bounds = array<i64: 2000, 16>}]} {
    %get3A = arith.constant 0 : index
    %get3A_0 = arith.constant 0 : index
    %get3A_1 = arith.constant 0 : index
    %get3A_2 = vector.load %arg1[%get3A, %get3A_0, %get3A_1] : memref<2x2000x16xf32, #tpu.memory_space<vmem>>, vector<1x2000x16xf32>
    %get3A_3 = vector.shape_cast %get3A_2 : vector<1x2000x16xf32> to vector<2000x16xf32>
    %get3A_4 = arith.constant 1 : index
    %get3A_5 = arith.constant 0 : index
    %get3A_6 = arith.constant 0 : index
    %get3A_7 = vector.load %arg1[%get3A_4, %get3A_5, %get3A_6] : memref<2x2000x16xf32, #tpu.memory_space<vmem>>, vector<1x2000x16xf32>
    %get3A_8 = vector.shape_cast %get3A_7 : vector<1x2000x16xf32> to vector<2000x16xf32>
    %add3A = arith.addf %get3A_3, %get3A_8 : vector<2000x16xf32>
    %get3A_9 = arith.constant 0 : index
    %get3A_10 = arith.constant 0 : index
    %get3A_11 = vector.load %arg2[%get3A_9, %get3A_10] : memref<2000x16xf32, #tpu.memory_space<vmem>>, vector<2000x16xf32>
    %add3A_12 = arith.addf %add3A, %get3A_11 : vector<2000x16xf32>
    %get3A_13 = arith.constant 0 : index
    %get3A_14 = arith.constant 0 : index
    %get3A_15 = vector.load %arg3[%get3A_13, %get3A_14] : memref<2000x1xf32, #tpu.memory_space<vmem>>, vector<2000x1xf32>
    %mul3A = vector.broadcast %get3A_15 : vector<2000x1xf32> to vector<2000x16xf32>
    %mul3A_16 = arith.mulf %add3A_12, %mul3A : vector<2000x16xf32>
    %get3A_17 = arith.constant 0 : index
    %get3A_18 = arith.constant 0 : index
    %get3A_19 = vector.load %arg4[%get3A_17, %get3A_18] : memref<1x16xf32, #tpu.memory_space<vmem>>, vector<1x16xf32>
    %add3A_20 = vector.broadcast %get3A_19 : vector<1x16xf32> to vector<2000x16xf32>
    %add3A_21 = arith.addf %mul3A_16, %add3A_20 : vector<2000x16xf32>
    %logistic3A = arith.negf %add3A_21 : vector<2000x16xf32>
    %logistic3A_22 = math.exp %logistic3A : vector<2000x16xf32>
    %logistic3A_23 = arith.constant 1.000000e+00 : f32
    %logistic3A_24 = vector.broadcast %logistic3A_23 : f32 to vector<2000x16xf32>
    %logistic3A_25 = arith.addf %logistic3A_24, %logistic3A_22 : vector<2000x16xf32>
    %logistic3A_26 = arith.divf %logistic3A_24, %logistic3A_25 : vector<2000x16xf32>
    %add3A_27 = arith.constant 9.99999993E-9 : f32
    %add3A_28 = vector.broadcast %add3A_27 : f32 to vector<2000x16xf32>
    %add3A_29 = arith.addf %logistic3A_26, %add3A_28 : vector<2000x16xf32>
    %swap3A = arith.constant 0 : index
    %swap3A_30 = arith.constant 0 : index
    %swap3A_31 = vector.load %arg5[%swap3A, %swap3A_30] : memref<2000x16xf32, #tpu.memory_space<vmem>>, vector<2000x16xf32>
    tpu.vector_store %arg5[%swap3A, %swap3A_30], %add3A_29 {strides = array<i32>} : memref<2000x16xf32, #tpu.memory_space<vmem>>, vector<2000x16xf32>,
    return
  }
  func.func @transform_0(%arg0: i32) -> (i32, i32, i32) {
    %c0_i32 = arith.constant 0 : i32
    %c0_i32_0 = arith.constant 0 : i32
    %c0_i32_1 = arith.constant 0 : i32
    return %c0_i32, %arg0, %c0_i32_0 : i32, i32, i32
  }
  func.func @transform_1(%arg0: i32) -> (i32, i32) {
    %c0_i32 = arith.constant 0 : i32
    %c0_i32_0 = arith.constant 0 : i32
    return %arg0, %c0_i32 : i32, i32
  }
  func.func @transform_2(%arg0: i32) -> (i32, i32) {
    %c0_i32 = arith.constant 0 : i32
    %c0_i32_0 = arith.constant 0 : i32
    return %arg0, %c0_i32 : i32, i32
  }
  func.func @transform_3(%arg0: i32) -> (i32, i32) {
    %c0_i32 = arith.constant 0 : i32
    %c0_i32_0 = arith.constant 0 : i32
    %c0_i32_1 = arith.constant 0 : i32
    return %c0_i32, %c0_i32_0 : i32, i32
  }
  func.func @transform_4(%arg0: i32) -> (i32, i32) {
    %c0_i32 = arith.constant 0 : i32
    %c0_i32_0 = arith.constant 0 : i32
    return %arg0, %c0_i32 : i32, i32
  }
}

</mosaic_0001>

<sc_bundles>
// kernel: kernel.11.cloned.1.call-start
scs
__scs_entry_jumppad:
0x0: {  	(pc) =	sbr.rel $0x88, $3  }
0x1: {  	(tag) =	ssettag $0x0;
	lr =	simm.s32 $0x1  }
0x2: {  	[smem:$0x3F99] =	sst lr;
	_ =	strace $0xD0000000  }
0x3: {  	_ = 	snop  }
0x4: {  	_ = 	snop  }
0x5: {  	_ = 	snop  }
0x6: {  	_ = 	snop  }
0x7: {  	_ = 	snop  }
__scs_overlays_trampoline_lowered:
0x8: {  	[smem:$0x3FA8] =	sst s0  }
0x9: {  	[smem:$0x3FA9] =	sst s1  }
0xa: {  	[smem:$0x3FAA] =	sst s2  }
0xb: {  	[smem:$0x3FAB] =	sst s3  }
0xc: {  	[smem:$0x3FAC] =	sst s4  }
0xd: {  	[smem:$0x3FAD] =	sst s5  }
0xe: {  	[smem:$0x3FAE] =	sst s6  }
0xf: {  	[smem:$0x3FAF] =	sst s7  }
0x10: {  	[smem:$0x3FB0] =	sst s8  }
0x11: {  	[smem:$0x3FB1] =	sst s9;
	s0 =	simm.s32 @!p0 $0x0  }
0x12: {  	s1 =	sld [smem:$0x3F97];
	s0 =	simm.s32 @p0 $0x1  }
0x13: {  	[smem:$0x3FB2] =	sst s0;
	s0 =	simm.s32 @!p1 $0x0  }
0x14: {  	s2 =	sld [smem:$0x3F96];
	s0 =	simm.s32 @p1 $0x1  }
0x15: {  	[smem:$0x3FB3] =	sst s0;
	s0 =	simm.s32 @!p2 $0x0  }
0x16: {  	s3 =	sld [smem:$0x3FDB];
	s0 =	simm.s32 @p2 $0x1  }
0x17: {  	s4 =	simm.s32 $0x1BF5;
	[smem:$0x3FB5] =	sst s0  }
0x18: {  	s0 =	sld [smem:$0x3F98];
	_ =	swait.ge [sflag:s4], $0x0  }
0x19: {  	s7 =	sld [smem:$0x3F99]  }
0x1a: {  	s8 =	sadd.s32 $0xFFFFE003, lr  }
0x1b: {  	s9 =	sadd.s32 $0xFFFFFEF7, lr;
	s5 =	simm.s32 $0xFFFFFFFF;
	p2 =	slt.u32 s8, $0xFFFFF086  }
0x1c: {  	p1 =	slt.u32 s9, $0xF7A;
	s5 =	simm.s32 @!p2 $0x0  }
0x1d: {  	s5 =	simm.s32 @p1 $0x1;
	p0 =	seq.s32 s7, s2  }
0x1e: {  	s7 =	smul.u32 @!p0 $0xF7A, s2;
	p2 =	seq.s32 @!p0 s5, $0x0  }
0x1f: {  	s9 =	smul.u32 $0xF7A, s1;
	s8 =	simm.s32 @!p0 $0x1BF5;
	p2 =	por !p2, p0  }
0x20: {  	[sflag:s8] =	ssyncset.s32 @!p0 $0xFFFFF086;
	s6 =	sadd.s32 @!p0 s3, s7;
	s7 =	simm.s32 @!p0 $0x108  }
0x21: {  	s3 =	sadd.s32 s3, s9;
	s6 =	sadd.s32 @!p0 $0x88, s6;
	s7 =	simm.s32 @p2 $0x1082  }
0x22: {  	[simem:s7], [sflag:s8] =	dma.local @!p0 [hbm:s6], $0xF7A  }
0x23: {  	s9 =	sor.u32 $0xD0000000, s2;
	s6 =	simm.s32 $0x108;
	_ =	swait.ge @!p0 [sflag:s8], $0x0  }
0x24: {  	s3 =	sadd.s32 $0x88, s3;
	s6 =	simm.s32 @!p1 $0x1082;
	[sflag:s4] =	ssyncset.s32 $0xFFFFF086  }
0x25: {  	[simem:s6], [sflag:s4] =	dma.local [hbm:s3], $0xF7A  }
0x26: {  	[smem:$0x3F99] =	sst s1;
	(tag) =	ssettag s2;
	_ =	strace s9  }
0x27: {  	s1 =	sld [smem:$0x3FA9]  }
0x28: {  	s2 =	sld [smem:$0x3FAA]  }
0x29: {  	s4 =	sld [smem:$0x3FAC]  }
0x2a: {  	p0 =	seq.s32 s5, $0x0;
	s5 =	sld [smem:$0x3FAD]  }
0x2b: {  	s6 =	sld [smem:$0x3FAE]  }
0x2c: {  	s7 =	sld [smem:$0x3FAF]  }
0x2d: {  	s3 =	simm.s32 $0x108;
	s8 =	sld [smem:$0x3FB0]  }
0x2e: {  	s3 =	simm.s32 @!p0 $0x1082;
	s9 =	sld [smem:$0x3FB1]  }
0x2f: {  	lr =	sadd.s32 s0, s3;
	s0 =	sld [smem:$0x3FA8]  }
0x30: {  	s3 =	sld [smem:$0x3FAB]  }
0x31: {  	[smem:$0x3FB4] =	sst s10  }
0x32: {  	s10 =	sld [smem:$0x3FB2];
	_ =	sdelay $0x3  }
0x33: {  	p0 =	seq.s32 s10, $0x1;
	s10 =	sld [smem:$0x3FB4];
	_ =	sdelay $0x3  }
0x34: {  	[smem:$0x3FB4] =	sst s10  }
0x35: {  	s10 =	sld [smem:$0x3FB3];
	_ =	sdelay $0x3  }
0x36: {  	p1 =	seq.s32 s10, $0x1;
	s10 =	sld [smem:$0x3FB4];
	_ =	sdelay $0x3  }
0x37: {  	[smem:$0x3FB4] =	sst s10  }
0x38: {  	s10 =	sld [smem:$0x3FB5]  }
0x39: {  	_ = 	snop;
	(pc) =	sbr.ind lr, $3  }
0x3a: {  	_ = 	snop  }
0x3b: {  	_ = 	snop  }
0x3c: {  	p2 =	seq.s32 s10, $0x1;
	s10 =	sld [smem:$0x3FB4]  }
0x3d: {  	_ =	shalt  }
0x3e: {  	_ =	shalt  }
0x3f: {  	_ =	shalt  }
0x40: {  	_ =	shalt  }
0x41: {  	_ =	shalt  }
0x42: {  	_ =	shalt  }
0x43: {  	_ =	shalt  }
0x44: {  	_ =	shalt  }
0x45: {  	_ =	shalt  }
0x46: {  	_ =	shalt  }
0x47: {  	_ =	shalt  }
0x48: {  	_ =	shalt  }
0x49: {  	_ =	shalt  }
0x4a: {  	_ =	shalt  }
0x4b: {  	_ =	shalt  }
0x4c: {  	_ =	shalt  }
0x4d: {  	_ =	shalt  }
0x4e: {  	_ =	shalt  }
0x4f: {  	_ =	shalt  }
0x50: {  	_ =	shalt  }
0x51: {  	_ =	shalt  }
0x52: {  	_ =	shalt  }
0x53: {  	_ =	shalt  }
0x54: {  	_ =	shalt  }
0x55: {  	_ =	shalt  }
0x56: {  	_ =	shalt  }
0x57: {  	_ =	shalt  }
0x58: {  	_ =	shalt  }
0x59: {  	_ =	shalt  }
0x5a: {  	_ =	shalt  }
0x5b: {  	_ =	shalt  }
0x5c: {  	_ =	shalt  }
0x5d: {  	_ =	shalt  }
0x5e: {  	_ =	shalt  }
0x5f: {  	_ =	shalt  }
0x60: {  	_ =	shalt  }
0x61: {  	_ =	shalt  }
0x62: {  	_ =	shalt  }
0x63: {  	_ =	shalt  }
0x64: {  	_ =	shalt  }
0x65: {  	_ =	shalt  }
0x66: {  	_ =	shalt  }
0x67: {  	_ =	shalt  }
0x68: {  	_ =	shalt  }
0x69: {  	_ =	shalt  }
0x6a: {  	_ =	shalt  }
0x6b: {  	_ =	shalt  }
0x6c: {  	_ =	shalt  }
0x6d: {  	_ =	shalt  }
0x6e: {  	_ =	shalt  }
0x6f: {  	_ =	shalt  }
0x70: {  	_ =	shalt  }
0x71: {  	_ =	shalt  }
0x72: {  	_ =	shalt  }
0x73: {  	_ =	shalt  }
0x74: {  	_ =	shalt  }
0x75: {  	_ =	shalt  }
0x76: {  	_ =	shalt  }
0x77: {  	_ =	shalt  }
0x78: {  	_ =	shalt  }
0x79: {  	_ =	shalt  }
0x7a: {  	_ =	shalt  }
0x7b: {  	_ =	shalt  }
0x7c: {  	_ =	shalt  }
0x7d: {  	_ =	shalt  }
0x7e: {  	_ =	shalt  }
0x7f: {  	_ =	shalt  }
0x80: {  	_ =	shalt  }
0x81: {  	_ =	shalt  }
0x82: {  	_ =	shalt  }
0x83: {  	_ =	shalt  }
0x84: {  	_ =	shalt  }
0x85: {  	_ =	shalt  }
0x86: {  	_ =	shalt  }
0x87: {  	_ =	shalt  }
.Lfunc_end0:
.L_simem_size_0:
called_computation_lowered:
.L_overlay_start_0:
0x88: {  	s2 =	sld [smem:$0x3FD9]  }
0x89: {  	s3 =	sld [smem:$0x3FFE];
	_ =	sdelay $0x1  }
0x8a: {  	s1 =	srdreg.scid  }
0x8b: {  	s0 =	sand.u32 $0x1, s1  }
0x8c: {  	s17 =	sshll.u32 s0, $0xA;
	s2 =	sadd.s32 s3, s2  }
0x8d: {  	s2 =	sadd.s32 s2, s17  }
0x8e: {  	[smem:$0x3FC0] =	sst s2  }
0x8f: {  	_ = 	snop  }
0x90: {  	s2 =	sld [smem:$0x3FD0];
	(tm) =	ssettm $0x1  }
0x91: {  	s18 =	sld [smem:$0x3FFB];
	_ =	sdelay $0x3  }
0x92: {  	_ =	strace s18  }
0x93: {  	s3 =	sld [smem:$0x3FFC];
	_ =	sdelay $0x3  }
0x94: {  	_ =	strace s3  }
0x95: {  	s3 =	sld [smem:$0x3FFD];
	_ =	sdelay $0x3  }
0x96: {  	_ =	strace s3  }
0x97: {  	_ =	strace $0x8FFFFFFF  }
0x98: {  	s19 =	sld [smem:$0x3FDB];
	_ =	sdelay $0x1  }
0x99: {  	s4 =	simm.s32 $_scs_section_size  }
0x9a: {  	s5 =	simm.s32 $_size__tile_overlayer_lowered;
	s6 =	simm.s32 $_tile_overlayer_lowered  }
0x9b: {  	s22 =	simm.s32 $0x1BFF;
	s21 =	sshll.u32 s6, $0x1;
	s3 =	sadd.s32 s4, s19  }
0x9c: {  	s7 =	simm.s32 $0x0;
	s20 =	sshll.u32 s5, $0x1;
	s5 =	sadd.s32 s21, s3  }
0x9d: {  	[timem:s7], [sflag:s22] =	dma.local [hbm:s5], s20  }
0x9e: {  	_ =	swait.ge [sflag:s22], s20  }
0x9f: {  	s4 =	ssub.s32 $0x0, s20;
	[sflag:s22] =	ssyncset.done $0x0  }
0xa0: {  	[sflag:s22] =	ssyncadd.s32 s4;
	_ =	sdelay $0x1  }
0xa1: {  	s23 =	simm.s32 $0x1B8B  }
0xa2: {  	_ =	swait.ge [sflag:s23], $0x1  }
0xa3: {  	[sflag:s23] =	ssyncset.done $0x0  }
0xa4: {  	s25 =	simm.s32 $0x1B8E;
	s24 =	sld [smem:$0x3FFE];
	[sflag:s23] =	ssyncadd.s32 $0xFFFFFFFF  }
0xa5: {  	s26 =	simm.s32 $execute0_lowered;
	[smem:$0x3FD2] =	sst s25  }
0xa6: {  	s5 =	sshll.u32 s26, $0x1;
	_ =	strace $0x80000046;
	[dreg:$0x1] =	wrdreg $0xFFFFFFFF  }
0xa7: {  	s28 =	simm.s32 $_size_execute0_lowered;
	s3 =	sadd.s32 s3, s5;
	[dreg:$0x0] =	wrdreg $0x0  }
0xa8: {  	s5 =	sshll.u32 s28, $0x1;
	[dreg:$0x2] =	wrdreg s3  }
0xa9: {  	[dreg:$0x3] =	wrdreg s5  }
0xaa: {  	[dreg:$0x4] =	wrdreg $0xC0  }
0xab: {  	_ =	task [dreg:s7], $0x5FFFF  }
0xac: {  	[dreg:$0x1] =	wrdreg $0xFFFFFFFF  }
0xad: {  	[dreg:$0x0] =	wrdreg $0x60  }
0xae: {  	[dreg:$0x2] =	wrdreg s24  }
0xaf: {  	[dreg:$0x3] =	wrdreg s2  }
0xb0: {  	[dreg:$0x4] =	wrdreg $0x9  }
0xb1: {  	_ =	task.clear_ibuf [dreg:s7], $0x5FFFF;
	_ =	strace $0x90000046  }
0xb2: {  	s29 =	simm.s32 $0x9;
	_ =	strace $0x80000048  }
0xb3: {  	_ =	swait.ge [sflag:s29], $0x1  }
0xb4: {  	[sflag:s29] =	ssyncadd.s32 $0xFFFFFFFF  }
0xb5: {  	_ =	strace $0x90000048  }
0xb6: {  	_ =	sfence  }
0xb7: {  	s30 =	sld [smem:$0x0];
	_ =	sdelay $0x2  }
0xb8: {  	s31 =	sshll.u32 s1, $0xD;
	s1 =	sshrl.u32 s1, $0x2  }
0xb9: {  	s3 =	sand.u32 $0x4000, s31;
	s1 =	sadd.s32 s1, s30  }
0xba: {  	s0 =	sor.u32 s3, s0;
	s1 =	sshll.u32 s1, $0x11  }
0xbb: {  	s0 =	sor.u32 s1, s0  }
0xbc: {  	s0 =	sadd.s32 $0x8F2B, s0  }
0xbd: {  	[sflag:s0] =	ssyncadd.remote.s32 $0x1  }
0xbe: {  	_ =	sfence.sel $0xFFFF  }
0xbf: {  	[dreg:$0x0] =	wrdreg $0xFFFFFFFF;
	(pc) =	sbr.abs _section_cstart, $3  }
0xc0: {  	[dreg:$0x1] =	wrdreg $0xFFFFFFFF  }
0xc1: {  	_ =	task.clear_ibuf [dreg:s7], $0x2FFFF;
	_ =	strace $0x9FFFFFFF  }
0xc2: {  	(tm) =	ssettm $0x7FFFFFFF  }
0xc3: {  	_ =	shalt  }
tec
execute0_lowered:
.L_overlay_start_1:
0x0: {  	(tag) =	ssettag $0x1  }
0x1: {  	s1 =	srdreg.scid;
	s4 =	rddreg [dreg:$0x0]  }
0x2: {  	s0 =	stileid.u32;
	s2 =	rddreg [dreg:$0x1];
	s3 =	simm.s32 $0x0  }
0x3: {  	s10 =	simm.s32 $0x2800;
	s5 =	sand.u32 $0x1, s1;
	s31 =	sshll.u32 s0, $0x1  }
0x4: {  	s11 =	simm.s32 $0x5000;
	s12 =	simm.s32 $0x7780;
	s6 =	sor.u32 s5, s31  }
0x5: {  	s13 =	simm.s32 $0x0;
	s5 =	ssub.s32 $0x2, s5;
	s7 =	smul.u32 $0x500, s6  }
0x6: {  	[smem:$0x7FF] =	sst s3;
	s6 =	smul.u32 $0x4F00, s6;
	s8 =	sshrl.u32 s5, $0x1  }
0x7: {  	s1 =	rddreg [dreg:$0x2];
	_ =	strace $0x80000047;
	s8 =	ssub.s32 s5, s8  }
0x8: {  	s7 =	sadd.s32 s7, s4;
	s6 =	sshrl.u32 s6, $0x3;
	s8 =	smax.u32 s8, $0x1  }
0x9: {  	s9 =	sadd.s32 s6, s4;
	s4 =	sadd.s32 $0x1E00, s7;
	s5 =	sadd.s32 $0x15E00, s7  }
0xa: {  	v0 =	vimm.f32 $1.000000000e+00;
	s6 =	sadd.s32 $0x1FE00, s9;
	s7 =	sadd.s32 $0x202F0, s9;
	s9 =	simm.s32 $0x1  }
.LBB2_1:
0xb: {  	[tilespmem:s3], [sflag:$0x1] =	stream.linear.gather [hbm4b:s4+s3], $0x2800, $0x38;
	[tilespmem:$0x9F00] =	vst v63  }
0xc: {  	_ =	swait.ge [sflag:s9], $0x2800  }
0xd: {  	[sflag:s9] =	ssyncset.done $0x0  }
0xe: {  	[sflag:s9] =	ssyncadd.s32 $0xFFFFD800  }
0xf: {  	[tilespmem:s10], [sflag:$0x1] =	stream.linear.gather [hbm4b:s5+s3], $0x2800, $0x38;
	[tilespmem:$0x9F00] =	vst v63  }
0x10: {  	_ =	swait.ge [sflag:s9], $0x2800  }
0x11: {  	[sflag:s9] =	ssyncset.done $0x0  }
0x12: {  	[sflag:s9] =	ssyncadd.s32 $0xFFFFD800  }
0x13: {  	[tilespmem:s11], [sflag:$0x1] =	stream.linear.gather [hbm4b:s2+s3], $0x2780, $0x38;
	[tilespmem:$0x9F00] =	vst v63  }
0x14: {  	_ =	swait.ge [sflag:s9], $0x2780  }
0x15: {  	[sflag:s9] =	ssyncset.done $0x0  }
0x16: {  	[sflag:s9] =	ssyncadd.s32 $0xFFFFD880  }
0x17: {  	[tilespmem:s12], [sflag:$0x1] =	stream.linear.gather [hbm4b:s2+s3], $0x2780, $0x38;
	[tilespmem:$0x9F00] =	vst v63  }
0x18: {  	_ =	swait.ge [sflag:s9], $0x2780  }
0x19: {  	[sflag:s9] =	ssyncset.done $0x0  }
0x1a: {  	s14 =	simm.s32 $0x0;
	[sflag:s9] =	ssyncadd.s32 $0xFFFFD880  }
.LBB2_2:
0x1b: {  	s15 =	sshra.s32 s14, $0x2  }
0x1c: {  	v1 =	vld [tilespmem:s15+$0x0]  }
0x1d: {  	v2 =	vld [tilespmem:s15+$0x2800];
	_ =	sdelay $0x6  }
0x1e: {  	[tilespmem:v1+s11+$0x0] =	vst.idx.add.f32.msk $0xffff, v0  }
0x1f: {  	[tilespmem:v2+s12+$0x0] =	vst.idx.add.f32.msk $0xffff, v0  }
0x20: {  	v1 =	vld [tilespmem:s15+$0x10]  }
0x21: {  	v2 =	vld [tilespmem:s15+$0x2810];
	_ =	sdelay $0x6  }
0x22: {  	[tilespmem:v1+s11+$0x0] =	vst.idx.add.f32.msk $0xffff, v0  }
0x23: {  	[tilespmem:v2+s12+$0x0] =	vst.idx.add.f32.msk $0xffff, v0  }
0x24: {  	v1 =	vld [tilespmem:s15+$0x20]  }
0x25: {  	v2 =	vld [tilespmem:s15+$0x2820];
	_ =	sdelay $0x6  }
0x26: {  	[tilespmem:v1+s11+$0x0] =	vst.idx.add.f32.msk $0xffff, v0  }
0x27: {  	[tilespmem:v2+s12+$0x0] =	vst.idx.add.f32.msk $0xffff, v0  }
0x28: {  	v1 =	vld [tilespmem:s15+$0x30]  }
0x29: {  	v2 =	vld [tilespmem:s15+$0x2830];
	_ =	sdelay $0x6  }
0x2a: {  	[tilespmem:v1+s11+$0x0] =	vst.idx.add.f32.msk $0xffff, v0  }
0x2b: {  	[tilespmem:v2+s12+$0x0] =	vst.idx.add.f32.msk $0xffff, v0  }
0x2c: {  	v1 =	vld [tilespmem:s15+$0x40]  }
0x2d: {  	v2 =	vld [tilespmem:s15+$0x2840];
	_ =	sdelay $0x6  }
0x2e: {  	[tilespmem:v1+s11+$0x0] =	vst.idx.add.f32.msk $0xffff, v0  }
0x2f: {  	[tilespmem:v2+s12+$0x0] =	vst.idx.add.f32.msk $0xffff, v0  }
0x30: {  	v1 =	vld [tilespmem:s15+$0x50]  }
0x31: {  	v2 =	vld [tilespmem:s15+$0x2850];
	_ =	sdelay $0x6  }
0x32: {  	[tilespmem:v1+s11+$0x0] =	vst.idx.add.f32.msk $0xffff, v0  }
0x33: {  	[tilespmem:v2+s12+$0x0] =	vst.idx.add.f32.msk $0xffff, v0  }
0x34: {  	v1 =	vld [tilespmem:s15+$0x60]  }
0x35: {  	v2 =	vld [tilespmem:s15+$0x2860];
	_ =	sdelay $0x6  }
0x36: {  	[tilespmem:v1+s11+$0x0] =	vst.idx.add.f32.msk $0xffff, v0  }
0x37: {  	[tilespmem:v2+s12+$0x0] =	vst.idx.add.f32.msk $0xffff, v0  }
0x38: {  	v1 =	vld [tilespmem:s15+$0x70]  }
0x39: {  	v2 =	vld [tilespmem:s15+$0x2870];
	_ =	sdelay $0x2  }
0x3a: {  	p0 =	sne.s32 s14, $0x9E00  }
.Ltmp0:
0x3b: {  	_ = 	snop;
	(pc) =	sbr.rel @p0 .LBB2_2-.Ltmp0, $3  }
0x3c: {  	_ =	sdelay $0x1  }
0x3d: {  	[tilespmem:v1+s11+$0x0] =	vst.idx.add.f32.msk $0xffff, v0  }
0x3e: {  	s14 =	sadd.s32 $0x200, s14;
	[tilespmem:v2+s12+$0x0] =	vst.idx.add.f32.msk $0xffff, v0  }
0x3f: {  	[hbm4b:s6+s3] =	stream.linear.scatter [tilespmem:s11], [sflag:$0x1], $0x2780, $0x38;
	[tilespmem:$0x9F00] =	vst v63  }
0x40: {  	s13 =	sadd.s32 $0x1, s13;
	_ =	swait.ge [sflag:s9], $0x2780  }
0x41: {  	p0 =	sne.s32 s13, s8;
	[sflag:s9] =	ssyncset.done $0x0  }
.Ltmp1:
0x42: {  	[sflag:s9] =	ssyncadd.s32 $0xFFFFD880;
	(pc) =	sbr.rel @p0 .LBB2_1-.Ltmp1, $4  }
0x43: {  	[hbm4b:s7+s3] =	stream.linear.scatter [tilespmem:s12], [sflag:$0x1], $0x2780, $0x38;
	[tilespmem:$0x9F00] =	vst v63  }
0x44: {  	_ =	swait.ge [sflag:s9], $0x2780  }
0x45: {  	[sflag:s9] =	ssyncset.done $0x0  }
0x46: {  	[sflag:s9] =	ssyncadd.s32 $0xFFFFD880  }
0x47: {  	_ =	sfence.sel $0x180000  }
0x48: {  	[bflag:$0x0] =	sbarrier.arrive $0xFFFF  }
0x49: {  	p0 =	sne.s32 s0, $0x0;
	_ =	strace $0x90000047  }
0x4a: {  	s0 =	sadd.s32 @!p0 $0x100000, s1;
	[bflag:$0x2] =	sbarrier.arrive $0xFFFF  }
0x4b: {  	[sflag:s0] =	ssyncadd.tile.s32 @!p0 $0x1;
	_ =	shalt  }
.Lfunc_end2:
_tile_overlayer_lowered:
.L_overlay_start_2:
0x4c: {  	(tag) =	ssettag $0x2  }
0x4d: {  	s0 =	rddreg [dreg:$0x0];
	s2 =	stileid.u32  }
0x4e: {  	s1 =	rddreg [dreg:$0x1];
	p0 =	sne.s32 s2, $0x0  }
0x4f: {  	s3 =	rddreg [dreg:$0x2];
	[bflag:$0x3] =	sbarrier.arrive $0xFFFF;
	s2 =	simm.s32 @!p0 $0x1C01  }
0x50: {  	[timem:s3], [sflag:s2] =	dma.local @!p0 [hbm:s0], s1  }
0x51: {  	s0 =	simm.s32 @!p0 $0x1  }
0x52: {  	_ =	swait.ge @!p0 [sflag:s0], s1  }
0x53: {  	s1 =	ssub.s32 @!p0 $0x0, s1;
	[sflag:s0] =	ssyncset.done @!p0 $0x0  }
0x54: {  	[sflag:s0] =	ssyncadd.s32 @!p0 s1  }
0x55: {  	[bflag:$0x3] =	sbarrier.arrive $0xFFFF  }
0x56: {  	_ =	shalt  }

// kernel: kernel.14.cloned.1.call-start
scs
__scs_entry_jumppad:
0x0: {  	(pc) =	sbr.rel $0x88, $3  }
0x1: {  	(tag) =	ssettag $0x0;
	lr =	simm.s32 $0x1  }
0x2: {  	[smem:$0x3F99] =	sst lr;
	_ =	strace $0xD0000000  }
0x3: {  	_ = 	snop  }
0x4: {  	_ = 	snop  }
0x5: {  	_ = 	snop  }
0x6: {  	_ = 	snop  }
0x7: {  	_ = 	snop  }
__scs_overlays_trampoline_lowered:
0x8: {  	[smem:$0x3FA8] =	sst s0  }
0x9: {  	[smem:$0x3FA9] =	sst s1  }
0xa: {  	[smem:$0x3FAA] =	sst s2  }
0xb: {  	[smem:$0x3FAB] =	sst s3  }
0xc: {  	[smem:$0x3FAC] =	sst s4  }
0xd: {  	[smem:$0x3FAD] =	sst s5  }
0xe: {  	[smem:$0x3FAE] =	sst s6  }
0xf: {  	[smem:$0x3FAF] =	sst s7  }
0x10: {  	[smem:$0x3FB0] =	sst s8  }
0x11: {  	[smem:$0x3FB1] =	sst s9;
	s0 =	simm.s32 @!p0 $0x0  }
0x12: {  	s1 =	sld [smem:$0x3F97];
	s0 =	simm.s32 @p0 $0x1  }
0x13: {  	[smem:$0x3FB2] =	sst s0;
	s0 =	simm.s32 @!p1 $0x0  }
0x14: {  	s2 =	sld [smem:$0x3F96];
	s0 =	simm.s32 @p1 $0x1  }
0x15: {  	[smem:$0x3FB3] =	sst s0;
	s0 =	simm.s32 @!p2 $0x0  }
0x16: {  	s3 =	sld [smem:$0x3FDB];
	s0 =	simm.s32 @p2 $0x1  }
0x17: {  	s4 =	simm.s32 $0x1BF5;
	[smem:$0x3FB5] =	sst s0  }
0x18: {  	s0 =	sld [smem:$0x3F98];
	_ =	swait.ge [sflag:s4], $0x0  }
0x19: {  	s7 =	sld [smem:$0x3F99]  }
0x1a: {  	s8 =	sadd.s32 $0xFFFFE003, lr  }
0x1b: {  	s9 =	sadd.s32 $0xFFFFFEF7, lr;
	s5 =	simm.s32 $0xFFFFFFFF;
	p2 =	slt.u32 s8, $0xFFFFF086  }
0x1c: {  	p1 =	slt.u32 s9, $0xF7A;
	s5 =	simm.s32 @!p2 $0x0  }
0x1d: {  	s5 =	simm.s32 @p1 $0x1;
	p0 =	seq.s32 s7, s2  }
0x1e: {  	s7 =	smul.u32 @!p0 $0xF7A, s2;
	p2 =	seq.s32 @!p0 s5, $0x0  }
0x1f: {  	s9 =	smul.u32 $0xF7A, s1;
	s8 =	simm.s32 @!p0 $0x1BF5;
	p2 =	por !p2, p0  }
0x20: {  	[sflag:s8] =	ssyncset.s32 @!p0 $0xFFFFF086;
	s6 =	sadd.s32 @!p0 s3, s7;
	s7 =	simm.s32 @!p0 $0x108  }
0x21: {  	s3 =	sadd.s32 s3, s9;
	s6 =	sadd.s32 @!p0 $0x88, s6;
	s7 =	simm.s32 @p2 $0x1082  }
0x22: {  	[simem:s7], [sflag:s8] =	dma.local @!p0 [hbm:s6], $0xF7A  }
0x23: {  	s9 =	sor.u32 $0xD0000000, s2;
	s6 =	simm.s32 $0x108;
	_ =	swait.ge @!p0 [sflag:s8], $0x0  }
0x24: {  	s3 =	sadd.s32 $0x88, s3;
	s6 =	simm.s32 @!p1 $0x1082;
	[sflag:s4] =	ssyncset.s32 $0xFFFFF086  }
0x25: {  	[simem:s6], [sflag:s4] =	dma.local [hbm:s3], $0xF7A  }
0x26: {  	[smem:$0x3F99] =	sst s1;
	(tag) =	ssettag s2;
	_ =	strace s9  }
0x27: {  	s1 =	sld [smem:$0x3FA9]  }
0x28: {  	s2 =	sld [smem:$0x3FAA]  }
0x29: {  	s4 =	sld [smem:$0x3FAC]  }
0x2a: {  	p0 =	seq.s32 s5, $0x0;
	s5 =	sld [smem:$0x3FAD]  }
0x2b: {  	s6 =	sld [smem:$0x3FAE]  }
0x2c: {  	s7 =	sld [smem:$0x3FAF]  }
0x2d: {  	s3 =	simm.s32 $0x108;
	s8 =	sld [smem:$0x3FB0]  }
0x2e: {  	s3 =	simm.s32 @!p0 $0x1082;
	s9 =	sld [smem:$0x3FB1]  }
0x2f: {  	lr =	sadd.s32 s0, s3;
	s0 =	sld [smem:$0x3FA8]  }
0x30: {  	s3 =	sld [smem:$0x3FAB]  }
0x31: {  	[smem:$0x3FB4] =	sst s10  }
0x32: {  	s10 =	sld [smem:$0x3FB2];
	_ =	sdelay $0x3  }
0x33: {  	p0 =	seq.s32 s10, $0x1;
	s10 =	sld [smem:$0x3FB4];
	_ =	sdelay $0x3  }
0x34: {  	[smem:$0x3FB4] =	sst s10  }
0x35: {  	s10 =	sld [smem:$0x3FB3];
	_ =	sdelay $0x3  }
0x36: {  	p1 =	seq.s32 s10, $0x1;
	s10 =	sld [smem:$0x3FB4];
	_ =	sdelay $0x3  }
0x37: {  	[smem:$0x3FB4] =	sst s10  }
0x38: {  	s10 =	sld [smem:$0x3FB5]  }
0x39: {  	_ = 	snop;
	(pc) =	sbr.ind lr, $3  }
0x3a: {  	_ = 	snop  }
0x3b: {  	_ = 	snop  }
0x3c: {  	p2 =	seq.s32 s10, $0x1;
	s10 =	sld [smem:$0x3FB4]  }
0x3d: {  	_ =	shalt  }
0x3e: {  	_ =	shalt  }
0x3f: {  	_ =	shalt  }
0x40: {  	_ =	shalt  }
0x41: {  	_ =	shalt  }
0x42: {  	_ =	shalt  }
0x43: {  	_ =	shalt  }
0x44: {  	_ =	shalt  }
0x45: {  	_ =	shalt  }
0x46: {  	_ =	shalt  }
0x47: {  	_ =	shalt  }
0x48: {  	_ =	shalt  }
0x49: {  	_ =	shalt  }
0x4a: {  	_ =	shalt  }
0x4b: {  	_ =	shalt  }
0x4c: {  	_ =	shalt  }
0x4d: {  	_ =	shalt  }
0x4e: {  	_ =	shalt  }
0x4f: {  	_ =	shalt  }
0x50: {  	_ =	shalt  }
0x51: {  	_ =	shalt  }
0x52: {  	_ =	shalt  }
0x53: {  	_ =	shalt  }
0x54: {  	_ =	shalt  }
0x55: {  	_ =	shalt  }
0x56: {  	_ =	shalt  }
0x57: {  	_ =	shalt  }
0x58: {  	_ =	shalt  }
0x59: {  	_ =	shalt  }
0x5a: {  	_ =	shalt  }
0x5b: {  	_ =	shalt  }
0x5c: {  	_ =	shalt  }
0x5d: {  	_ =	shalt  }
0x5e: {  	_ =	shalt  }
0x5f: {  	_ =	shalt  }
0x60: {  	_ =	shalt  }
0x61: {  	_ =	shalt  }
0x62: {  	_ =	shalt  }
0x63: {  	_ =	shalt  }
0x64: {  	_ =	shalt  }
0x65: {  	_ =	shalt  }
0x66: {  	_ =	shalt  }
0x67: {  	_ =	shalt  }
0x68: {  	_ =	shalt  }
0x69: {  	_ =	shalt  }
0x6a: {  	_ =	shalt  }
0x6b: {  	_ =	shalt  }
0x6c: {  	_ =	shalt  }
0x6d: {  	_ =	shalt  }
0x6e: {  	_ =	shalt  }
0x6f: {  	_ =	shalt  }
0x70: {  	_ =	shalt  }
0x71: {  	_ =	shalt  }
0x72: {  	_ =	shalt  }
0x73: {  	_ =	shalt  }
0x74: {  	_ =	shalt  }
0x75: {  	_ =	shalt  }
0x76: {  	_ =	shalt  }
0x77: {  	_ =	shalt  }
0x78: {  	_ =	shalt  }
0x79: {  	_ =	shalt  }
0x7a: {  	_ =	shalt  }
0x7b: {  	_ =	shalt  }
0x7c: {  	_ =	shalt  }
0x7d: {  	_ =	shalt  }
0x7e: {  	_ =	shalt  }
0x7f: {  	_ =	shalt  }
0x80: {  	_ =	shalt  }
0x81: {  	_ =	shalt  }
0x82: {  	_ =	shalt  }
0x83: {  	_ =	shalt  }
0x84: {  	_ =	shalt  }
0x85: {  	_ =	shalt  }
0x86: {  	_ =	shalt  }
0x87: {  	_ =	shalt  }
.Lfunc_end0:
.L_simem_size_0:
called_computation.1_lowered:
.L_overlay_start_0:
0x88: {  	s2 =	sld [smem:$0x3FD9]  }
0x89: {  	s3 =	sld [smem:$0x3FFE];
	_ =	sdelay $0x1  }
0x8a: {  	s1 =	srdreg.scid  }
0x8b: {  	s0 =	sand.u32 $0x1, s1  }
0x8c: {  	s16 =	sshll.u32 s0, $0xA;
	s2 =	sadd.s32 s3, s2  }
0x8d: {  	s2 =	sadd.s32 s2, s16  }
0x8e: {  	[smem:$0x3FC0] =	sst s2  }
0x8f: {  	_ = 	snop  }
0x90: {  	(tm) =	ssettm $0x1  }
0x91: {  	s17 =	sld [smem:$0x3FFB];
	_ =	sdelay $0x3  }
0x92: {  	_ =	strace s17  }
0x93: {  	s2 =	sld [smem:$0x3FFC];
	_ =	sdelay $0x3  }
0x94: {  	_ =	strace s2  }
0x95: {  	s2 =	sld [smem:$0x3FFD];
	_ =	sdelay $0x3  }
0x96: {  	_ =	strace s2  }
0x97: {  	_ =	strace $0x8FFFFFFF  }
0x98: {  	s18 =	sld [smem:$0x3FDB];
	_ =	sdelay $0x1  }
0x99: {  	s19 =	simm.s32 $_scs_section_size  }
0x9a: {  	s4 =	simm.s32 $_size__tile_overlayer_lowered;
	s5 =	simm.s32 $_tile_overlayer_lowered  }
0x9b: {  	s22 =	simm.s32 $0x1BFF;
	s21 =	sshll.u32 s5, $0x1;
	s2 =	sadd.s32 s19, s18  }
0x9c: {  	s6 =	simm.s32 $0x0;
	s20 =	sshll.u32 s4, $0x1;
	s4 =	sadd.s32 s21, s2  }
0x9d: {  	[timem:s6], [sflag:s22] =	dma.local [hbm:s4], s20  }
0x9e: {  	_ =	swait.ge [sflag:s22], s20  }
0x9f: {  	s3 =	ssub.s32 $0x0, s20;
	[sflag:s22] =	ssyncset.done $0x0  }
0xa0: {  	[sflag:s22] =	ssyncadd.s32 s3;
	_ =	sdelay $0x1  }
0xa1: {  	s23 =	simm.s32 $0x1B8B  }
0xa2: {  	_ =	swait.ge [sflag:s23], $0x1  }
0xa3: {  	[sflag:s23] =	ssyncset.done $0x0  }
0xa4: {  	s25 =	simm.s32 $0x1B8E;
	s24 =	sld [smem:$0x3FFE];
	[sflag:s23] =	ssyncadd.s32 $0xFFFFFFFF  }
0xa5: {  	s26 =	simm.s32 $execute0_lowered;
	[smem:$0x3FD2] =	sst s25  }
0xa6: {  	s4 =	sshll.u32 s26, $0x1;
	_ =	strace $0x80000049;
	[dreg:$0x1] =	wrdreg $0xFFFFFFFF  }
0xa7: {  	s28 =	simm.s32 $_size_execute0_lowered;
	s2 =	sadd.s32 s2, s4;
	[dreg:$0x0] =	wrdreg $0x0  }
0xa8: {  	s4 =	sshll.u32 s28, $0x1;
	[dreg:$0x2] =	wrdreg s2  }
0xa9: {  	[dreg:$0x3] =	wrdreg s4  }
0xaa: {  	[dreg:$0x4] =	wrdreg $0xC0  }
0xab: {  	_ =	task [dreg:s6], $0x5FFFF  }
0xac: {  	[dreg:$0x1] =	wrdreg $0xFFFFFFFF  }
0xad: {  	[dreg:$0x0] =	wrdreg $0x60  }
0xae: {  	[dreg:$0x2] =	wrdreg s24  }
0xaf: {  	[dreg:$0x3] =	wrdreg $0xDE000  }
0xb0: {  	[dreg:$0x4] =	wrdreg $0x9  }
0xb1: {  	_ =	task.clear_ibuf [dreg:s6], $0x5FFFF;
	_ =	strace $0x90000049  }
0xb2: {  	s29 =	simm.s32 $0x9;
	_ =	strace $0x8000004B  }
0xb3: {  	_ =	swait.ge [sflag:s29], $0x1  }
0xb4: {  	[sflag:s29] =	ssyncadd.s32 $0xFFFFFFFF  }
0xb5: {  	_ =	strace $0x9000004B  }
0xb6: {  	_ =	sfence  }
0xb7: {  	s30 =	sld [smem:$0x0];
	_ =	sdelay $0x2  }
0xb8: {  	s31 =	sshll.u32 s1, $0xD;
	s1 =	sshrl.u32 s1, $0x2  }
0xb9: {  	s3 =	sand.u32 $0x4000, s31;
	s1 =	sadd.s32 s1, s30  }
0xba: {  	s0 =	sor.u32 s3, s0;
	s1 =	sshll.u32 s1, $0x11  }
0xbb: {  	s0 =	sor.u32 s1, s0  }
0xbc: {  	s0 =	sadd.s32 $0x8F2B, s0  }
0xbd: {  	[sflag:s0] =	ssyncadd.remote.s32 $0x1  }
0xbe: {  	_ =	sfence.sel $0xFFFF  }
0xbf: {  	[dreg:$0x0] =	wrdreg $0xFFFFFFFF;
	(pc) =	sbr.abs _section_cstart, $3  }
0xc0: {  	[dreg:$0x1] =	wrdreg $0xFFFFFFFF  }
0xc1: {  	_ =	task.clear_ibuf [dreg:s6], $0x2FFFF;
	_ =	strace $0x9FFFFFFF  }
0xc2: {  	(tm) =	ssettm $0x7FFFFFFF  }
0xc3: {  	_ =	shalt  }
tec
execute0_lowered:
.L_overlay_start_1:
0x0: {  	(tag) =	ssettag $0x1  }
0x1: {  	s4 =	rddreg [dreg:$0x0];
	s0 =	srdreg.scid  }
0x2: {  	s19 =	stileid.u32;
	s1 =	rddreg [dreg:$0x1]  }
0x3: {  	s2 =	simm.s32 $0x0;
	s14 =	simm.s32 $0x4F00;
	s17 =	simm.s32 $0x1  }
0x4: {  	s18 =	simm.s32 $0x2;
	s20 =	simm.s32 $0x9D80;
	s23 =	simm.s32 $0x0  }
0x5: {  	s5 =	sand.u32 $0x1, s0;
	s6 =	smul.u32 $0x4F00, s19;
	s0 =	rddreg [dreg:$0x2]  }
0x6: {  	[smem:$0x7FF] =	sst s2;
	s8 =	smul.u32 $0x9E00, s19;
	s12 =	sadd.s32 $0x51400, s4  }
0x7: {  	s13 =	smul.u32 $0x9C00, s19;
	s22 =	sadd.s32 $0x9C000, s1;
	s15 =	sshll.u32 s19, $0x6  }
0x8: {  	p0 =	sne.s32 s19, $0x0;
	s19 =	simm.s32 $0x9D00;
	s3 =	smul.u32 $0x4F000, s5  }
0x9: {  	_ =	strace $0x8000004A;
	s10 =	ssub.s32 $0x2, s5;
	s11 =	smul.u32 $0x9C400, s5  }
0xa: {  	s15 =	sor.u32 $0x1C03, s15;
	s22 =	sshrl.u32 @!p0 s22, $0x3;
	s9 =	sshrl.u32 s8, $0x3  }
0xb: {  	s29 =	sshrl.u32 s10, $0x1;
	s16 =	sadd.s32 s8, s1;
	s21 =	sadd.s32 s13, s1  }
0xc: {  	s7 =	sadd.s32 s6, s3;
	s3 =	sadd.s32 $0xA0400, s4;
	s6 =	sshrl.u32 s6, $0x3  }
0xd: {  	s9 =	sadd.s32 s9, s4;
	s10 =	ssub.s32 s10, s29;
	s30 =	sadd.s32 s13, s11  }
0xe: {  	s31 =	sshrl.u32 s11, $0x3;
	s11 =	simm.s32 $0x80;
	s13 =	simm.s32 $0xBE00  }
0xf: {  	s16 =	sshrl.u32 s16, $0x3;
	s21 =	sshrl.u32 s21, $0x3;
	s7 =	sshrl.u32 s7, $0x3  }
0x10: {  	s6 =	sadd.s32 s6, s4;
	s8 =	sadd.s32 s12, s31;
	s7 =	sadd.s32 s7, s4  }
0x11: {  	s5 =	sadd.s32 $0x33A00, s6;
	s6 =	sadd.s32 $0x1FE00, s9;
	s8 =	sadd.s32 $0x13800, s8  }
0x12: {  	s9 =	smax.u32 s10, $0x1;
	s4 =	sadd.s32 $0x3D800, s7;
	s7 =	sshrl.u32 s30, $0x3  }
0x13: {  	s10 =	simm.s32 $0x3;
	s7 =	sadd.s32 s12, s7;
	s12 =	simm.s32 $0x9E00  }
.LBB2_1:
0x14: {  	[tilespmem:s2], [sflag:$0x3] =	stream.linear.gather [hbm4b:s4+s2], $0x4F00, $0x38;
	[tilespmem:$0x17C00] =	vst v63  }
0x15: {  	_ =	swait.ge [sflag:s10], $0x4F00  }
0x16: {  	[sflag:s10] =	ssyncset.done $0x0  }
0x17: {  	[sflag:s10] =	ssyncadd.s32 $0xFFFFB100  }
0x18: {  	[tilespmem:s12], [sflag:$0x1] =	stream.indirect.gather [hbm4b:s3+s11], $0x40, s2, s11, $0xb8;
	[tilespmem:$0x17C00] =	vst v63  }
0x19: {  	_ = 	snop  }
0x1a: {  	[tilespmem:s13], [sflag:$0x2] =	stream.indirect.gather [hbm4b:s3+s11], $0x40, s11, s11, $0xb8;
	[tilespmem:$0x17C00] =	vst v63  }
0x1b: {  	_ = 	snop  }
0x1c: {  	[tilespmem:s14], [sflag:$0x3] =	stream.linear.gather [hbm4b:s5+s2], $0x4F00, $0x38;
	[tilespmem:$0x17C00] =	vst v63  }
0x1d: {  	_ =	swait.ge [sflag:s10], $0x4F00  }
0x1e: {  	[sflag:s10] =	ssyncset.done $0x0  }
0x1f: {  	[sflag:s10] =	ssyncadd.s32 $0xFFFFB100  }
0x20: {  	[spmem:s16], [sflag:s15] =	dma.local [hbm:s6], $0x13C0  }
0x21: {  	_ =	swait.ge [sflag:s10], $0x13C0  }
0x22: {  	[sflag:s10] =	ssyncset.done $0x0  }
0x23: {  	[sflag:s10] =	ssyncadd.s32 $0xFFFFEC40  }
0x24: {  	[bflag:$0x0] =	sbarrier.arrive $0xFFFF  }
0x25: {  	_ =	swait.ge [sflag:s17], $0x2000  }
0x26: {  	[sflag:s17] =	ssyncset.done $0x0  }
0x27: {  	s24 =	simm.s32 $0x4F00;
	[sflag:s17] =	ssyncadd.s32 $0xFFFFE000  }
0x28: {  	[spmem:s1] =	stream.indirect.scatter.add.f32 [tilespmem:s12], [sflag:$0x3], $0x40, s24, s11, $0xb8;
	[tilespmem:$0x17C00] =	vst v63  }
0x29: {  	_ =	swait.ge [sflag:s10], $0x2000  }
0x2a: {  	[sflag:s10] =	ssyncset.done $0x0  }
0x2b: {  	s30 =	simm.s32 $0x100;
	[sflag:s10] =	ssyncadd.s32 $0xFFFFE000  }
0x2c: {  	[tilespmem:s12], [sflag:$0x1] =	stream.indirect.gather [hbm4b:s3+s11], $0x40, s30, s11, $0xb8;
	[tilespmem:$0x17C00] =	vst v63  }
0x2d: {  	_ =	swait.ge [sflag:s18], $0x2000  }
0x2e: {  	[sflag:s18] =	ssyncset.done $0x0  }
0x2f: {  	s31 =	simm.s32 $0x4F80;
	[sflag:s18] =	ssyncadd.s32 $0xFFFFE000  }
0x30: {  	[spmem:s1] =	stream.indirect.scatter.add.f32 [tilespmem:s13], [sflag:$0x3], $0x40, s31, s11, $0xb8;
	[tilespmem:$0x17C00] =	vst v63  }
0x31: {  	_ =	swait.ge [sflag:s10], $0x2000  }
0x32: {  	[sflag:s10] =	ssyncset.done $0x0  }
0x33: {  	s25 =	simm.s32 $0x180;
	s24 =	simm.s32 $0x400;
	[sflag:s10] =	ssyncadd.s32 $0xFFFFE000  }
.LBB2_2:
0x34: {  	[tilespmem:s13], [sflag:$0x2] =	stream.indirect.gather [hbm4b:s3+s11], $0x40, s25, s11, $0xb8;
	[tilespmem:$0x17C00] =	vst v63  }
0x35: {  	s25 =	smov.u32 s24  }
0x36: {  	p1 =	sne.s32 s24, $0x13400;
	s24 =	sadd.s32 $0x400, s24;
	_ =	swait.ge [sflag:s17], $0x2000  }
0x37: {  	s25 =	sshra.s32 s25, $0x2;
	[sflag:s17] =	ssyncset.done $0x0  }
0x38: {  	s26 =	sadd.s32 $0x4F00, s25;
	[sflag:s17] =	ssyncadd.s32 $0xFFFFE000  }
0x39: {  	[spmem:s1] =	stream.indirect.scatter.add.f32 [tilespmem:s12], [sflag:$0x3], $0x40, s26, s11, $0xb8;
	[tilespmem:$0x17C00] =	vst v63  }
0x3a: {  	_ =	swait.ge [sflag:s10], $0x2000  }
0x3b: {  	[sflag:s10] =	ssyncset.done $0x0  }
0x3c: {  	s26 =	sadd.s32 $0x100, s25;
	[sflag:s10] =	ssyncadd.s32 $0xFFFFE000  }
0x3d: {  	[tilespmem:s12], [sflag:$0x1] =	stream.indirect.gather [hbm4b:s3+s11], $0x40, s26, s11, $0xb8;
	[tilespmem:$0x17C00] =	vst v63  }
0x3e: {  	_ =	swait.ge [sflag:s18], $0x2000  }
0x3f: {  	[sflag:s18] =	ssyncset.done $0x0  }
.Ltmp0:
0x40: {  	s26 =	sadd.s32 $0x4F80, s25;
	[sflag:s18] =	ssyncadd.s32 $0xFFFFE000;
	(pc) =	sbr.rel @p1 .LBB2_2-.Ltmp0, $4  }
0x41: {  	[spmem:s1] =	stream.indirect.scatter.add.f32 [tilespmem:s13], [sflag:$0x3], $0x40, s26, s11, $0xb8;
	[tilespmem:$0x17C00] =	vst v63  }
0x42: {  	_ =	swait.ge [sflag:s10], $0x2000  }
0x43: {  	[sflag:s10] =	ssyncset.done $0x0  }
0x44: {  	s25 =	sadd.s32 $0x180, s25;
	[sflag:s10] =	ssyncadd.s32 $0xFFFFE000  }
0x45: {  	[tilespmem:s13], [sflag:$0x2] =	stream.indirect.gather [hbm4b:s3+s11], $0x40, s25, s11, $0xb8;
	[tilespmem:$0x17C00] =	vst v63  }
0x46: {  	_ =	swait.ge [sflag:s17], $0x2000  }
0x47: {  	[sflag:s17] =	ssyncset.done $0x0  }
0x48: {  	[sflag:s17] =	ssyncadd.s32 $0xFFFFE000  }
0x49: {  	[spmem:s1] =	stream.indirect.scatter.add.f32 [tilespmem:s12], [sflag:$0x3], $0x40, s19, s11, $0xb8;
	[tilespmem:$0x17C00] =	vst v63  }
0x4a: {  	_ =	swait.ge [sflag:s10], $0x2000  }
0x4b: {  	[sflag:s10] =	ssyncset.done $0x0  }
0x4c: {  	[sflag:s10] =	ssyncadd.s32 $0xFFFFE000  }
0x4d: {  	_ =	swait.ge [sflag:s18], $0x2000  }
0x4e: {  	[sflag:s18] =	ssyncset.done $0x0  }
0x4f: {  	[sflag:s18] =	ssyncadd.s32 $0xFFFFE000  }
0x50: {  	[spmem:s1] =	stream.indirect.scatter.add.f32 [tilespmem:s13], [sflag:$0x3], $0x40, s20, s11, $0xb8;
	[tilespmem:$0x17C00] =	vst v63  }
0x51: {  	_ =	swait.ge [sflag:s10], $0x2000  }
0x52: {  	[sflag:s10] =	ssyncset.done $0x0  }
0x53: {  	[sflag:s10] =	ssyncadd.s32 $0xFFFFE000  }
0x54: {  	[bflag:$0x0] =	sbarrier.arrive $0xFFFF  }
0x55: {  	[hbm:s7], [sflag:s15] =	dma.local [spmem:s21], $0x1380  }
0x56: {  	s23 =	sadd.s32 $0x1, s23;
	_ =	swait.ge [sflag:s10], $0x1380  }
0x57: {  	p1 =	sne.s32 s23, s9;
	[sflag:s10] =	ssyncset.done $0x0  }
.Ltmp1:
0x58: {  	s24 =	simm.s32 @!p0 $0x3;
	[sflag:s10] =	ssyncadd.s32 $0xFFFFEC80;
	(pc) =	sbr.rel @p1 .LBB2_1-.Ltmp1, $4  }
0x59: {  	[hbm:s8], [sflag:s15] =	dma.local @!p0 [spmem:s22], $0x80  }
0x5a: {  	_ =	swait.ge @!p0 [sflag:s24], $0x80  }
0x5b: {  	[sflag:s24] =	ssyncset.done @!p0 $0x0  }
0x5c: {  	[sflag:s24] =	ssyncadd.s32 @!p0 $0xFFFFFF80  }
0x5d: {  	_ =	sfence.sel $0x180000  }
0x5e: {  	[bflag:$0x0] =	sbarrier.arrive $0xFFFF  }
0x5f: {  	_ =	strace $0x9000004A  }
0x60: {  	s0 =	sadd.s32 @!p0 $0x100000, s0;
	[bflag:$0x2] =	sbarrier.arrive $0xFFFF  }
0x61: {  	[sflag:s0] =	ssyncadd.tile.s32 @!p0 $0x1;
	_ =	shalt  }
.Lfunc_end2:
_tile_overlayer_lowered:
.L_overlay_start_2:
0x62: {  	(tag) =	ssettag $0x2  }
0x63: {  	s0 =	rddreg [dreg:$0x0];
	s2 =	stileid.u32  }
0x64: {  	s1 =	rddreg [dreg:$0x1];
	p0 =	sne.s32 s2, $0x0  }
0x65: {  	s3 =	rddreg [dreg:$0x2];
	[bflag:$0x3] =	sbarrier.arrive $0xFFFF;
	s2 =	simm.s32 @!p0 $0x1C03  }
0x66: {  	[timem:s3], [sflag:s2] =	dma.local @!p0 [hbm:s0], s1  }
0x67: {  	s0 =	simm.s32 @!p0 $0x3  }
0x68: {  	_ =	swait.ge @!p0 [sflag:s0], s1  }
0x69: {  	s1 =	ssub.s32 @!p0 $0x0, s1;
	[sflag:s0] =	ssyncset.done @!p0 $0x0  }
0x6a: {  	[sflag:s0] =	ssyncadd.s32 @!p0 s1  }
0x6b: {  	[bflag:$0x3] =	sbarrier.arrive $0xFFFF  }
0x6c: {  	_ =	shalt  }

// kernel: kernel.17.cloned.1.call-start
scs
__scs_entry_jumppad:
0x0: {  	(pc) =	sbr.rel $0x88, $3  }
0x1: {  	(tag) =	ssettag $0x0;
	lr =	simm.s32 $0x1  }
0x2: {  	[smem:$0x3F99] =	sst lr;
	_ =	strace $0xD0000000  }
0x3: {  	_ = 	snop  }
0x4: {  	_ = 	snop  }
0x5: {  	_ = 	snop  }
0x6: {  	_ = 	snop  }
0x7: {  	_ = 	snop  }
__scs_overlays_trampoline_lowered:
0x8: {  	[smem:$0x3FA8] =	sst s0  }
0x9: {  	[smem:$0x3FA9] =	sst s1  }
0xa: {  	[smem:$0x3FAA] =	sst s2  }
0xb: {  	[smem:$0x3FAB] =	sst s3  }
0xc: {  	[smem:$0x3FAC] =	sst s4  }
0xd: {  	[smem:$0x3FAD] =	sst s5  }
0xe: {  	[smem:$0x3FAE] =	sst s6  }
0xf: {  	[smem:$0x3FAF] =	sst s7  }
0x10: {  	[smem:$0x3FB0] =	sst s8  }
0x11: {  	[smem:$0x3FB1] =	sst s9;
	s0 =	simm.s32 @!p0 $0x0  }
0x12: {  	s1 =	sld [smem:$0x3F97];
	s0 =	simm.s32 @p0 $0x1  }
0x13: {  	[smem:$0x3FB2] =	sst s0;
	s0 =	simm.s32 @!p1 $0x0  }
0x14: {  	s2 =	sld [smem:$0x3F96];
	s0 =	simm.s32 @p1 $0x1  }
0x15: {  	[smem:$0x3FB3] =	sst s0;
	s0 =	simm.s32 @!p2 $0x0  }
0x16: {  	s3 =	sld [smem:$0x3FDB];
	s0 =	simm.s32 @p2 $0x1  }
0x17: {  	s4 =	simm.s32 $0x1BF5;
	[smem:$0x3FB5] =	sst s0  }
0x18: {  	s0 =	sld [smem:$0x3F98];
	_ =	swait.ge [sflag:s4], $0x0  }
0x19: {  	s7 =	sld [smem:$0x3F99]  }
0x1a: {  	s8 =	sadd.s32 $0xFFFFE003, lr  }
0x1b: {  	s9 =	sadd.s32 $0xFFFFFEF7, lr;
	s5 =	simm.s32 $0xFFFFFFFF;
	p2 =	slt.u32 s8, $0xFFFFF086  }
0x1c: {  	p1 =	slt.u32 s9, $0xF7A;
	s5 =	simm.s32 @!p2 $0x0  }
0x1d: {  	s5 =	simm.s32 @p1 $0x1;
	p0 =	seq.s32 s7, s2  }
0x1e: {  	s7 =	smul.u32 @!p0 $0xF7A, s2;
	p2 =	seq.s32 @!p0 s5, $0x0  }
0x1f: {  	s9 =	smul.u32 $0xF7A, s1;
	s8 =	simm.s32 @!p0 $0x1BF5;
	p2 =	por !p2, p0  }
0x20: {  	[sflag:s8] =	ssyncset.s32 @!p0 $0xFFFFF086;
	s6 =	sadd.s32 @!p0 s3, s7;
	s7 =	simm.s32 @!p0 $0x108  }
0x21: {  	s3 =	sadd.s32 s3, s9;
	s6 =	sadd.s32 @!p0 $0x88, s6;
	s7 =	simm.s32 @p2 $0x1082  }
0x22: {  	[simem:s7], [sflag:s8] =	dma.local @!p0 [hbm:s6], $0xF7A  }
0x23: {  	s9 =	sor.u32 $0xD0000000, s2;
	s6 =	simm.s32 $0x108;
	_ =	swait.ge @!p0 [sflag:s8], $0x0  }
0x24: {  	s3 =	sadd.s32 $0x88, s3;
	s6 =	simm.s32 @!p1 $0x1082;
	[sflag:s4] =	ssyncset.s32 $0xFFFFF086  }
0x25: {  	[simem:s6], [sflag:s4] =	dma.local [hbm:s3], $0xF7A  }
0x26: {  	[smem:$0x3F99] =	sst s1;
	(tag) =	ssettag s2;
	_ =	strace s9  }
0x27: {  	s1 =	sld [smem:$0x3FA9]  }
0x28: {  	s2 =	sld [smem:$0x3FAA]  }
0x29: {  	s4 =	sld [smem:$0x3FAC]  }
0x2a: {  	p0 =	seq.s32 s5, $0x0;
	s5 =	sld [smem:$0x3FAD]  }
0x2b: {  	s6 =	sld [smem:$0x3FAE]  }
0x2c: {  	s7 =	sld [smem:$0x3FAF]  }
0x2d: {  	s3 =	simm.s32 $0x108;
	s8 =	sld [smem:$0x3FB0]  }
0x2e: {  	s3 =	simm.s32 @!p0 $0x1082;
	s9 =	sld [smem:$0x3FB1]  }
0x2f: {  	lr =	sadd.s32 s0, s3;
	s0 =	sld [smem:$0x3FA8]  }
0x30: {  	s3 =	sld [smem:$0x3FAB]  }
0x31: {  	[smem:$0x3FB4] =	sst s10  }
0x32: {  	s10 =	sld [smem:$0x3FB2];
	_ =	sdelay $0x3  }
0x33: {  	p0 =	seq.s32 s10, $0x1;
	s10 =	sld [smem:$0x3FB4];
	_ =	sdelay $0x3  }
0x34: {  	[smem:$0x3FB4] =	sst s10  }
0x35: {  	s10 =	sld [smem:$0x3FB3];
	_ =	sdelay $0x3  }
0x36: {  	p1 =	seq.s32 s10, $0x1;
	s10 =	sld [smem:$0x3FB4];
	_ =	sdelay $0x3  }
0x37: {  	[smem:$0x3FB4] =	sst s10  }
0x38: {  	s10 =	sld [smem:$0x3FB5]  }
0x39: {  	_ = 	snop;
	(pc) =	sbr.ind lr, $3  }
0x3a: {  	_ = 	snop  }
0x3b: {  	_ = 	snop  }
0x3c: {  	p2 =	seq.s32 s10, $0x1;
	s10 =	sld [smem:$0x3FB4]  }
0x3d: {  	_ =	shalt  }
0x3e: {  	_ =	shalt  }
0x3f: {  	_ =	shalt  }
0x40: {  	_ =	shalt  }
0x41: {  	_ =	shalt  }
0x42: {  	_ =	shalt  }
0x43: {  	_ =	shalt  }
0x44: {  	_ =	shalt  }
0x45: {  	_ =	shalt  }
0x46: {  	_ =	shalt  }
0x47: {  	_ =	shalt  }
0x48: {  	_ =	shalt  }
0x49: {  	_ =	shalt  }
0x4a: {  	_ =	shalt  }
0x4b: {  	_ =	shalt  }
0x4c: {  	_ =	shalt  }
0x4d: {  	_ =	shalt  }
0x4e: {  	_ =	shalt  }
0x4f: {  	_ =	shalt  }
0x50: {  	_ =	shalt  }
0x51: {  	_ =	shalt  }
0x52: {  	_ =	shalt  }
0x53: {  	_ =	shalt  }
0x54: {  	_ =	shalt  }
0x55: {  	_ =	shalt  }
0x56: {  	_ =	shalt  }
0x57: {  	_ =	shalt  }
0x58: {  	_ =	shalt  }
0x59: {  	_ =	shalt  }
0x5a: {  	_ =	shalt  }
0x5b: {  	_ =	shalt  }
0x5c: {  	_ =	shalt  }
0x5d: {  	_ =	shalt  }
0x5e: {  	_ =	shalt  }
0x5f: {  	_ =	shalt  }
0x60: {  	_ =	shalt  }
0x61: {  	_ =	shalt  }
0x62: {  	_ =	shalt  }
0x63: {  	_ =	shalt  }
0x64: {  	_ =	shalt  }
0x65: {  	_ =	shalt  }
0x66: {  	_ =	shalt  }
0x67: {  	_ =	shalt  }
0x68: {  	_ =	shalt  }
0x69: {  	_ =	shalt  }
0x6a: {  	_ =	shalt  }
0x6b: {  	_ =	shalt  }
0x6c: {  	_ =	shalt  }
0x6d: {  	_ =	shalt  }
0x6e: {  	_ =	shalt  }
0x6f: {  	_ =	shalt  }
0x70: {  	_ =	shalt  }
0x71: {  	_ =	shalt  }
0x72: {  	_ =	shalt  }
0x73: {  	_ =	shalt  }
0x74: {  	_ =	shalt  }
0x75: {  	_ =	shalt  }
0x76: {  	_ =	shalt  }
0x77: {  	_ =	shalt  }
0x78: {  	_ =	shalt  }
0x79: {  	_ =	shalt  }
0x7a: {  	_ =	shalt  }
0x7b: {  	_ =	shalt  }
0x7c: {  	_ =	shalt  }
0x7d: {  	_ =	shalt  }
0x7e: {  	_ =	shalt  }
0x7f: {  	_ =	shalt  }
0x80: {  	_ =	shalt  }
0x81: {  	_ =	shalt  }
0x82: {  	_ =	shalt  }
0x83: {  	_ =	shalt  }
0x84: {  	_ =	shalt  }
0x85: {  	_ =	shalt  }
0x86: {  	_ =	shalt  }
0x87: {  	_ =	shalt  }
.Lfunc_end0:
.L_simem_size_0:
called_computation.2_lowered:
.L_overlay_start_0:
0x88: {  	s2 =	sld [smem:$0x3FD9]  }
0x89: {  	s3 =	sld [smem:$0x3FFE];
	_ =	sdelay $0x1  }
0x8a: {  	s1 =	srdreg.scid  }
0x8b: {  	s0 =	sand.u32 $0x1, s1  }
0x8c: {  	s16 =	sshll.u32 s0, $0xA;
	s2 =	sadd.s32 s3, s2  }
0x8d: {  	s2 =	sadd.s32 s2, s16  }
0x8e: {  	[smem:$0x3FC0] =	sst s2  }
0x8f: {  	_ = 	snop  }
0x90: {  	(tm) =	ssettm $0x1  }
0x91: {  	s17 =	sld [smem:$0x3FFB];
	_ =	sdelay $0x3  }
0x92: {  	_ =	strace s17  }
0x93: {  	s2 =	sld [smem:$0x3FFC];
	_ =	sdelay $0x3  }
0x94: {  	_ =	strace s2  }
0x95: {  	s2 =	sld [smem:$0x3FFD];
	_ =	sdelay $0x3  }
0x96: {  	_ =	strace s2  }
0x97: {  	_ =	strace $0x8FFFFFFF  }
0x98: {  	s18 =	sld [smem:$0x3FDB];
	_ =	sdelay $0x1  }
0x99: {  	s19 =	simm.s32 $_scs_section_size  }
0x9a: {  	s4 =	simm.s32 $_size__tile_overlayer_lowered;
	s5 =	simm.s32 $_tile_overlayer_lowered  }
0x9b: {  	s22 =	simm.s32 $0x1BFF;
	s21 =	sshll.u32 s5, $0x1;
	s2 =	sadd.s32 s19, s18  }
0x9c: {  	s6 =	simm.s32 $0x0;
	s20 =	sshll.u32 s4, $0x1;
	s4 =	sadd.s32 s21, s2  }
0x9d: {  	[timem:s6], [sflag:s22] =	dma.local [hbm:s4], s20  }
0x9e: {  	_ =	swait.ge [sflag:s22], s20  }
0x9f: {  	s3 =	ssub.s32 $0x0, s20;
	[sflag:s22] =	ssyncset.done $0x0  }
0xa0: {  	[sflag:s22] =	ssyncadd.s32 s3;
	_ =	sdelay $0x1  }
0xa1: {  	s23 =	simm.s32 $0x1B8B  }
0xa2: {  	_ =	swait.ge [sflag:s23], $0x1  }
0xa3: {  	[sflag:s23] =	ssyncset.done $0x0  }
0xa4: {  	s25 =	simm.s32 $0x1B8E;
	s24 =	sld [smem:$0x3FFE];
	[sflag:s23] =	ssyncadd.s32 $0xFFFFFFFF  }
0xa5: {  	s26 =	simm.s32 $execute0_lowered;
	[smem:$0x3FD2] =	sst s25  }
0xa6: {  	s4 =	sshll.u32 s26, $0x1;
	_ =	strace $0x8000004C;
	[dreg:$0x1] =	wrdreg $0xFFFFFFFF  }
0xa7: {  	s28 =	simm.s32 $_size_execute0_lowered;
	s2 =	sadd.s32 s2, s4;
	[dreg:$0x0] =	wrdreg $0x0  }
0xa8: {  	s4 =	sshll.u32 s28, $0x1;
	[dreg:$0x2] =	wrdreg s2  }
0xa9: {  	[dreg:$0x3] =	wrdreg s4  }
0xaa: {  	[dreg:$0x4] =	wrdreg $0xC0  }
0xab: {  	_ =	task [dreg:s6], $0x5FFFF  }
0xac: {  	[dreg:$0x1] =	wrdreg $0xFFFFFFFF  }
0xad: {  	[dreg:$0x0] =	wrdreg $0x60  }
0xae: {  	[dreg:$0x2] =	wrdreg s24  }
0xaf: {  	[dreg:$0x3] =	wrdreg $0xDE000  }
0xb0: {  	[dreg:$0x4] =	wrdreg $0x9  }
0xb1: {  	_ =	task.clear_ibuf [dreg:s6], $0x5FFFF;
	_ =	strace $0x9000004C  }
0xb2: {  	s29 =	simm.s32 $0x9;
	_ =	strace $0x8000004E  }
0xb3: {  	_ =	swait.ge [sflag:s29], $0x1  }
0xb4: {  	[sflag:s29] =	ssyncadd.s32 $0xFFFFFFFF  }
0xb5: {  	_ =	strace $0x9000004E  }
0xb6: {  	_ =	sfence  }
0xb7: {  	s30 =	sld [smem:$0x0];
	_ =	sdelay $0x2  }
0xb8: {  	s31 =	sshll.u32 s1, $0xD;
	s1 =	sshrl.u32 s1, $0x2  }
0xb9: {  	s3 =	sand.u32 $0x4000, s31;
	s1 =	sadd.s32 s1, s30  }
0xba: {  	s0 =	sor.u32 s3, s0;
	s1 =	sshll.u32 s1, $0x11  }
0xbb: {  	s0 =	sor.u32 s1, s0  }
0xbc: {  	s0 =	sadd.s32 $0x8F2B, s0  }
0xbd: {  	[sflag:s0] =	ssyncadd.remote.s32 $0x1  }
0xbe: {  	_ =	sfence.sel $0xFFFF  }
0xbf: {  	[dreg:$0x0] =	wrdreg $0xFFFFFFFF;
	(pc) =	sbr.abs _section_cstart, $3  }
0xc0: {  	[dreg:$0x1] =	wrdreg $0xFFFFFFFF  }
0xc1: {  	_ =	task.clear_ibuf [dreg:s6], $0x2FFFF;
	_ =	strace $0x9FFFFFFF  }
0xc2: {  	(tm) =	ssettm $0x7FFFFFFF  }
0xc3: {  	_ =	shalt  }
tec
execute0_lowered:
.L_overlay_start_1:
0x0: {  	(tag) =	ssettag $0x1  }
0x1: {  	s4 =	rddreg [dreg:$0x0];
	s0 =	srdreg.scid  }
0x2: {  	s19 =	stileid.u32;
	s1 =	rddreg [dreg:$0x1]  }
0x3: {  	s2 =	simm.s32 $0x0;
	s14 =	simm.s32 $0x4F00;
	s17 =	simm.s32 $0x1  }
0x4: {  	s18 =	simm.s32 $0x2;
	s20 =	simm.s32 $0x9D80;
	s23 =	simm.s32 $0x0  }
0x5: {  	s5 =	sand.u32 $0x1, s0;
	s6 =	smul.u32 $0x4F00, s19;
	s0 =	rddreg [dreg:$0x2]  }
0x6: {  	[smem:$0x7FF] =	sst s2;
	s8 =	smul.u32 $0x9E00, s19;
	s12 =	sadd.s32 $0x78C00, s4  }
0x7: {  	s13 =	smul.u32 $0x9C00, s19;
	s22 =	sadd.s32 $0x9C000, s1;
	s15 =	sshll.u32 s19, $0x6  }
0x8: {  	p0 =	sne.s32 s19, $0x0;
	s19 =	simm.s32 $0x9D00;
	s3 =	smul.u32 $0x4F000, s5  }
0x9: {  	_ =	strace $0x8000004D;
	s10 =	ssub.s32 $0x2, s5;
	s11 =	smul.u32 $0x9C400, s5  }
0xa: {  	s15 =	sor.u32 $0x1C03, s15;
	s22 =	sshrl.u32 @!p0 s22, $0x3;
	s9 =	sshrl.u32 s8, $0x3  }
0xb: {  	s29 =	sshrl.u32 s10, $0x1;
	s16 =	sadd.s32 s8, s1;
	s21 =	sadd.s32 s13, s1  }
0xc: {  	s7 =	sadd.s32 s6, s3;
	s3 =	sadd.s32 $0x51400, s4;
	s6 =	sshrl.u32 s6, $0x3  }
0xd: {  	s9 =	sadd.s32 s9, s4;
	s10 =	ssub.s32 s10, s29;
	s30 =	sadd.s32 s13, s11  }
0xe: {  	s31 =	sshrl.u32 s11, $0x3;
	s11 =	simm.s32 $0x80;
	s13 =	simm.s32 $0xBE00  }
0xf: {  	s16 =	sshrl.u32 s16, $0x3;
	s21 =	sshrl.u32 s21, $0x3;
	s7 =	sshrl.u32 s7, $0x3  }
0x10: {  	s6 =	sadd.s32 s6, s4;
	s8 =	sadd.s32 s12, s31;
	s7 =	sadd.s32 s7, s4  }
0x11: {  	s5 =	sadd.s32 $0x33A00, s6;
	s6 =	sadd.s32 $0x1FE00, s9;
	s8 =	sadd.s32 $0x13800, s8  }
0x12: {  	s9 =	smax.u32 s10, $0x1;
	s4 =	sadd.s32 $0x3D800, s7;
	s7 =	sshrl.u32 s30, $0x3  }
0x13: {  	s10 =	simm.s32 $0x3;
	s7 =	sadd.s32 s12, s7;
	s12 =	simm.s32 $0x9E00  }
.LBB2_1:
0x14: {  	[tilespmem:s2], [sflag:$0x3] =	stream.linear.gather [hbm4b:s4+s2], $0x4F00, $0x38;
	[tilespmem:$0x17C00] =	vst v63  }
0x15: {  	_ =	swait.ge [sflag:s10], $0x4F00  }
0x16: {  	[sflag:s10] =	ssyncset.done $0x0  }
0x17: {  	[sflag:s10] =	ssyncadd.s32 $0xFFFFB100  }
0x18: {  	[tilespmem:s12], [sflag:$0x1] =	stream.indirect.gather [hbm4b:s3+s11], $0x40, s2, s11, $0xb8;
	[tilespmem:$0x17C00] =	vst v63  }
0x19: {  	_ = 	snop  }
0x1a: {  	[tilespmem:s13], [sflag:$0x2] =	stream.indirect.gather [hbm4b:s3+s11], $0x40, s11, s11, $0xb8;
	[tilespmem:$0x17C00] =	vst v63  }
0x1b: {  	_ = 	snop  }
0x1c: {  	[tilespmem:s14], [sflag:$0x3] =	stream.linear.gather [hbm4b:s5+s2], $0x4F00, $0x38;
	[tilespmem:$0x17C00] =	vst v63  }
0x1d: {  	_ =	swait.ge [sflag:s10], $0x4F00  }
0x1e: {  	[sflag:s10] =	ssyncset.done $0x0  }
0x1f: {  	[sflag:s10] =	ssyncadd.s32 $0xFFFFB100  }
0x20: {  	[spmem:s16], [sflag:s15] =	dma.local [hbm:s6], $0x13C0  }
0x21: {  	_ =	swait.ge [sflag:s10], $0x13C0  }
0x22: {  	[sflag:s10] =	ssyncset.done $0x0  }
0x23: {  	[sflag:s10] =	ssyncadd.s32 $0xFFFFEC40  }
0x24: {  	[bflag:$0x0] =	sbarrier.arrive $0xFFFF  }
0x25: {  	_ =	swait.ge [sflag:s17], $0x2000  }
0x26: {  	[sflag:s17] =	ssyncset.done $0x0  }
0x27: {  	s24 =	simm.s32 $0x4F00;
	[sflag:s17] =	ssyncadd.s32 $0xFFFFE000  }
0x28: {  	[spmem:s1] =	stream.indirect.scatter.add.f32 [tilespmem:s12], [sflag:$0x3], $0x40, s24, s11, $0xb8;
	[tilespmem:$0x17C00] =	vst v63  }
0x29: {  	_ =	swait.ge [sflag:s10], $0x2000  }
0x2a: {  	[sflag:s10] =	ssyncset.done $0x0  }
0x2b: {  	s30 =	simm.s32 $0x100;
	[sflag:s10] =	ssyncadd.s32 $0xFFFFE000  }
0x2c: {  	[tilespmem:s12], [sflag:$0x1] =	stream.indirect.gather [hbm4b:s3+s11], $0x40, s30, s11, $0xb8;
	[tilespmem:$0x17C00] =	vst v63  }
0x2d: {  	_ =	swait.ge [sflag:s18], $0x2000  }
0x2e: {  	[sflag:s18] =	ssyncset.done $0x0  }
0x2f: {  	s31 =	simm.s32 $0x4F80;
	[sflag:s18] =	ssyncadd.s32 $0xFFFFE000  }
0x30: {  	[spmem:s1] =	stream.indirect.scatter.add.f32 [tilespmem:s13], [sflag:$0x3], $0x40, s31, s11, $0xb8;
	[tilespmem:$0x17C00] =	vst v63  }
0x31: {  	_ =	swait.ge [sflag:s10], $0x2000  }
0x32: {  	[sflag:s10] =	ssyncset.done $0x0  }
0x33: {  	s25 =	simm.s32 $0x180;
	s24 =	simm.s32 $0x400;
	[sflag:s10] =	ssyncadd.s32 $0xFFFFE000  }
.LBB2_2:
0x34: {  	[tilespmem:s13], [sflag:$0x2] =	stream.indirect.gather [hbm4b:s3+s11], $0x40, s25, s11, $0xb8;
	[tilespmem:$0x17C00] =	vst v63  }
0x35: {  	s25 =	smov.u32 s24  }
0x36: {  	p1 =	sne.s32 s24, $0x13400;
	s24 =	sadd.s32 $0x400, s24;
	_ =	swait.ge [sflag:s17], $0x2000  }
0x37: {  	s25 =	sshra.s32 s25, $0x2;
	[sflag:s17] =	ssyncset.done $0x0  }
0x38: {  	s26 =	sadd.s32 $0x4F00, s25;
	[sflag:s17] =	ssyncadd.s32 $0xFFFFE000  }
0x39: {  	[spmem:s1] =	stream.indirect.scatter.add.f32 [tilespmem:s12], [sflag:$0x3], $0x40, s26, s11, $0xb8;
	[tilespmem:$0x17C00] =	vst v63  }
0x3a: {  	_ =	swait.ge [sflag:s10], $0x2000  }
0x3b: {  	[sflag:s10] =	ssyncset.done $0x0  }
0x3c: {  	s26 =	sadd.s32 $0x100, s25;
	[sflag:s10] =	ssyncadd.s32 $0xFFFFE000  }
0x3d: {  	[tilespmem:s12], [sflag:$0x1] =	stream.indirect.gather [hbm4b:s3+s11], $0x40, s26, s11, $0xb8;
	[tilespmem:$0x17C00] =	vst v63  }
0x3e: {  	_ =	swait.ge [sflag:s18], $0x2000  }
0x3f: {  	[sflag:s18] =	ssyncset.done $0x0  }
.Ltmp0:
0x40: {  	s26 =	sadd.s32 $0x4F80, s25;
	[sflag:s18] =	ssyncadd.s32 $0xFFFFE000;
	(pc) =	sbr.rel @p1 .LBB2_2-.Ltmp0, $4  }
0x41: {  	[spmem:s1] =	stream.indirect.scatter.add.f32 [tilespmem:s13], [sflag:$0x3], $0x40, s26, s11, $0xb8;
	[tilespmem:$0x17C00] =	vst v63  }
0x42: {  	_ =	swait.ge [sflag:s10], $0x2000  }
0x43: {  	[sflag:s10] =	ssyncset.done $0x0  }
0x44: {  	s25 =	sadd.s32 $0x180, s25;
	[sflag:s10] =	ssyncadd.s32 $0xFFFFE000  }
0x45: {  	[tilespmem:s13], [sflag:$0x2] =	stream.indirect.gather [hbm4b:s3+s11], $0x40, s25, s11, $0xb8;
	[tilespmem:$0x17C00] =	vst v63  }
0x46: {  	_ =	swait.ge [sflag:s17], $0x2000  }
0x47: {  	[sflag:s17] =	ssyncset.done $0x0  }
0x48: {  	[sflag:s17] =	ssyncadd.s32 $0xFFFFE000  }
0x49: {  	[spmem:s1] =	stream.indirect.scatter.add.f32 [tilespmem:s12], [sflag:$0x3], $0x40, s19, s11, $0xb8;
	[tilespmem:$0x17C00] =	vst v63  }
0x4a: {  	_ =	swait.ge [sflag:s10], $0x2000  }
0x4b: {  	[sflag:s10] =	ssyncset.done $0x0  }
0x4c: {  	[sflag:s10] =	ssyncadd.s32 $0xFFFFE000  }
0x4d: {  	_ =	swait.ge [sflag:s18], $0x2000  }
0x4e: {  	[sflag:s18] =	ssyncset.done $0x0  }
0x4f: {  	[sflag:s18] =	ssyncadd.s32 $0xFFFFE000  }
0x50: {  	[spmem:s1] =	stream.indirect.scatter.add.f32 [tilespmem:s13], [sflag:$0x3], $0x40, s20, s11, $0xb8;
	[tilespmem:$0x17C00] =	vst v63  }
0x51: {  	_ =	swait.ge [sflag:s10], $0x2000  }
0x52: {  	[sflag:s10] =	ssyncset.done $0x0  }
0x53: {  	[sflag:s10] =	ssyncadd.s32 $0xFFFFE000  }
0x54: {  	[bflag:$0x0] =	sbarrier.arrive $0xFFFF  }
0x55: {  	[hbm:s7], [sflag:s15] =	dma.local [spmem:s21], $0x1380  }
0x56: {  	s23 =	sadd.s32 $0x1, s23;
	_ =	swait.ge [sflag:s10], $0x1380  }
0x57: {  	p1 =	sne.s32 s23, s9;
	[sflag:s10] =	ssyncset.done $0x0  }
.Ltmp1:
0x58: {  	s24 =	simm.s32 @!p0 $0x3;
	[sflag:s10] =	ssyncadd.s32 $0xFFFFEC80;
	(pc) =	sbr.rel @p1 .LBB2_1-.Ltmp1, $4  }
0x59: {  	[hbm:s8], [sflag:s15] =	dma.local @!p0 [spmem:s22], $0x80  }
0x5a: {  	_ =	swait.ge @!p0 [sflag:s24], $0x80  }
0x5b: {  	[sflag:s24] =	ssyncset.done @!p0 $0x0  }
0x5c: {  	[sflag:s24] =	ssyncadd.s32 @!p0 $0xFFFFFF80  }
0x5d: {  	_ =	sfence.sel $0x180000  }
0x5e: {  	[bflag:$0x0] =	sbarrier.arrive $0xFFFF  }
0x5f: {  	_ =	strace $0x9000004D  }
0x60: {  	s0 =	sadd.s32 @!p0 $0x100000, s0;
	[bflag:$0x2] =	sbarrier.arrive $0xFFFF  }
0x61: {  	[sflag:s0] =	ssyncadd.tile.s32 @!p0 $0x1;
	_ =	shalt  }
.Lfunc_end2:
_tile_overlayer_lowered:
.L_overlay_start_2:
0x62: {  	(tag) =	ssettag $0x2  }
0x63: {  	s0 =	rddreg [dreg:$0x0];
	s2 =	stileid.u32  }
0x64: {  	s1 =	rddreg [dreg:$0x1];
	p0 =	sne.s32 s2, $0x0  }
0x65: {  	s3 =	rddreg [dreg:$0x2];
	[bflag:$0x3] =	sbarrier.arrive $0xFFFF;
	s2 =	simm.s32 @!p0 $0x1C03  }
0x66: {  	[timem:s3], [sflag:s2] =	dma.local @!p0 [hbm:s0], s1  }
0x67: {  	s0 =	simm.s32 @!p0 $0x3  }
0x68: {  	_ =	swait.ge @!p0 [sflag:s0], s1  }
0x69: {  	s1 =	ssub.s32 @!p0 $0x0, s1;
	[sflag:s0] =	ssyncset.done @!p0 $0x0  }
0x6a: {  	[sflag:s0] =	ssyncadd.s32 @!p0 s1  }
0x6b: {  	[bflag:$0x3] =	sbarrier.arrive $0xFFFF  }
0x6c: {  	_ =	shalt  }

// kernel: kernel.20.cloned.1.call-start
scs
__scs_entry_jumppad:
0x0: {  	(pc) =	sbr.rel $0x88, $3  }
0x1: {  	(tag) =	ssettag $0x0;
	lr =	simm.s32 $0x1  }
0x2: {  	[smem:$0x3F99] =	sst lr;
	_ =	strace $0xD0000000  }
0x3: {  	_ = 	snop  }
0x4: {  	_ = 	snop  }
0x5: {  	_ = 	snop  }
0x6: {  	_ = 	snop  }
0x7: {  	_ = 	snop  }
__scs_overlays_trampoline_lowered:
0x8: {  	[smem:$0x3FA8] =	sst s0  }
0x9: {  	[smem:$0x3FA9] =	sst s1  }
0xa: {  	[smem:$0x3FAA] =	sst s2  }
0xb: {  	[smem:$0x3FAB] =	sst s3  }
0xc: {  	[smem:$0x3FAC] =	sst s4  }
0xd: {  	[smem:$0x3FAD] =	sst s5  }
0xe: {  	[smem:$0x3FAE] =	sst s6  }
0xf: {  	[smem:$0x3FAF] =	sst s7  }
0x10: {  	[smem:$0x3FB0] =	sst s8  }
0x11: {  	[smem:$0x3FB1] =	sst s9;
	s0 =	simm.s32 @!p0 $0x0  }
0x12: {  	s1 =	sld [smem:$0x3F97];
	s0 =	simm.s32 @p0 $0x1  }
0x13: {  	[smem:$0x3FB2] =	sst s0;
	s0 =	simm.s32 @!p1 $0x0  }
0x14: {  	s2 =	sld [smem:$0x3F96];
	s0 =	simm.s32 @p1 $0x1  }
0x15: {  	[smem:$0x3FB3] =	sst s0;
	s0 =	simm.s32 @!p2 $0x0  }
0x16: {  	s3 =	sld [smem:$0x3FDB];
	s0 =	simm.s32 @p2 $0x1  }
0x17: {  	s4 =	simm.s32 $0x1BF5;
	[smem:$0x3FB5] =	sst s0  }
0x18: {  	s0 =	sld [smem:$0x3F98];
	_ =	swait.ge [sflag:s4], $0x0  }
0x19: {  	s7 =	sld [smem:$0x3F99]  }
0x1a: {  	s8 =	sadd.s32 $0xFFFFE003, lr  }
0x1b: {  	s9 =	sadd.s32 $0xFFFFFEF7, lr;
	s5 =	simm.s32 $0xFFFFFFFF;
	p2 =	slt.u32 s8, $0xFFFFF086  }
0x1c: {  	p1 =	slt.u32 s9, $0xF7A;
	s5 =	simm.s32 @!p2 $0x0  }
0x1d: {  	s5 =	simm.s32 @p1 $0x1;
	p0 =	seq.s32 s7, s2  }
0x1e: {  	s7 =	smul.u32 @!p0 $0xF7A, s2;
	p2 =	seq.s32 @!p0 s5, $0x0  }
0x1f: {  	s9 =	smul.u32 $0xF7A, s1;
	s8 =	simm.s32 @!p0 $0x1BF5;
	p2 =	por !p2, p0  }
0x20: {  	[sflag:s8] =	ssyncset.s32 @!p0 $0xFFFFF086;
	s6 =	sadd.s32 @!p0 s3, s7;
	s7 =	simm.s32 @!p0 $0x108  }
0x21: {  	s3 =	sadd.s32 s3, s9;
	s6 =	sadd.s32 @!p0 $0x88, s6;
	s7 =	simm.s32 @p2 $0x1082  }
0x22: {  	[simem:s7], [sflag:s8] =	dma.local @!p0 [hbm:s6], $0xF7A  }
0x23: {  	s9 =	sor.u32 $0xD0000000, s2;
	s6 =	simm.s32 $0x108;
	_ =	swait.ge @!p0 [sflag:s8], $0x0  }
0x24: {  	s3 =	sadd.s32 $0x88, s3;
	s6 =	simm.s32 @!p1 $0x1082;
	[sflag:s4] =	ssyncset.s32 $0xFFFFF086  }
0x25: {  	[simem:s6], [sflag:s4] =	dma.local [hbm:s3], $0xF7A  }
0x26: {  	[smem:$0x3F99] =	sst s1;
	(tag) =	ssettag s2;
	_ =	strace s9  }
0x27: {  	s1 =	sld [smem:$0x3FA9]  }
0x28: {  	s2 =	sld [smem:$0x3FAA]  }
0x29: {  	s4 =	sld [smem:$0x3FAC]  }
0x2a: {  	p0 =	seq.s32 s5, $0x0;
	s5 =	sld [smem:$0x3FAD]  }
0x2b: {  	s6 =	sld [smem:$0x3FAE]  }
0x2c: {  	s7 =	sld [smem:$0x3FAF]  }
0x2d: {  	s3 =	simm.s32 $0x108;
	s8 =	sld [smem:$0x3FB0]  }
0x2e: {  	s3 =	simm.s32 @!p0 $0x1082;
	s9 =	sld [smem:$0x3FB1]  }
0x2f: {  	lr =	sadd.s32 s0, s3;
	s0 =	sld [smem:$0x3FA8]  }
0x30: {  	s3 =	sld [smem:$0x3FAB]  }
0x31: {  	[smem:$0x3FB4] =	sst s10  }
0x32: {  	s10 =	sld [smem:$0x3FB2];
	_ =	sdelay $0x3  }
0x33: {  	p0 =	seq.s32 s10, $0x1;
	s10 =	sld [smem:$0x3FB4];
	_ =	sdelay $0x3  }
0x34: {  	[smem:$0x3FB4] =	sst s10  }
0x35: {  	s10 =	sld [smem:$0x3FB3];
	_ =	sdelay $0x3  }
0x36: {  	p1 =	seq.s32 s10, $0x1;
	s10 =	sld [smem:$0x3FB4];
	_ =	sdelay $0x3  }
0x37: {  	[smem:$0x3FB4] =	sst s10  }
0x38: {  	s10 =	sld [smem:$0x3FB5]  }
0x39: {  	_ = 	snop;
	(pc) =	sbr.ind lr, $3  }
0x3a: {  	_ = 	snop  }
0x3b: {  	_ = 	snop  }
0x3c: {  	p2 =	seq.s32 s10, $0x1;
	s10 =	sld [smem:$0x3FB4]  }
0x3d: {  	_ =	shalt  }
0x3e: {  	_ =	shalt  }
0x3f: {  	_ =	shalt  }
0x40: {  	_ =	shalt  }
0x41: {  	_ =	shalt  }
0x42: {  	_ =	shalt  }
0x43: {  	_ =	shalt  }
0x44: {  	_ =	shalt  }
0x45: {  	_ =	shalt  }
0x46: {  	_ =	shalt  }
0x47: {  	_ =	shalt  }
0x48: {  	_ =	shalt  }
0x49: {  	_ =	shalt  }
0x4a: {  	_ =	shalt  }
0x4b: {  	_ =	shalt  }
0x4c: {  	_ =	shalt  }
0x4d: {  	_ =	shalt  }
0x4e: {  	_ =	shalt  }
0x4f: {  	_ =	shalt  }
0x50: {  	_ =	shalt  }
0x51: {  	_ =	shalt  }
0x52: {  	_ =	shalt  }
0x53: {  	_ =	shalt  }
0x54: {  	_ =	shalt  }
0x55: {  	_ =	shalt  }
0x56: {  	_ =	shalt  }
0x57: {  	_ =	shalt  }
0x58: {  	_ =	shalt  }
0x59: {  	_ =	shalt  }
0x5a: {  	_ =	shalt  }
0x5b: {  	_ =	shalt  }
0x5c: {  	_ =	shalt  }
0x5d: {  	_ =	shalt  }
0x5e: {  	_ =	shalt  }
0x5f: {  	_ =	shalt  }
0x60: {  	_ =	shalt  }
0x61: {  	_ =	shalt  }
0x62: {  	_ =	shalt  }
0x63: {  	_ =	shalt  }
0x64: {  	_ =	shalt  }
0x65: {  	_ =	shalt  }
0x66: {  	_ =	shalt  }
0x67: {  	_ =	shalt  }
0x68: {  	_ =	shalt  }
0x69: {  	_ =	shalt  }
0x6a: {  	_ =	shalt  }
0x6b: {  	_ =	shalt  }
0x6c: {  	_ =	shalt  }
0x6d: {  	_ =	shalt  }
0x6e: {  	_ =	shalt  }
0x6f: {  	_ =	shalt  }
0x70: {  	_ =	shalt  }
0x71: {  	_ =	shalt  }
0x72: {  	_ =	shalt  }
0x73: {  	_ =	shalt  }
0x74: {  	_ =	shalt  }
0x75: {  	_ =	shalt  }
0x76: {  	_ =	shalt  }
0x77: {  	_ =	shalt  }
0x78: {  	_ =	shalt  }
0x79: {  	_ =	shalt  }
0x7a: {  	_ =	shalt  }
0x7b: {  	_ =	shalt  }
0x7c: {  	_ =	shalt  }
0x7d: {  	_ =	shalt  }
0x7e: {  	_ =	shalt  }
0x7f: {  	_ =	shalt  }
0x80: {  	_ =	shalt  }
0x81: {  	_ =	shalt  }
0x82: {  	_ =	shalt  }
0x83: {  	_ =	shalt  }
0x84: {  	_ =	shalt  }
0x85: {  	_ =	shalt  }
0x86: {  	_ =	shalt  }
0x87: {  	_ =	shalt  }
.Lfunc_end0:
.L_simem_size_0:
called_computation.3_lowered:
.L_overlay_start_0:
0x88: {  	s2 =	sld [smem:$0x3FD9]  }
0x89: {  	s3 =	sld [smem:$0x3FFE];
	_ =	sdelay $0x1  }
0x8a: {  	s1 =	srdreg.scid  }
0x8b: {  	s0 =	sand.u32 $0x1, s1  }
0x8c: {  	s17 =	sshll.u32 s0, $0xA;
	s2 =	sadd.s32 s3, s2  }
0x8d: {  	s2 =	sadd.s32 s2, s17  }
0x8e: {  	[smem:$0x3FC0] =	sst s2  }
0x8f: {  	_ = 	snop  }
0x90: {  	s2 =	sld [smem:$0x3FD0];
	(tm) =	ssettm $0x1  }
0x91: {  	s18 =	sld [smem:$0x3FFB];
	_ =	sdelay $0x3  }
0x92: {  	_ =	strace s18  }
0x93: {  	s3 =	sld [smem:$0x3FFC];
	_ =	sdelay $0x3  }
0x94: {  	_ =	strace s3  }
0x95: {  	s3 =	sld [smem:$0x3FFD];
	_ =	sdelay $0x3  }
0x96: {  	_ =	strace s3  }
0x97: {  	_ =	strace $0x8FFFFFFF  }
0x98: {  	s19 =	sld [smem:$0x3FDB];
	_ =	sdelay $0x1  }
0x99: {  	s4 =	simm.s32 $_scs_section_size  }
0x9a: {  	s5 =	simm.s32 $_size__tile_overlayer_lowered;
	s6 =	simm.s32 $_tile_overlayer_lowered  }
0x9b: {  	s22 =	simm.s32 $0x1BFF;
	s21 =	sshll.u32 s6, $0x1;
	s3 =	sadd.s32 s4, s19  }
0x9c: {  	s7 =	simm.s32 $0x0;
	s20 =	sshll.u32 s5, $0x1;
	s5 =	sadd.s32 s21, s3  }
0x9d: {  	[timem:s7], [sflag:s22] =	dma.local [hbm:s5], s20  }
0x9e: {  	_ =	swait.ge [sflag:s22], s20  }
0x9f: {  	s4 =	ssub.s32 $0x0, s20;
	[sflag:s22] =	ssyncset.done $0x0  }
0xa0: {  	[sflag:s22] =	ssyncadd.s32 s4;
	_ =	sdelay $0x1  }
0xa1: {  	s23 =	simm.s32 $0x1B8B  }
0xa2: {  	_ =	swait.ge [sflag:s23], $0x1  }
0xa3: {  	[sflag:s23] =	ssyncset.done $0x0  }
0xa4: {  	s25 =	simm.s32 $0x1B8E;
	s24 =	sld [smem:$0x3FFE];
	[sflag:s23] =	ssyncadd.s32 $0xFFFFFFFF  }
0xa5: {  	s26 =	simm.s32 $execute0_lowered;
	[smem:$0x3FD2] =	sst s25  }
0xa6: {  	s5 =	sshll.u32 s26, $0x1;
	_ =	strace $0x8000004F;
	[dreg:$0x1] =	wrdreg $0xFFFFFFFF  }
0xa7: {  	s28 =	simm.s32 $_size_execute0_lowered;
	s3 =	sadd.s32 s3, s5;
	[dreg:$0x0] =	wrdreg $0x0  }
0xa8: {  	s5 =	sshll.u32 s28, $0x1;
	[dreg:$0x2] =	wrdreg s3  }
0xa9: {  	[dreg:$0x3] =	wrdreg s5  }
0xaa: {  	[dreg:$0x4] =	wrdreg $0xC0  }
0xab: {  	_ =	task [dreg:s7], $0x5FFFF  }
0xac: {  	[dreg:$0x1] =	wrdreg $0xFFFFFFFF  }
0xad: {  	[dreg:$0x0] =	wrdreg $0x60  }
0xae: {  	[dreg:$0x2] =	wrdreg s24  }
0xaf: {  	[dreg:$0x3] =	wrdreg s2  }
0xb0: {  	[dreg:$0x4] =	wrdreg $0x60000  }
0xb1: {  	[dreg:$0x5] =	wrdreg $0x9  }
0xb2: {  	_ =	task.clear_ibuf [dreg:s7], $0x6FFFF;
	_ =	strace $0x9000004F  }
0xb3: {  	s29 =	simm.s32 $0x9;
	_ =	strace $0x80000051  }
0xb4: {  	_ =	swait.ge [sflag:s29], $0x1  }
0xb5: {  	[sflag:s29] =	ssyncadd.s32 $0xFFFFFFFF  }
0xb6: {  	_ =	strace $0x90000051  }
0xb7: {  	_ =	sfence  }
0xb8: {  	s30 =	sld [smem:$0x0];
	_ =	sdelay $0x2  }
0xb9: {  	s31 =	sshll.u32 s1, $0xD;
	s1 =	sshrl.u32 s1, $0x2  }
0xba: {  	s3 =	sand.u32 $0x4000, s31;
	s1 =	sadd.s32 s1, s30  }
0xbb: {  	s0 =	sor.u32 s3, s0;
	s1 =	sshll.u32 s1, $0x11  }
0xbc: {  	s0 =	sor.u32 s1, s0  }
0xbd: {  	s0 =	sadd.s32 $0x8F2B, s0  }
0xbe: {  	[sflag:s0] =	ssyncadd.remote.s32 $0x1  }
0xbf: {  	_ =	sfence.sel $0xFFFF  }
0xc0: {  	[dreg:$0x0] =	wrdreg $0xFFFFFFFF;
	(pc) =	sbr.abs _section_cstart, $3  }
0xc1: {  	[dreg:$0x1] =	wrdreg $0xFFFFFFFF  }
0xc2: {  	_ =	task.clear_ibuf [dreg:s7], $0x2FFFF;
	_ =	strace $0x9FFFFFFF  }
0xc3: {  	(tm) =	ssettm $0x7FFFFFFF  }
tec
execute0_lowered:
.L_overlay_start_1:
0x0: {  	(tag) =	ssettag $0x1  }
0x1: {  	s4 =	rddreg [dreg:$0x0]  }
0x2: {  	s6 =	rddreg [dreg:$0x1]  }
0x3: {  	s1 =	rddreg [dreg:$0x2]  }
0x4: {  	s0 =	rddreg [dreg:$0x3]  }
0x5: {  	s3 =	srdreg.scid;
	s19 =	stileid.u32;
	s2 =	simm.s32 $0x0  }
0x6: {  	s13 =	simm.s32 $0x5800;
	s14 =	simm.s32 $0x2800;
	s17 =	simm.s32 $0x1  }
0x7: {  	s18 =	simm.s32 $0x2;
	s20 =	simm.s32 $0x4F80;
	s23 =	simm.s32 $0x0  }
0x8: {  	s5 =	sand.u32 $0x1, s3;
	s25 =	sshll.u32 s19, $0x1;
	s9 =	smul.u32 $0x2780, s19  }
0x9: {  	[smem:$0x7FF] =	sst s2;
	s12 =	sadd.s32 $0x1FE00, s4;
	s26 =	smul.u32 $0x2700, s19  }
0xa: {  	s22 =	sadd.s32 $0x27000, s1;
	s15 =	sshll.u32 s19, $0x6;
	p0 =	sne.s32 s19, $0x0  }
0xb: {  	s19 =	simm.s32 $0x4F00;
	s3 =	sor.u32 s5, s25;
	_ =	strace $0x80000050  }
0xc: {  	s8 =	ssub.s32 $0x2, s5;
	s11 =	smul.u32 $0x27100, s5;
	s15 =	sor.u32 $0x1C03, s15  }
0xd: {  	s22 =	sshrl.u32 @!p0 s22, $0x3;
	s7 =	smul.u32 $0x500, s3;
	s3 =	sadd.s32 $0x1E00, s4  }
0xe: {  	s10 =	sshrl.u32 s8, $0x1;
	s16 =	sadd.s32 s9, s1;
	s28 =	sshrl.u32 s9, $0x3  }
0xf: {  	s21 =	sadd.s32 s26, s1;
	s10 =	ssub.s32 s8, s10;
	s29 =	sadd.s32 s26, s11  }
0x10: {  	s11 =	sshrl.u32 s11, $0x3;
	s6 =	sadd.s32 s6, s28;
	s16 =	sshrl.u32 s16, $0x3  }
0x11: {  	s21 =	sshrl.u32 s21, $0x3;
	s7 =	sadd.s32 s7, s4;
	s30 =	sshrl.u32 s29, $0x3  }
0x12: {  	s31 =	sadd.s32 s12, s11;
	s9 =	smax.u32 s10, $0x1;
	s10 =	simm.s32 $0x3  }
0x13: {  	s11 =	simm.s32 $0x80;
	s4 =	sadd.s32 $0xBE00, s7;
	s5 =	sadd.s32 $0x15E00, s7  }
0x14: {  	s7 =	sadd.s32 s12, s30;
	s8 =	sadd.s32 $0x4E00, s31;
	s12 =	simm.s32 $0x5000  }
.LBB2_1:
0x15: {  	[tilespmem:s2], [sflag:$0x3] =	stream.linear.gather [hbm4b:s4+s2], $0x2800, $0x38;
	[tilespmem:$0x8780] =	vst v63  }
0x16: {  	_ =	swait.ge [sflag:s10], $0x2800  }
0x17: {  	[sflag:s10] =	ssyncset.done $0x0  }
0x18: {  	[sflag:s10] =	ssyncadd.s32 $0xFFFFD800  }
0x19: {  	[tilespmem:s12], [sflag:$0x1] =	stream.indirect.gather [hbm4b:s3+s11], $0x10, s2, s11, $0xb8;
	[tilespmem:$0x8780] =	vst v63  }
0x1a: {  	_ = 	snop  }
0x1b: {  	[tilespmem:s13], [sflag:$0x2] =	stream.indirect.gather [hbm4b:s3+s11], $0x10, s11, s11, $0xb8;
	[tilespmem:$0x8780] =	vst v63  }
0x1c: {  	_ = 	snop  }
0x1d: {  	[tilespmem:s14], [sflag:$0x3] =	stream.linear.gather [hbm4b:s5+s2], $0x2800, $0x38;
	[tilespmem:$0x8780] =	vst v63  }
0x1e: {  	_ =	swait.ge [sflag:s10], $0x2800  }
0x1f: {  	[sflag:s10] =	ssyncset.done $0x0  }
0x20: {  	[sflag:s10] =	ssyncadd.s32 $0xFFFFD800  }
0x21: {  	[spmem:s16], [sflag:s15] =	dma.local [hbm:s6], $0x4F0  }
0x22: {  	_ =	swait.ge [sflag:s10], $0x4F0  }
0x23: {  	[sflag:s10] =	ssyncset.done $0x0  }
0x24: {  	[sflag:s10] =	ssyncadd.s32 $0xFFFFFB10  }
0x25: {  	[bflag:$0x0] =	sbarrier.arrive $0xFFFF  }
0x26: {  	_ =	swait.ge [sflag:s17], $0x800  }
0x27: {  	[sflag:s17] =	ssyncset.done $0x0  }
0x28: {  	s24 =	simm.s32 $0x2800;
	[sflag:s17] =	ssyncadd.s32 $0xFFFFF800  }
0x29: {  	[spmem:s1] =	stream.indirect.scatter.add.f32 [tilespmem:s12], [sflag:$0x3], $0x10, s24, s11, $0xb8;
	[tilespmem:$0x8780] =	vst v63  }
0x2a: {  	_ =	swait.ge [sflag:s10], $0x800  }
0x2b: {  	[sflag:s10] =	ssyncset.done $0x0  }
0x2c: {  	s30 =	simm.s32 $0x100;
	[sflag:s10] =	ssyncadd.s32 $0xFFFFF800  }
0x2d: {  	[tilespmem:s12], [sflag:$0x1] =	stream.indirect.gather [hbm4b:s3+s11], $0x10, s30, s11, $0xb8;
	[tilespmem:$0x8780] =	vst v63  }
0x2e: {  	_ =	swait.ge [sflag:s18], $0x800  }
0x2f: {  	[sflag:s18] =	ssyncset.done $0x0  }
0x30: {  	s31 =	simm.s32 $0x2880;
	[sflag:s18] =	ssyncadd.s32 $0xFFFFF800  }
0x31: {  	[spmem:s1] =	stream.indirect.scatter.add.f32 [tilespmem:s13], [sflag:$0x3], $0x10, s31, s11, $0xb8;
	[tilespmem:$0x8780] =	vst v63  }
0x32: {  	_ =	swait.ge [sflag:s10], $0x800  }
0x33: {  	[sflag:s10] =	ssyncset.done $0x0  }
0x34: {  	s25 =	simm.s32 $0x180;
	s24 =	simm.s32 $0x400;
	[sflag:s10] =	ssyncadd.s32 $0xFFFFF800  }
.LBB2_2:
0x35: {  	[tilespmem:s13], [sflag:$0x2] =	stream.indirect.gather [hbm4b:s3+s11], $0x10, s25, s11, $0xb8;
	[tilespmem:$0x8780] =	vst v63  }
0x36: {  	s25 =	smov.u32 s24  }
0x37: {  	p1 =	sne.s32 s24, $0x9800;
	s24 =	sadd.s32 $0x400, s24;
	_ =	swait.ge [sflag:s17], $0x800  }
0x38: {  	s25 =	sshra.s32 s25, $0x2;
	[sflag:s17] =	ssyncset.done $0x0  }
0x39: {  	s26 =	sadd.s32 $0x2800, s25;
	[sflag:s17] =	ssyncadd.s32 $0xFFFFF800  }
0x3a: {  	[spmem:s1] =	stream.indirect.scatter.add.f32 [tilespmem:s12], [sflag:$0x3], $0x10, s26, s11, $0xb8;
	[tilespmem:$0x8780] =	vst v63  }
0x3b: {  	_ =	swait.ge [sflag:s10], $0x800  }
0x3c: {  	[sflag:s10] =	ssyncset.done $0x0  }
0x3d: {  	s26 =	sadd.s32 $0x100, s25;
	[sflag:s10] =	ssyncadd.s32 $0xFFFFF800  }
0x3e: {  	[tilespmem:s12], [sflag:$0x1] =	stream.indirect.gather [hbm4b:s3+s11], $0x10, s26, s11, $0xb8;
	[tilespmem:$0x8780] =	vst v63  }
0x3f: {  	_ =	swait.ge [sflag:s18], $0x800  }
0x40: {  	[sflag:s18] =	ssyncset.done $0x0  }
.Ltmp0:
0x41: {  	s26 =	sadd.s32 $0x2880, s25;
	[sflag:s18] =	ssyncadd.s32 $0xFFFFF800;
	(pc) =	sbr.rel @p1 .LBB2_2-.Ltmp0, $4  }
0x42: {  	[spmem:s1] =	stream.indirect.scatter.add.f32 [tilespmem:s13], [sflag:$0x3], $0x10, s26, s11, $0xb8;
	[tilespmem:$0x8780] =	vst v63  }
0x43: {  	_ =	swait.ge [sflag:s10], $0x800  }
0x44: {  	[sflag:s10] =	ssyncset.done $0x0  }
0x45: {  	s25 =	sadd.s32 $0x180, s25;
	[sflag:s10] =	ssyncadd.s32 $0xFFFFF800  }
0x46: {  	[tilespmem:s13], [sflag:$0x2] =	stream.indirect.gather [hbm4b:s3+s11], $0x10, s25, s11, $0xb8;
	[tilespmem:$0x8780] =	vst v63  }
0x47: {  	_ =	swait.ge [sflag:s17], $0x800  }
0x48: {  	[sflag:s17] =	ssyncset.done $0x0  }
0x49: {  	[sflag:s17] =	ssyncadd.s32 $0xFFFFF800  }
0x4a: {  	[spmem:s1] =	stream.indirect.scatter.add.f32 [tilespmem:s12], [sflag:$0x3], $0x10, s19, s11, $0xb8;
	[tilespmem:$0x8780] =	vst v63  }
0x4b: {  	_ =	swait.ge [sflag:s10], $0x800  }
0x4c: {  	[sflag:s10] =	ssyncset.done $0x0  }
0x4d: {  	[sflag:s10] =	ssyncadd.s32 $0xFFFFF800  }
0x4e: {  	_ =	swait.ge [sflag:s18], $0x800  }
0x4f: {  	[sflag:s18] =	ssyncset.done $0x0  }
0x50: {  	[sflag:s18] =	ssyncadd.s32 $0xFFFFF800  }
0x51: {  	[spmem:s1] =	stream.indirect.scatter.add.f32 [tilespmem:s13], [sflag:$0x3], $0x10, s20, s11, $0xb8;
	[tilespmem:$0x8780] =	vst v63  }
0x52: {  	_ =	swait.ge [sflag:s10], $0x800  }
0x53: {  	[sflag:s10] =	ssyncset.done $0x0  }
0x54: {  	[sflag:s10] =	ssyncadd.s32 $0xFFFFF800  }
0x55: {  	[bflag:$0x0] =	sbarrier.arrive $0xFFFF  }
0x56: {  	[hbm:s7], [sflag:s15] =	dma.local [spmem:s21], $0x4E0  }
0x57: {  	s23 =	sadd.s32 $0x1, s23;
	_ =	swait.ge [sflag:s10], $0x4E0  }
0x58: {  	p1 =	sne.s32 s23, s9;
	[sflag:s10] =	ssyncset.done $0x0  }
.Ltmp1:
0x59: {  	s24 =	simm.s32 @!p0 $0x3;
	[sflag:s10] =	ssyncadd.s32 $0xFFFFFB20;
	(pc) =	sbr.rel @p1 .LBB2_1-.Ltmp1, $4  }
0x5a: {  	[hbm:s8], [sflag:s15] =	dma.local @!p0 [spmem:s22], $0x20  }
0x5b: {  	_ =	swait.ge @!p0 [sflag:s24], $0x20  }
0x5c: {  	[sflag:s24] =	ssyncset.done @!p0 $0x0  }
0x5d: {  	[sflag:s24] =	ssyncadd.s32 @!p0 $0xFFFFFFE0  }
0x5e: {  	_ =	sfence.sel $0x180000  }
0x5f: {  	[bflag:$0x0] =	sbarrier.arrive $0xFFFF  }
0x60: {  	_ =	strace $0x90000050  }
0x61: {  	s0 =	sadd.s32 @!p0 $0x100000, s0;
	[bflag:$0x2] =	sbarrier.arrive $0xFFFF  }
0x62: {  	[sflag:s0] =	ssyncadd.tile.s32 @!p0 $0x1;
	_ =	shalt  }
.Lfunc_end2:
_tile_overlayer_lowered:
.L_overlay_start_2:
0x63: {  	(tag) =	ssettag $0x2  }
0x64: {  	s0 =	rddreg [dreg:$0x0];
	s2 =	stileid.u32  }
0x65: {  	s1 =	rddreg [dreg:$0x1];
	p0 =	sne.s32 s2, $0x0  }
0x66: {  	s3 =	rddreg [dreg:$0x2];
	[bflag:$0x3] =	sbarrier.arrive $0xFFFF;
	s2 =	simm.s32 @!p0 $0x1C03  }
0x67: {  	[timem:s3], [sflag:s2] =	dma.local @!p0 [hbm:s0], s1  }
0x68: {  	s0 =	simm.s32 @!p0 $0x3  }
0x69: {  	_ =	swait.ge @!p0 [sflag:s0], s1  }
0x6a: {  	s1 =	ssub.s32 @!p0 $0x0, s1;
	[sflag:s0] =	ssyncset.done @!p0 $0x0  }
0x6b: {  	[sflag:s0] =	ssyncadd.s32 @!p0 s1  }
0x6c: {  	[bflag:$0x3] =	sbarrier.arrive $0xFFFF  }
0x6d: {  	_ =	shalt  }

</sc_bundles>
